<compile_context>
chip_gen: v7x
topology: tpu7x:2x2x1
jax: 0.10.2.dev20260603
libtpu: 0.0.44.dev20260713+nightly
codegen_flags: <defaults>
</compile_context>

<pallas_src>
import jax
import jax.numpy as jnp
from jax import lax
from jax.experimental import pallas as pl
from jax.experimental.pallas import tpu as pltpu
from jax.experimental.pallas import tpu_sc as plsc

NC, NS = 2, 16
NW = NC * NS
LANE = 16
CHUNK = 128
IB = 16


def _sc_scatter_add(table, idx3, npad, rt):
    mesh = plsc.VectorSubcoreMesh(
        core_axis_name="c", subcore_axis_name="s",
        num_cores=NC, num_subcores=NS)
    zrows = npad // NS
    nblk = rt // IB

    def body(table_hbm, idx_hbm, out_hbm,
             ibuf, vals, acc, isem,
             gsem0, gsem1, gsem2, gsem3, gsem4, gsem5, gsem6, gsem7,
             ssem0, ssem1, ssem2, ssem3, ssem4, ssem5, ssem6, ssem7):
        c = lax.axis_index("c")
        s = lax.axis_index("s")
        wid = c * NS + s
        def zv(k, carry):
            vals[0, k, :] = jnp.zeros((LANE,), jnp.float32)
            return carry
        lax.fori_loop(0, CHUNK, zv, 0)
        def zcp(i, carry):
            pltpu.sync_copy(vals.at[0],
                            acc.at[pl.ds(s * zrows + i * CHUNK, CHUNK)])
            return carry
        lax.fori_loop(0, zrows // CHUNK, zcp, 0)
        plsc.subcore_barrier()

        base = wid * rt
        gsems = [gsem0, gsem1, gsem2, gsem3, gsem4, gsem5, gsem6, gsem7]
        ssems = [ssem0, ssem1, ssem2, ssem3, ssem4, ssem5, ssem6, ssem7]
        ND = 8

        pltpu.async_copy(idx_hbm.at[:, pl.ds(base, IB)], ibuf.at[0],
                         isem).wait()

        def outer(ob, carry):
            pb = lax.rem(ob, 2)
            cur = ibuf.at[pb]
            nxt = ibuf.at[1 - pb]

            nob = jnp.minimum(ob + 1, nblk - 1)
            nd = pltpu.async_copy(
                idx_hbm.at[:, pl.ds(base + nob * IB, IB)], nxt, isem)

            LOOKAHEAD = ND - 1
            descs_g = [None] * IB
            descs_s = [None] * IB
            for j in range(LOOKAHEAD):
                descs_g[j] = pltpu.async_copy(
                    table_hbm.at[cur.at[1, j]], vals.at[j % ND], gsems[j % ND])
            for j in range(IB):
                b = j % ND
                if j >= 1:
                    descs_s[j - 1].wait()
                if j + LOOKAHEAD < IB:
                    descs_g[j + LOOKAHEAD] = pltpu.async_copy(
                        table_hbm.at[cur.at[1, j + LOOKAHEAD]],
                        vals.at[(j + LOOKAHEAD) % ND],
                        gsems[(j + LOOKAHEAD) % ND])
                descs_g[j].wait()
                descs_s[j] = pltpu.async_copy(
                    vals.at[b], acc.at[cur.at[0, j]], ssems[b], add=True)
            descs_s[IB - 1].wait()
            nd.wait()
            return carry

        lax.fori_loop(0, nblk, outer, 0)
        plsc.subcore_barrier()
        pltpu.sync_copy(acc.at[pl.ds(s * zrows, zrows)],
                        out_hbm.at[c, pl.ds(s * zrows, zrows)])

    f = pl.kernel(
        body,
        out_type=jax.ShapeDtypeStruct((NC, npad, LANE), jnp.float32),
        mesh=mesh,
        scratch_types=[
            pltpu.VMEM((2, 2, IB, CHUNK), jnp.int32),
            pltpu.VMEM((8, CHUNK, LANE), jnp.float32),
            pltpu.VMEM_SHARED((npad, LANE), jnp.float32),
            pltpu.SemaphoreType.DMA,
            pltpu.SemaphoreType.DMA,
            pltpu.SemaphoreType.DMA,
            pltpu.SemaphoreType.DMA,
            pltpu.SemaphoreType.DMA,
            pltpu.SemaphoreType.DMA,
            pltpu.SemaphoreType.DMA,
            pltpu.SemaphoreType.DMA,
            pltpu.SemaphoreType.DMA,
            pltpu.SemaphoreType.DMA,
            pltpu.SemaphoreType.DMA,
            pltpu.SemaphoreType.DMA,
            pltpu.SemaphoreType.DMA,
            pltpu.SemaphoreType.DMA,
            pltpu.SemaphoreType.DMA,
            pltpu.SemaphoreType.DMA,
            pltpu.SemaphoreType.DMA,
        ],
        compiler_params=pltpu.CompilerParams(use_tc_tiling_on_sc=False),
    )
    return f(table, idx3)


def _tc_normalize_t(partial, npad):
    blk = npad // 49

    def body(p_ref, o_ref):
        p = p_ref[...]
        ssum = p[0] + p[1]
        deg = jnp.maximum(ssum[:, 8:9], 1.0)
        o_ref[...] = (ssum[:, 0:8] / deg).T

    return pl.pallas_call(
        body,
        grid=(49,),
        in_specs=[pl.BlockSpec((NC, blk, LANE), lambda i: (0, i, 0))],
        out_specs=pl.BlockSpec((8, blk), lambda i: (0, i)),
        out_shape=jax.ShapeDtypeStruct((8, npad), jnp.float32),
    )(partial)


def _tc_mlp(x_bm, w1col, b1col, w2col, b2, npad):
    h = w1col.shape[0]

    def body(x_ref, w1_ref, b1_ref, w2_ref, b2_ref, o_ref):
        xv = x_ref[...][:, None, :]
        w1v = w1_ref[...][None, :, 0:1]
        b1v = b1_ref[...][None, :, 0:1]
        hid = xv * w1v + b1v
        z = jnp.abs(hid) * 0.7071067811865476
        t = 1.0 / (1.0 + 0.3275911 * z)
        poly = t * (0.254829592 + t * (-0.284496736 + t * (
            1.421413741 + t * (-1.453152027 + t * 1.061405429))))
        erfz = 1.0 - poly * jnp.exp(-z * z)
        serf = jnp.where(hid >= 0, erfz, -erfz)
        g = 0.5 * hid * (1.0 + serf)
        y = jnp.sum(g * w2_ref[...][None, :, 0:1], axis=1)
        o_ref[...] = y + b2_ref[0]

    return pl.pallas_call(
        body,
        grid=(npad // 128,),
        in_specs=[
            pl.BlockSpec((8, 128), lambda i: (0, i)),
            pl.BlockSpec((h, 1), lambda i: (0, 0)),
            pl.BlockSpec((h, 1), lambda i: (0, 0)),
            pl.BlockSpec((h, 1), lambda i: (0, 0)),
            pl.BlockSpec(memory_space=pltpu.SMEM),
        ],
        out_specs=pl.BlockSpec((8, 128), lambda i: (0, i)),
        out_shape=jax.ShapeDtypeStruct((8, npad), jnp.float32),
    )(x_bm, w1col, b1col, w2col, b2)


def kernel(mu, edge_index, W1, b1, W2, b2):
    B, N = mu.shape
    E = edge_index.shape[1]
    H = W1.shape[0]

    npad = 100352
    rt = 784
    e_pad = NW * rt * CHUNK - E

    mu_t = mu.T
    table = jnp.concatenate(
        [mu_t, jnp.ones((N, 1), jnp.float32),
         jnp.zeros((N, LANE - B - 1), jnp.float32)], axis=1)

    pad_idx = jnp.stack([jnp.full((e_pad,), N, jnp.int32),
                         jnp.zeros((e_pad,), jnp.int32)])
    idx3 = jnp.concatenate([edge_index, pad_idx], axis=1).reshape(
        2, NW * rt, CHUNK)
    partial = _sc_scatter_add(table, idx3, npad, rt)
    x_bm = _tc_normalize_t(partial, npad)
    y = _tc_mlp(x_bm, W1, b1.reshape(H, 1), W2.reshape(H, 1), b2, npad)
    return y[:, :N]

# --- scband reference (transcript-rebuilt; emitter-appended) ---
"""Pipeline reference for scband-py-glaplacian-refiner-17910013624467 (READ-ONLY COPY).

The authoritative reference and input builder live on the scoring server;
editing this copy changes nothing except your own understanding.
"""

import jax, jax.numpy as jnp
import numpy as np

B, N, E, H = 8, 100000, 3200000, 128


def setup_inputs(seed: int = 0) -> dict:
    key = jax.random.key(seed)
    k1, k2, k3, k4 = jax.random.split(key, 4)
    mu = jax.random.normal(k1, (B, N), dtype=jnp.float32)
    edge_index = jax.random.randint(k2, (2, E), 0, N, dtype=jnp.int32)
    # Parameters of nn.Sequential(Linear(1,H), GELU, Linear(H,1)), torch layout W:[out,in]
    W1 = jax.random.normal(k3, (H, 1), dtype=jnp.float32) * 0.1
    b1 = jnp.zeros((H,), dtype=jnp.float32)
    W2 = jax.random.normal(k4, (1, H), dtype=jnp.float32) * 0.1
    b2 = jnp.zeros((1,), dtype=jnp.float32)
    return {"mu": mu, "edge_index": edge_index, "W1": W1, "b1": b1, "W2": W2, "b2": b2}


def reference(mu, edge_index, W1, b1, W2, b2):
    row = edge_index[0]
    col = edge_index[1]
    n = mu.shape[1]
    # degree via scatter-add of ones on row, clamped at 1.0
    deg = jnp.zeros((n,), dtype=mu.dtype).at[row].add(jnp.ones_like(row, dtype=mu.dtype))
    deg = jnp.clip(deg, 1.0, None)
    # vectorized over batch: agg[b].scatter_add_(0, row, mu[b][col])
    agg = jnp.zeros_like(mu).at[:, row].add(mu[:, col])
    out = agg / deg[None, :]
    # mlp on trailing scalar dim: Linear(1,H) -> GELU(exact) -> Linear(H,1)
    h = out[..., None] @ W1.T + b1
    h = jax.nn.gelu(h, approximate=False)
    y = h @ W2.T + b2
    return y[..., 0]

if __name__ == "__main__":
    import jax
    _d = setup_inputs()
    print(jax.jit(kernel)(*tuple(_d.values())))

</pallas_src>

<mosaic_0001>
#map = affine_map<(d0, d1) -> (0, 0)>
#map1 = affine_map<(d0, d1) -> (0, 0, 0)>
module attributes {stable_mosaic.version = 14 : i64} {
  func.func @body(%arg0: i32, %arg1: i32, %arg2: memref<100000x16xf32, #tpu.memory_space<hbm>>, %arg3: memref<2x25088x128xi32, #tpu.memory_space<hbm>>, %arg4: memref<2x100352x16xf32, #tpu.memory_space<hbm>>, %arg5: memref<2x2x16x128xi32, #tpu.memory_space<vmem>>, %arg6: memref<8x128x16xf32, #tpu.memory_space<vmem>>, %arg7: memref<100352x16xf32, #tpu.memory_space<vmem_shared>>, %arg8: memref<!tpu.dma_semaphore, #tpu.memory_space<semaphore_mem>>, %arg9: memref<!tpu.dma_semaphore, #tpu.memory_space<semaphore_mem>>, %arg10: memref<!tpu.dma_semaphore, #tpu.memory_space<semaphore_mem>>, %arg11: memref<!tpu.dma_semaphore, #tpu.memory_space<semaphore_mem>>, %arg12: memref<!tpu.dma_semaphore, #tpu.memory_space<semaphore_mem>>, %arg13: memref<!tpu.dma_semaphore, #tpu.memory_space<semaphore_mem>>, %arg14: memref<!tpu.dma_semaphore, #tpu.memory_space<semaphore_mem>>, %arg15: memref<!tpu.dma_semaphore, #tpu.memory_space<semaphore_mem>>, %arg16: memref<!tpu.dma_semaphore, #tpu.memory_space<semaphore_mem>>, %arg17: memref<!tpu.dma_semaphore, #tpu.memory_space<semaphore_mem>>, %arg18: memref<!tpu.dma_semaphore, #tpu.memory_space<semaphore_mem>>, %arg19: memref<!tpu.dma_semaphore, #tpu.memory_space<semaphore_mem>>, %arg20: memref<!tpu.dma_semaphore, #tpu.memory_space<semaphore_mem>>, %arg21: memref<!tpu.dma_semaphore, #tpu.memory_space<semaphore_mem>>, %arg22: memref<!tpu.dma_semaphore, #tpu.memory_space<semaphore_mem>>, %arg23: memref<!tpu.dma_semaphore, #tpu.memory_space<semaphore_mem>>, %arg24: memref<!tpu.dma_semaphore, #tpu.memory_space<semaphore_mem>>) attributes {dimension_semantics = [#tpu.dimension_semantics<core_parallel>, #tpu.dimension_semantics<subcore_parallel>], iteration_bounds = array<i64: 2, 16>, scalar_prefetch = 0 : i64, scratch_operands = 20 : i64, tpu.core_type = #tpu.core_type<sc_vector_subcore>, window_params = [{transform_indices = #map}, {transform_indices = #map1}, {transform_indices = #map1}]} {
    %mul3A = arith.constant 16 : i32
    %mul3A_0 = arith.muli %arg0, %mul3A : i32
    %add3A = arith.addi %mul3A_0, %arg1 : i32
    %scan3A = arith.constant 0 : i32
    %scan3A_1 = arith.constant 0 : i32
    %scan3A_2 = arith.constant 128 : i32
    %scan3A_3 = arith.addi %scan3A_1, %scan3A_2 : i32
    %scan3A_4 = arith.constant 1 : i32
    scf.for %scan3A_57 = %scan3A_1 to %scan3A_3 step %scan3A_4  : i32 {
      %broadcast_in_dim3A = arith.constant 0.000000e+00 : f32
      %broadcast_in_dim3A_58 = vector.broadcast %broadcast_in_dim3A : f32 to vector<16xf32>
      %swap3A = arith.constant 0 : i32
      %swap3A_59 = arith.index_cast %swap3A : i32 to index
      %swap3A_60 = arith.index_cast %scan3A_57 : i32 to index
      %swap3A_61 = arith.constant 0 : index
      %swap3A_62 = tpu.vector_load %arg6[%swap3A_59, %swap3A_60, %swap3A_61] {strides = array<i32>} : memref<8x128x16xf32, #tpu.memory_space<vmem>>, vector<1x1x16xf32>,
      %swap3A_63 = vector.shape_cast %swap3A_62 : vector<1x1x16xf32> to vector<16xf32>
      %swap3A_64 = vector.shape_cast %broadcast_in_dim3A_58 : vector<16xf32> to vector<1x1x16xf32>
      tpu.vector_store %arg6[%swap3A_59, %swap3A_60, %swap3A_61], %swap3A_64 {strides = array<i32>} : memref<8x128x16xf32, #tpu.memory_space<vmem>>, vector<1x1x16xf32>,
    }
    %scan3A_5 = arith.constant 128 : i32
    %scan3A_6 = arith.constant 0 : i32
    %scan3A_7 = arith.constant 0 : i32
    %scan3A_8 = arith.constant 49 : i32
    %scan3A_9 = arith.addi %scan3A_7, %scan3A_8 : i32
    %scan3A_10 = arith.constant 1 : i32
    scf.for %scan3A_57 = %scan3A_7 to %scan3A_9 step %scan3A_10  : i32 {
      %mul3A_58 = arith.constant 6272 : i32
      %mul3A_59 = arith.muli %arg1, %mul3A_58 : i32
      %mul3A_60 = arith.constant 128 : i32
      %mul3A_61 = arith.muli %scan3A_57, %mul3A_60 : i32
      %add3A_62 = arith.addi %mul3A_59, %mul3A_61 : i32
      %run_scoped3A = arith.constant 0 : i32
      "tpu.region"() ({
        %run_scoped3A_63 = tpu.sem_alloc : memref<!tpu.dma_semaphore, #tpu.memory_space<semaphore_mem>>
        %dma_start3A_64 = arith.constant 0 : i32
        %dma_start3A_65 = arith.constant 0 : i32
        %dma_start3A_66 = tpu.memref_slice %arg6[%run_scoped3A, %dma_start3A_64, %dma_start3A_65] : memref<8x128x16xf32, #tpu.memory_space<vmem>> -> memref<1x128x16xf32, #tpu.memory_space<vmem>>
        %dma_start3A_67 = tpu.memref_squeeze %dma_start3A_66 : memref<1x128x16xf32, #tpu.memory_space<vmem>> -> memref<128x16xf32, #tpu.memory_space<vmem>>
        %dma_start3A_68 = arith.constant 0 : i32
        %dma_start3A_69 = tpu.memref_slice %arg7[%add3A_62, %dma_start3A_68] : memref<100352x16xf32, #tpu.memory_space<vmem_shared>> -> memref<128x16xf32, #tpu.memory_space<vmem_shared>>
        %dma_start3A_70 = arith.constant 0 : i32
        %dma_start3A_71 = tpu.memref_slice %arg7[%add3A_62, %dma_start3A_70] : memref<100352x16xf32, #tpu.memory_space<vmem_shared>> -> memref<128x16xf32, #tpu.memory_space<vmem_shared>>
        %dma_start3A_72 = arith.constant 0 : i32
        %dma_start3A_73 = arith.constant 0 : i32
        %dma_start3A_74 = tpu.memref_slice %arg6[%run_scoped3A, %dma_start3A_72, %dma_start3A_73] : memref<8x128x16xf32, #tpu.memory_space<vmem>> -> memref<1x128x16xf32, #tpu.memory_space<vmem>>
        %dma_start3A_75 = tpu.memref_squeeze %dma_start3A_74 : memref<1x128x16xf32, #tpu.memory_space<vmem>> -> memref<128x16xf32, #tpu.memory_space<vmem>>
        tpu.enqueue_dma source(%dma_start3A_75 : memref<128x16xf32, #tpu.memory_space<vmem>>) target(%dma_start3A_71 : memref<128x16xf32, #tpu.memory_space<vmem_shared>>) target_semaphore(%run_scoped3A_63 : memref<!tpu.dma_semaphore, #tpu.memory_space<semaphore_mem>>)
        %dma_wait3A_76 = arith.constant 0 : i32
        %dma_wait3A_77 = arith.constant 0 : i32
        %dma_wait3A_78 = tpu.memref_slice %arg6[%run_scoped3A, %dma_wait3A_76, %dma_wait3A_77] : memref<8x128x16xf32, #tpu.memory_space<vmem>> -> memref<1x128x16xf32, #tpu.memory_space<vmem>>
        %dma_wait3A_79 = tpu.memref_squeeze %dma_wait3A_78 : memref<1x128x16xf32, #tpu.memory_space<vmem>> -> memref<128x16xf32, #tpu.memory_space<vmem>>
        %dma_wait3A_80 = arith.constant 0 : i32
        %dma_wait3A_81 = tpu.memref_slice %arg7[%add3A_62, %dma_wait3A_80] : memref<100352x16xf32, #tpu.memory_space<vmem_shared>> -> memref<128x16xf32, #tpu.memory_space<vmem_shared>>
        %dma_wait3A_82 = arith.constant 0 : i32
        %dma_wait3A_83 = tpu.memref_slice %arg7[%add3A_62, %dma_wait3A_82] : memref<100352x16xf32, #tpu.memory_space<vmem_shared>> -> memref<128x16xf32, #tpu.memory_space<vmem_shared>>
        %dma_wait3A_84 = arith.constant 0 : i32
        %dma_wait3A_85 = arith.constant 0 : i32
        %dma_wait3A_86 = tpu.memref_slice %arg6[%run_scoped3A, %dma_wait3A_84, %dma_wait3A_85] : memref<8x128x16xf32, #tpu.memory_space<vmem>> -> memref<1x128x16xf32, #tpu.memory_space<vmem>>
        %dma_wait3A_87 = tpu.memref_squeeze %dma_wait3A_86 : memref<1x128x16xf32, #tpu.memory_space<vmem>> -> memref<128x16xf32, #tpu.memory_space<vmem>>
        tpu.wait_dma2 semaphore(%run_scoped3A_63 : memref<!tpu.dma_semaphore, #tpu.memory_space<semaphore_mem>>) src(%dma_wait3A_87 : memref<128x16xf32, #tpu.memory_space<vmem>>) dst(%dma_wait3A_83 : memref<128x16xf32, #tpu.memory_space<vmem_shared>>)
        tpu.yield
      }) : () -> ()
    }
    %scan3A_11 = arith.constant 49 : i32
    %barrier3A = arith.constant 0 : index
    tpu.barrier barrier_id(%barrier3A)
    %mul3A_12 = arith.constant 784 : i32
    %mul3A_13 = arith.muli %add3A, %mul3A_12 : i32
    %dma_start3A = arith.constant 0 : i32
    %dma_start3A_14 = arith.constant 0 : i32
    %dma_start3A_15 = arith.constant 0 : i32
    %dma_start3A_16 = arith.constant 0 : i32
    %dma_start3A_17 = tpu.memref_slice %arg5[%dma_start3A, %dma_start3A_14, %dma_start3A_15, %dma_start3A_16] : memref<2x2x16x128xi32, #tpu.memory_space<vmem>> -> memref<1x2x16x128xi32, #tpu.memory_space<vmem>>
    %dma_start3A_18 = tpu.memref_squeeze %dma_start3A_17 : memref<1x2x16x128xi32, #tpu.memory_space<vmem>> -> memref<2x16x128xi32, #tpu.memory_space<vmem>>
    %dma_start3A_19 = arith.constant 0 : i32
    %dma_start3A_20 = arith.constant 0 : i32
    %dma_start3A_21 = tpu.memref_slice %arg3[%dma_start3A_19, %mul3A_13, %dma_start3A_20] : memref<2x25088x128xi32, #tpu.memory_space<hbm>> -> memref<2x16x128xi32, #tpu.memory_space<hbm>>
    %dma_start3A_22 = arith.constant 0 : i32
    %dma_start3A_23 = arith.constant 0 : i32
    %dma_start3A_24 = arith.constant 0 : i32
    %dma_start3A_25 = tpu.memref_slice %arg5[%dma_start3A, %dma_start3A_22, %dma_start3A_23, %dma_start3A_24] : memref<2x2x16x128xi32, #tpu.memory_space<vmem>> -> memref<1x2x16x128xi32, #tpu.memory_space<vmem>>
    %dma_start3A_26 = tpu.memref_squeeze %dma_start3A_25 : memref<1x2x16x128xi32, #tpu.memory_space<vmem>> -> memref<2x16x128xi32, #tpu.memory_space<vmem>>
    %dma_start3A_27 = arith.constant 0 : i32
    %dma_start3A_28 = arith.constant 0 : i32
    %dma_start3A_29 = tpu.memref_slice %arg3[%dma_start3A_27, %mul3A_13, %dma_start3A_28] : memref<2x25088x128xi32, #tpu.memory_space<hbm>> -> memref<2x16x128xi32, #tpu.memory_space<hbm>>
    tpu.enqueue_dma source(%dma_start3A_29 : memref<2x16x128xi32, #tpu.memory_space<hbm>>) target(%dma_start3A_26 : memref<2x16x128xi32, #tpu.memory_space<vmem>>) target_semaphore(%arg8 : memref<!tpu.dma_semaphore, #tpu.memory_space<semaphore_mem>>)
    %dma_wait3A = arith.constant 0 : i32
    %dma_wait3A_30 = arith.constant 0 : i32
    %dma_wait3A_31 = arith.constant 0 : i32
    %dma_wait3A_32 = arith.constant 0 : i32
    %dma_wait3A_33 = tpu.memref_slice %arg5[%dma_wait3A, %dma_wait3A_30, %dma_wait3A_31, %dma_wait3A_32] : memref<2x2x16x128xi32, #tpu.memory_space<vmem>> -> memref<1x2x16x128xi32, #tpu.memory_space<vmem>>
    %dma_wait3A_34 = tpu.memref_squeeze %dma_wait3A_33 : memref<1x2x16x128xi32, #tpu.memory_space<vmem>> -> memref<2x16x128xi32, #tpu.memory_space<vmem>>
    %dma_wait3A_35 = arith.constant 0 : i32
    %dma_wait3A_36 = arith.constant 0 : i32
    %dma_wait3A_37 = tpu.memref_slice %arg3[%dma_wait3A_35, %mul3A_13, %dma_wait3A_36] : memref<2x25088x128xi32, #tpu.memory_space<hbm>> -> memref<2x16x128xi32, #tpu.memory_space<hbm>>
    %dma_wait3A_38 = arith.constant 0 : i32
    %dma_wait3A_39 = arith.constant 0 : i32
    %dma_wait3A_40 = arith.constant 0 : i32
    %dma_wait3A_41 = tpu.memref_slice %arg5[%dma_wait3A, %dma_wait3A_38, %dma_wait3A_39, %dma_wait3A_40] : memref<2x2x16x128xi32, #tpu.memory_space<vmem>> -> memref<1x2x16x128xi32, #tpu.memory_space<vmem>>
    %dma_wait3A_42 = tpu.memref_squeeze %dma_wait3A_41 : memref<1x2x16x128xi32, #tpu.memory_space<vmem>> -> memref<2x16x128xi32, #tpu.memory_space<vmem>>
    %dma_wait3A_43 = arith.constant 0 : i32
    %dma_wait3A_44 = arith.constant 0 : i32
    %dma_wait3A_45 = tpu.memref_slice %arg3[%dma_wait3A_43, %mul3A_13, %dma_wait3A_44] : memref<2x25088x128xi32, #tpu.memory_space<hbm>> -> memref<2x16x128xi32, #tpu.memory_space<hbm>>
    tpu.wait_dma2 semaphore(%arg8 : memref<!tpu.dma_semaphore, #tpu.memory_space<semaphore_mem>>) src(%dma_wait3A_45 : memref<2x16x128xi32, #tpu.memory_space<hbm>>) dst(%dma_wait3A_42 : memref<2x16x128xi32, #tpu.memory_space<vmem>>)
    %scan3A_46 = arith.constant 0 : i32
    %scan3A_47 = arith.constant 0 : i32
    %scan3A_48 = arith.constant 49 : i32
    %scan3A_49 = arith.addi %scan3A_47, %scan3A_48 : i32
    %scan3A_50 = arith.constant 1 : i32
    scf.for %scan3A_57 = %scan3A_47 to %scan3A_49 step %scan3A_50  : i32 {
      %rem3A = arith.constant 2 : i32
      %rem3A_58 = arith.remsi %scan3A_57, %rem3A : i32
      %sub3A = arith.constant 1 : i32
      %sub3A_59 = arith.subi %sub3A, %rem3A_58 : i32
      %add3A_60 = arith.constant 1 : i32
      %add3A_61 = arith.addi %scan3A_57, %add3A_60 : i32
      %min3A = arith.constant 48 : i32
      %min3A_62 = arith.minsi %add3A_61, %min3A : i32
      %mul3A_63 = arith.constant 16 : i32
      %mul3A_64 = arith.muli %min3A_62, %mul3A_63 : i32
      %add3A_65 = arith.addi %mul3A_13, %mul3A_64 : i32
      %dma_start3A_66 = arith.constant 0 : i32
      %dma_start3A_67 = arith.constant 0 : i32
      %dma_start3A_68 = arith.constant 0 : i32
      %dma_start3A_69 = tpu.memref_slice %arg5[%sub3A_59, %dma_start3A_66, %dma_start3A_67, %dma_start3A_68] : memref<2x2x16x128xi32, #tpu.memory_space<vmem>> -> memref<1x2x16x128xi32, #tpu.memory_space<vmem>>
      %dma_start3A_70 = tpu.memref_squeeze %dma_start3A_69 : memref<1x2x16x128xi32, #tpu.memory_space<vmem>> -> memref<2x16x128xi32, #tpu.memory_space<vmem>>
      %dma_start3A_71 = arith.constant 0 : i32
      %dma_start3A_72 = arith.constant 0 : i32
      %dma_start3A_73 = tpu.memref_slice %arg3[%dma_start3A_71, %add3A_65, %dma_start3A_72] : memref<2x25088x128xi32, #tpu.memory_space<hbm>> -> memref<2x16x128xi32, #tpu.memory_space<hbm>>
      %dma_start3A_74 = arith.constant 0 : i32
      %dma_start3A_75 = arith.constant 0 : i32
      %dma_start3A_76 = arith.constant 0 : i32
      %dma_start3A_77 = tpu.memref_slice %arg5[%sub3A_59, %dma_start3A_74, %dma_start3A_75, %dma_start3A_76] : memref<2x2x16x128xi32, #tpu.memory_space<vmem>> -> memref<1x2x16x128xi32, #tpu.memory_space<vmem>>
      %dma_start3A_78 = tpu.memref_squeeze %dma_start3A_77 : memref<1x2x16x128xi32, #tpu.memory_space<vmem>> -> memref<2x16x128xi32, #tpu.memory_space<vmem>>
      %dma_start3A_79 = arith.constant 0 : i32
      %dma_start3A_80 = arith.constant 0 : i32
      %dma_start3A_81 = tpu.memref_slice %arg3[%dma_start3A_79, %add3A_65, %dma_start3A_80] : memref<2x25088x128xi32, #tpu.memory_space<hbm>> -> memref<2x16x128xi32, #tpu.memory_space<hbm>>
      tpu.enqueue_dma source(%dma_start3A_81 : memref<2x16x128xi32, #tpu.memory_space<hbm>>) target(%dma_start3A_78 : memref<2x16x128xi32, #tpu.memory_space<vmem>>) target_semaphore(%arg8 : memref<!tpu.dma_semaphore, #tpu.memory_space<semaphore_mem>>)
      %dma_start3A_82 = arith.constant 1 : i32
      %dma_start3A_83 = arith.constant 0 : i32
      %dma_start3A_84 = arith.constant 0 : i32
      %dma_start3A_85 = arith.constant 0 : i32
      %dma_start3A_86 = arith.constant 0 : i32
      %dma_start3A_87 = tpu.memref_slice %arg6[%dma_start3A_84, %dma_start3A_85, %dma_start3A_86] : memref<8x128x16xf32, #tpu.memory_space<vmem>> -> memref<1x128x16xf32, #tpu.memory_space<vmem>>
      %dma_start3A_88 = tpu.memref_squeeze %dma_start3A_87 : memref<1x128x16xf32, #tpu.memory_space<vmem>> -> memref<128x16xf32, #tpu.memory_space<vmem>>
      %dma_start3A_89 = arith.constant 0 : i32
      %dma_start3A_90 = arith.constant 0 : i32
      %dma_start3A_91 = arith.constant 0 : i32
      %dma_start3A_92 = tpu.memref_slice %arg5[%rem3A_58, %dma_start3A_89, %dma_start3A_90, %dma_start3A_91] : memref<2x2x16x128xi32, #tpu.memory_space<vmem>> -> memref<1x2x16x128xi32, #tpu.memory_space<vmem>>
      %dma_start3A_93 = tpu.memref_squeeze %dma_start3A_92 : memref<1x2x16x128xi32, #tpu.memory_space<vmem>> -> memref<2x16x128xi32, #tpu.memory_space<vmem>>
      %dma_start3A_94 = arith.constant 0 : i32
      %dma_start3A_95 = tpu.memref_slice %dma_start3A_93[%dma_start3A_82, %dma_start3A_83, %dma_start3A_94] : memref<2x16x128xi32, #tpu.memory_space<vmem>> -> memref<1x1x128xi32, #tpu.memory_space<vmem>>
      %dma_start3A_96 = tpu.memref_squeeze %dma_start3A_95 : memref<1x1x128xi32, #tpu.memory_space<vmem>> -> memref<128xi32, #tpu.memory_space<vmem>>
      %dma_start3A_97 = arith.constant 0 : i32
      %dma_start3A_98 = arith.constant 0 : i32
      %dma_start3A_99 = tpu.memref_slice %arg2[%dma_start3A_97, %dma_start3A_98] : memref<100000x16xf32, #tpu.memory_space<hbm>> -> memref<100000x16xf32, #tpu.memory_space<hbm>>
      tpu.enqueue_indirect_dma source(%dma_start3A_99 : memref<100000x16xf32, #tpu.memory_space<hbm>>) target(%dma_start3A_88 : memref<128x16xf32, #tpu.memory_space<vmem>>) offsets(%dma_start3A_96 : memref<128xi32, #tpu.memory_space<vmem>>) semaphore(%arg9 : memref<!tpu.dma_semaphore, #tpu.memory_space<semaphore_mem>>)
      %dma_start3A_100 = arith.constant 1 : i32
      %dma_start3A_101 = arith.constant 1 : i32
      %dma_start3A_102 = arith.constant 1 : i32
      %dma_start3A_103 = arith.constant 0 : i32
      %dma_start3A_104 = arith.constant 0 : i32
      %dma_start3A_105 = tpu.memref_slice %arg6[%dma_start3A_102, %dma_start3A_103, %dma_start3A_104] : memref<8x128x16xf32, #tpu.memory_space<vmem>> -> memref<1x128x16xf32, #tpu.memory_space<vmem>>
      %dma_start3A_106 = tpu.memref_squeeze %dma_start3A_105 : memref<1x128x16xf32, #tpu.memory_space<vmem>> -> memref<128x16xf32, #tpu.memory_space<vmem>>
      %dma_start3A_107 = arith.constant 0 : i32
      %dma_start3A_108 = arith.constant 0 : i32
      %dma_start3A_109 = arith.constant 0 : i32
      %dma_start3A_110 = tpu.memref_slice %arg5[%rem3A_58, %dma_start3A_107, %dma_start3A_108, %dma_start3A_109] : memref<2x2x16x128xi32, #tpu.memory_space<vmem>> -> memref<1x2x16x128xi32, #tpu.memory_space<vmem>>
      %dma_start3A_111 = tpu.memref_squeeze %dma_start3A_110 : memref<1x2x16x128xi32, #tpu.memory_space<vmem>> -> memref<2x16x128xi32, #tpu.memory_space<vmem>>
      %dma_start3A_112 = arith.constant 0 : i32
      %dma_start3A_113 = tpu.memref_slice %dma_start3A_111[%dma_start3A_100, %dma_start3A_101, %dma_start3A_112] : memref<2x16x128xi32, #tpu.memory_space<vmem>> -> memref<1x1x128xi32, #tpu.memory_space<vmem>>
      %dma_start3A_114 = tpu.memref_squeeze %dma_start3A_113 : memref<1x1x128xi32, #tpu.memory_space<vmem>> -> memref<128xi32, #tpu.memory_space<vmem>>
      %dma_start3A_115 = arith.constant 0 : i32
      %dma_start3A_116 = arith.constant 0 : i32
      %dma_start3A_117 = tpu.memref_slice %arg2[%dma_start3A_115, %dma_start3A_116] : memref<100000x16xf32, #tpu.memory_space<hbm>> -> memref<100000x16xf32, #tpu.memory_space<hbm>>
      tpu.enqueue_indirect_dma source(%dma_start3A_117 : memref<100000x16xf32, #tpu.memory_space<hbm>>) target(%dma_start3A_106 : memref<128x16xf32, #tpu.memory_space<vmem>>) offsets(%dma_start3A_114 : memref<128xi32, #tpu.memory_space<vmem>>) semaphore(%arg10 : memref<!tpu.dma_semaphore, #tpu.memory_space<semaphore_mem>>)
      %dma_start3A_118 = arith.constant 1 : i32
      %dma_start3A_119 = arith.constant 2 : i32
      %dma_start3A_120 = arith.constant 2 : i32
      %dma_start3A_121 = arith.constant 0 : i32
      %dma_start3A_122 = arith.constant 0 : i32
      %dma_start3A_123 = tpu.memref_slice %arg6[%dma_start3A_120, %dma_start3A_121, %dma_start3A_122] : memref<8x128x16xf32, #tpu.memory_space<vmem>> -> memref<1x128x16xf32, #tpu.memory_space<vmem>>
      %dma_start3A_124 = tpu.memref_squeeze %dma_start3A_123 : memref<1x128x16xf32, #tpu.memory_space<vmem>> -> memref<128x16xf32, #tpu.memory_space<vmem>>
      %dma_start3A_125 = arith.constant 0 : i32
      %dma_start3A_126 = arith.constant 0 : i32
      %dma_start3A_127 = arith.constant 0 : i32
      %dma_start3A_128 = tpu.memref_slice %arg5[%rem3A_58, %dma_start3A_125, %dma_start3A_126, %dma_start3A_127] : memref<2x2x16x128xi32, #tpu.memory_space<vmem>> -> memref<1x2x16x128xi32, #tpu.memory_space<vmem>>
      %dma_start3A_129 = tpu.memref_squeeze %dma_start3A_128 : memref<1x2x16x128xi32, #tpu.memory_space<vmem>> -> memref<2x16x128xi32, #tpu.memory_space<vmem>>
      %dma_start3A_130 = arith.constant 0 : i32
      %dma_start3A_131 = tpu.memref_slice %dma_start3A_129[%dma_start3A_118, %dma_start3A_119, %dma_start3A_130] : memref<2x16x128xi32, #tpu.memory_space<vmem>> -> memref<1x1x128xi32, #tpu.memory_space<vmem>>
      %dma_start3A_132 = tpu.memref_squeeze %dma_start3A_131 : memref<1x1x128xi32, #tpu.memory_space<vmem>> -> memref<128xi32, #tpu.memory_space<vmem>>
      %dma_start3A_133 = arith.constant 0 : i32
      %dma_start3A_134 = arith.constant 0 : i32
      %dma_start3A_135 = tpu.memref_slice %arg2[%dma_start3A_133, %dma_start3A_134] : memref<100000x16xf32, #tpu.memory_space<hbm>> -> memref<100000x16xf32, #tpu.memory_space<hbm>>
      tpu.enqueue_indirect_dma source(%dma_start3A_135 : memref<100000x16xf32, #tpu.memory_space<hbm>>) target(%dma_start3A_124 : memref<128x16xf32, #tpu.memory_space<vmem>>) offsets(%dma_start3A_132 : memref<128xi32, #tpu.memory_space<vmem>>) semaphore(%arg11 : memref<!tpu.dma_semaphore, #tpu.memory_space<semaphore_mem>>)
      %dma_start3A_136 = arith.constant 1 : i32
      %dma_start3A_137 = arith.constant 3 : i32
      %dma_start3A_138 = arith.constant 3 : i32
      %dma_start3A_139 = arith.constant 0 : i32
      %dma_start3A_140 = arith.constant 0 : i32
      %dma_start3A_141 = tpu.memref_slice %arg6[%dma_start3A_138, %dma_start3A_139, %dma_start3A_140] : memref<8x128x16xf32, #tpu.memory_space<vmem>> -> memref<1x128x16xf32, #tpu.memory_space<vmem>>
      %dma_start3A_142 = tpu.memref_squeeze %dma_start3A_141 : memref<1x128x16xf32, #tpu.memory_space<vmem>> -> memref<128x16xf32, #tpu.memory_space<vmem>>
      %dma_start3A_143 = arith.constant 0 : i32
      %dma_start3A_144 = arith.constant 0 : i32
      %dma_start3A_145 = arith.constant 0 : i32
      %dma_start3A_146 = tpu.memref_slice %arg5[%rem3A_58, %dma_start3A_143, %dma_start3A_144, %dma_start3A_145] : memref<2x2x16x128xi32, #tpu.memory_space<vmem>> -> memref<1x2x16x128xi32, #tpu.memory_space<vmem>>
      %dma_start3A_147 = tpu.memref_squeeze %dma_start3A_146 : memref<1x2x16x128xi32, #tpu.memory_space<vmem>> -> memref<2x16x128xi32, #tpu.memory_space<vmem>>
      %dma_start3A_148 = arith.constant 0 : i32
      %dma_start3A_149 = tpu.memref_slice %dma_start3A_147[%dma_start3A_136, %dma_start3A_137, %dma_start3A_148] : memref<2x16x128xi32, #tpu.memory_space<vmem>> -> memref<1x1x128xi32, #tpu.memory_space<vmem>>
      %dma_start3A_150 = tpu.memref_squeeze %dma_start3A_149 : memref<1x1x128xi32, #tpu.memory_space<vmem>> -> memref<128xi32, #tpu.memory_space<vmem>>
      %dma_start3A_151 = arith.constant 0 : i32
      %dma_start3A_152 = arith.constant 0 : i32
      %dma_start3A_153 = tpu.memref_slice %arg2[%dma_start3A_151, %dma_start3A_152] : memref<100000x16xf32, #tpu.memory_space<hbm>> -> memref<100000x16xf32, #tpu.memory_space<hbm>>
      tpu.enqueue_indirect_dma source(%dma_start3A_153 : memref<100000x16xf32, #tpu.memory_space<hbm>>) target(%dma_start3A_142 : memref<128x16xf32, #tpu.memory_space<vmem>>) offsets(%dma_start3A_150 : memref<128xi32, #tpu.memory_space<vmem>>) semaphore(%arg12 : memref<!tpu.dma_semaphore, #tpu.memory_space<semaphore_mem>>)
      %dma_start3A_154 = arith.constant 1 : i32
      %dma_start3A_155 = arith.constant 4 : i32
      %dma_start3A_156 = arith.constant 4 : i32
      %dma_start3A_157 = arith.constant 0 : i32
      %dma_start3A_158 = arith.constant 0 : i32
      %dma_start3A_159 = tpu.memref_slice %arg6[%dma_start3A_156, %dma_start3A_157, %dma_start3A_158] : memref<8x128x16xf32, #tpu.memory_space<vmem>> -> memref<1x128x16xf32, #tpu.memory_space<vmem>>
      %dma_start3A_160 = tpu.memref_squeeze %dma_start3A_159 : memref<1x128x16xf32, #tpu.memory_space<vmem>> -> memref<128x16xf32, #tpu.memory_space<vmem>>
      %dma_start3A_161 = arith.constant 0 : i32
      %dma_start3A_162 = arith.constant 0 : i32
      %dma_start3A_163 = arith.constant 0 : i32
      %dma_start3A_164 = tpu.memref_slice %arg5[%rem3A_58, %dma_start3A_161, %dma_start3A_162, %dma_start3A_163] : memref<2x2x16x128xi32, #tpu.memory_space<vmem>> -> memref<1x2x16x128xi32, #tpu.memory_space<vmem>>
      %dma_start3A_165 = tpu.memref_squeeze %dma_start3A_164 : memref<1x2x16x128xi32, #tpu.memory_space<vmem>> -> memref<2x16x128xi32, #tpu.memory_space<vmem>>
      %dma_start3A_166 = arith.constant 0 : i32
      %dma_start3A_167 = tpu.memref_slice %dma_start3A_165[%dma_start3A_154, %dma_start3A_155, %dma_start3A_166] : memref<2x16x128xi32, #tpu.memory_space<vmem>> -> memref<1x1x128xi32, #tpu.memory_space<vmem>>
      %dma_start3A_168 = tpu.memref_squeeze %dma_start3A_167 : memref<1x1x128xi32, #tpu.memory_space<vmem>> -> memref<128xi32, #tpu.memory_space<vmem>>
      %dma_start3A_169 = arith.constant 0 : i32
      %dma_start3A_170 = arith.constant 0 : i32
      %dma_start3A_171 = tpu.memref_slice %arg2[%dma_start3A_169, %dma_start3A_170] : memref<100000x16xf32, #tpu.memory_space<hbm>> -> memref<100000x16xf32, #tpu.memory_space<hbm>>
      tpu.enqueue_indirect_dma source(%dma_start3A_171 : memref<100000x16xf32, #tpu.memory_space<hbm>>) target(%dma_start3A_160 : memref<128x16xf32, #tpu.memory_space<vmem>>) offsets(%dma_start3A_168 : memref<128xi32, #tpu.memory_space<vmem>>) semaphore(%arg13 : memref<!tpu.dma_semaphore, #tpu.memory_space<semaphore_mem>>)
      %dma_start3A_172 = arith.constant 1 : i32
      %dma_start3A_173 = arith.constant 5 : i32
      %dma_start3A_174 = arith.constant 5 : i32
      %dma_start3A_175 = arith.constant 0 : i32
      %dma_start3A_176 = arith.constant 0 : i32
      %dma_start3A_177 = tpu.memref_slice %arg6[%dma_start3A_174, %dma_start3A_175, %dma_start3A_176] : memref<8x128x16xf32, #tpu.memory_space<vmem>> -> memref<1x128x16xf32, #tpu.memory_space<vmem>>
      %dma_start3A_178 = tpu.memref_squeeze %dma_start3A_177 : memref<1x128x16xf32, #tpu.memory_space<vmem>> -> memref<128x16xf32, #tpu.memory_space<vmem>>
      %dma_start3A_179 = arith.constant 0 : i32
      %dma_start3A_180 = arith.constant 0 : i32
      %dma_start3A_181 = arith.constant 0 : i32
      %dma_start3A_182 = tpu.memref_slice %arg5[%rem3A_58, %dma_start3A_179, %dma_start3A_180, %dma_start3A_181] : memref<2x2x16x128xi32, #tpu.memory_space<vmem>> -> memref<1x2x16x128xi32, #tpu.memory_space<vmem>>
      %dma_start3A_183 = tpu.memref_squeeze %dma_start3A_182 : memref<1x2x16x128xi32, #tpu.memory_space<vmem>> -> memref<2x16x128xi32, #tpu.memory_space<vmem>>
      %dma_start3A_184 = arith.constant 0 : i32
      %dma_start3A_185 = tpu.memref_slice %dma_start3A_183[%dma_start3A_172, %dma_start3A_173, %dma_start3A_184] : memref<2x16x128xi32, #tpu.memory_space<vmem>> -> memref<1x1x128xi32, #tpu.memory_space<vmem>>
      %dma_start3A_186 = tpu.memref_squeeze %dma_start3A_185 : memref<1x1x128xi32, #tpu.memory_space<vmem>> -> memref<128xi32, #tpu.memory_space<vmem>>
      %dma_start3A_187 = arith.constant 0 : i32
      %dma_start3A_188 = arith.constant 0 : i32
      %dma_start3A_189 = tpu.memref_slice %arg2[%dma_start3A_187, %dma_start3A_188] : memref<100000x16xf32, #tpu.memory_space<hbm>> -> memref<100000x16xf32, #tpu.memory_space<hbm>>
      tpu.enqueue_indirect_dma source(%dma_start3A_189 : memref<100000x16xf32, #tpu.memory_space<hbm>>) target(%dma_start3A_178 : memref<128x16xf32, #tpu.memory_space<vmem>>) offsets(%dma_start3A_186 : memref<128xi32, #tpu.memory_space<vmem>>) semaphore(%arg14 : memref<!tpu.dma_semaphore, #tpu.memory_space<semaphore_mem>>)
      %dma_start3A_190 = arith.constant 1 : i32
      %dma_start3A_191 = arith.constant 6 : i32
      %dma_start3A_192 = arith.constant 6 : i32
      %dma_start3A_193 = arith.constant 0 : i32
      %dma_start3A_194 = arith.constant 0 : i32
      %dma_start3A_195 = tpu.memref_slice %arg6[%dma_start3A_192, %dma_start3A_193, %dma_start3A_194] : memref<8x128x16xf32, #tpu.memory_space<vmem>> -> memref<1x128x16xf32, #tpu.memory_space<vmem>>
      %dma_start3A_196 = tpu.memref_squeeze %dma_start3A_195 : memref<1x128x16xf32, #tpu.memory_space<vmem>> -> memref<128x16xf32, #tpu.memory_space<vmem>>
      %dma_start3A_197 = arith.constant 0 : i32
      %dma_start3A_198 = arith.constant 0 : i32
      %dma_start3A_199 = arith.constant 0 : i32
      %dma_start3A_200 = tpu.memref_slice %arg5[%rem3A_58, %dma_start3A_197, %dma_start3A_198, %dma_start3A_199] : memref<2x2x16x128xi32, #tpu.memory_space<vmem>> -> memref<1x2x16x128xi32, #tpu.memory_space<vmem>>
      %dma_start3A_201 = tpu.memref_squeeze %dma_start3A_200 : memref<1x2x16x128xi32, #tpu.memory_space<vmem>> -> memref<2x16x128xi32, #tpu.memory_space<vmem>>
      %dma_start3A_202 = arith.constant 0 : i32
      %dma_start3A_203 = tpu.memref_slice %dma_start3A_201[%dma_start3A_190, %dma_start3A_191, %dma_start3A_202] : memref<2x16x128xi32, #tpu.memory_space<vmem>> -> memref<1x1x128xi32, #tpu.memory_space<vmem>>
      %dma_start3A_204 = tpu.memref_squeeze %dma_start3A_203 : memref<1x1x128xi32, #tpu.memory_space<vmem>> -> memref<128xi32, #tpu.memory_space<vmem>>
      %dma_start3A_205 = arith.constant 0 : i32
      %dma_start3A_206 = arith.constant 0 : i32
      %dma_start3A_207 = tpu.memref_slice %arg2[%dma_start3A_205, %dma_start3A_206] : memref<100000x16xf32, #tpu.memory_space<hbm>> -> memref<100000x16xf32, #tpu.memory_space<hbm>>
      tpu.enqueue_indirect_dma source(%dma_start3A_207 : memref<100000x16xf32, #tpu.memory_space<hbm>>) target(%dma_start3A_196 : memref<128x16xf32, #tpu.memory_space<vmem>>) offsets(%dma_start3A_204 : memref<128xi32, #tpu.memory_space<vmem>>) semaphore(%arg15 : memref<!tpu.dma_semaphore, #tpu.memory_space<semaphore_mem>>)
      %dma_start3A_208 = arith.constant 1 : i32
      %dma_start3A_209 = arith.constant 7 : i32
      %dma_start3A_210 = arith.constant 7 : i32
      %dma_start3A_211 = arith.constant 0 : i32
      %dma_start3A_212 = arith.constant 0 : i32
      %dma_start3A_213 = tpu.memref_slice %arg6[%dma_start3A_210, %dma_start3A_211, %dma_start3A_212] : memref<8x128x16xf32, #tpu.memory_space<vmem>> -> memref<1x128x16xf32, #tpu.memory_space<vmem>>
      %dma_start3A_214 = tpu.memref_squeeze %dma_start3A_213 : memref<1x128x16xf32, #tpu.memory_space<vmem>> -> memref<128x16xf32, #tpu.memory_space<vmem>>
      %dma_start3A_215 = arith.constant 0 : i32
      %dma_start3A_216 = arith.constant 0 : i32
      %dma_start3A_217 = arith.constant 0 : i32
      %dma_start3A_218 = tpu.memref_slice %arg5[%rem3A_58, %dma_start3A_215, %dma_start3A_216, %dma_start3A_217] : memref<2x2x16x128xi32, #tpu.memory_space<vmem>> -> memref<1x2x16x128xi32, #tpu.memory_space<vmem>>
      %dma_start3A_219 = tpu.memref_squeeze %dma_start3A_218 : memref<1x2x16x128xi32, #tpu.memory_space<vmem>> -> memref<2x16x128xi32, #tpu.memory_space<vmem>>
      %dma_start3A_220 = arith.constant 0 : i32
      %dma_start3A_221 = tpu.memref_slice %dma_start3A_219[%dma_start3A_208, %dma_start3A_209, %dma_start3A_220] : memref<2x16x128xi32, #tpu.memory_space<vmem>> -> memref<1x1x128xi32, #tpu.memory_space<vmem>>
      %dma_start3A_222 = tpu.memref_squeeze %dma_start3A_221 : memref<1x1x128xi32, #tpu.memory_space<vmem>> -> memref<128xi32, #tpu.memory_space<vmem>>
      %dma_start3A_223 = arith.constant 0 : i32
      %dma_start3A_224 = arith.constant 0 : i32
      %dma_start3A_225 = tpu.memref_slice %arg2[%dma_start3A_223, %dma_start3A_224] : memref<100000x16xf32, #tpu.memory_space<hbm>> -> memref<100000x16xf32, #tpu.memory_space<hbm>>
      tpu.enqueue_indirect_dma source(%dma_start3A_225 : memref<100000x16xf32, #tpu.memory_space<hbm>>) target(%dma_start3A_214 : memref<128x16xf32, #tpu.memory_space<vmem>>) offsets(%dma_start3A_222 : memref<128xi32, #tpu.memory_space<vmem>>) semaphore(%arg16 : memref<!tpu.dma_semaphore, #tpu.memory_space<semaphore_mem>>)
      %dma_wait3A_226 = arith.constant 1 : i32
      %dma_wait3A_227 = arith.constant 0 : i32
      %dma_wait3A_228 = arith.constant 0 : i32
      %dma_wait3A_229 = arith.constant 0 : i32
      %dma_wait3A_230 = arith.constant 0 : i32
      %dma_wait3A_231 = tpu.memref_slice %arg6[%dma_wait3A_228, %dma_wait3A_229, %dma_wait3A_230] : memref<8x128x16xf32, #tpu.memory_space<vmem>> -> memref<1x128x16xf32, #tpu.memory_space<vmem>>
      %dma_wait3A_232 = tpu.memref_squeeze %dma_wait3A_231 : memref<1x128x16xf32, #tpu.memory_space<vmem>> -> memref<128x16xf32, #tpu.memory_space<vmem>>
      %dma_wait3A_233 = arith.constant 0 : i32
      %dma_wait3A_234 = arith.constant 0 : i32
      %dma_wait3A_235 = arith.constant 0 : i32
      %dma_wait3A_236 = tpu.memref_slice %arg5[%rem3A_58, %dma_wait3A_233, %dma_wait3A_234, %dma_wait3A_235] : memref<2x2x16x128xi32, #tpu.memory_space<vmem>> -> memref<1x2x16x128xi32, #tpu.memory_space<vmem>>
      %dma_wait3A_237 = tpu.memref_squeeze %dma_wait3A_236 : memref<1x2x16x128xi32, #tpu.memory_space<vmem>> -> memref<2x16x128xi32, #tpu.memory_space<vmem>>
      %dma_wait3A_238 = arith.constant 0 : i32
      %dma_wait3A_239 = tpu.memref_slice %dma_wait3A_237[%dma_wait3A_226, %dma_wait3A_227, %dma_wait3A_238] : memref<2x16x128xi32, #tpu.memory_space<vmem>> -> memref<1x1x128xi32, #tpu.memory_space<vmem>>
      %dma_wait3A_240 = tpu.memref_squeeze %dma_wait3A_239 : memref<1x1x128xi32, #tpu.memory_space<vmem>> -> memref<128xi32, #tpu.memory_space<vmem>>
      %dma_wait3A_241 = arith.constant 0 : i32
      %dma_wait3A_242 = arith.constant 0 : i32
      %dma_wait3A_243 = tpu.memref_slice %arg2[%dma_wait3A_241, %dma_wait3A_242] : memref<100000x16xf32, #tpu.memory_space<hbm>> -> memref<100000x16xf32, #tpu.memory_space<hbm>>
      tpu.wait_indirect_dma semaphore(%arg9 : memref<!tpu.dma_semaphore, #tpu.memory_space<semaphore_mem>>) src(%dma_wait3A_243 : memref<100000x16xf32, #tpu.memory_space<hbm>>) dst(%dma_wait3A_232 : memref<128x16xf32, #tpu.memory_space<vmem>>)
      %dma_start3A_244 = arith.constant 0 : i32
      %dma_start3A_245 = arith.constant 0 : i32
      %dma_start3A_246 = arith.constant 0 : i32
      %dma_start3A_247 = arith.constant 0 : i32
      %dma_start3A_248 = arith.constant 0 : i32
      %dma_start3A_249 = tpu.memref_slice %arg6[%dma_start3A_244, %dma_start3A_247, %dma_start3A_248] : memref<8x128x16xf32, #tpu.memory_space<vmem>> -> memref<1x128x16xf32, #tpu.memory_space<vmem>>
      %dma_start3A_250 = tpu.memref_squeeze %dma_start3A_249 : memref<1x128x16xf32, #tpu.memory_space<vmem>> -> memref<128x16xf32, #tpu.memory_space<vmem>>
      %dma_start3A_251 = arith.constant 0 : i32
      %dma_start3A_252 = arith.constant 0 : i32
      %dma_start3A_253 = arith.constant 0 : i32
      %dma_start3A_254 = tpu.memref_slice %arg5[%rem3A_58, %dma_start3A_251, %dma_start3A_252, %dma_start3A_253] : memref<2x2x16x128xi32, #tpu.memory_space<vmem>> -> memref<1x2x16x128xi32, #tpu.memory_space<vmem>>
      %dma_start3A_255 = tpu.memref_squeeze %dma_start3A_254 : memref<1x2x16x128xi32, #tpu.memory_space<vmem>> -> memref<2x16x128xi32, #tpu.memory_space<vmem>>
      %dma_start3A_256 = arith.constant 0 : i32
      %dma_start3A_257 = tpu.memref_slice %dma_start3A_255[%dma_start3A_245, %dma_start3A_246, %dma_start3A_256] : memref<2x16x128xi32, #tpu.memory_space<vmem>> -> memref<1x1x128xi32, #tpu.memory_space<vmem>>
      %dma_start3A_258 = tpu.memref_squeeze %dma_start3A_257 : memref<1x1x128xi32, #tpu.memory_space<vmem>> -> memref<128xi32, #tpu.memory_space<vmem>>
      %dma_start3A_259 = arith.constant 0 : i32
      %dma_start3A_260 = arith.constant 0 : i32
      %dma_start3A_261 = tpu.memref_slice %arg7[%dma_start3A_259, %dma_start3A_260] : memref<100352x16xf32, #tpu.memory_space<vmem_shared>> -> memref<100352x16xf32, #tpu.memory_space<vmem_shared>>
      tpu.enqueue_indirect_dma source(%dma_start3A_250 : memref<128x16xf32, #tpu.memory_space<vmem>>) target(%dma_start3A_261 : memref<100352x16xf32, #tpu.memory_space<vmem_shared>>) offsets(%dma_start3A_258 : memref<128xi32, #tpu.memory_space<vmem>>) semaphore(%arg17 : memref<!tpu.dma_semaphore, #tpu.memory_space<semaphore_mem>>) {add = true}
      %dma_wait3A_262 = arith.constant 0 : i32
      %dma_wait3A_263 = arith.constant 0 : i32
      %dma_wait3A_264 = arith.constant 0 : i32
      %dma_wait3A_265 = arith.constant 0 : i32
      %dma_wait3A_266 = arith.constant 0 : i32
      %dma_wait3A_267 = tpu.memref_slice %arg6[%dma_wait3A_262, %dma_wait3A_265, %dma_wait3A_266] : memref<8x128x16xf32, #tpu.memory_space<vmem>> -> memref<1x128x16xf32, #tpu.memory_space<vmem>>
      %dma_wait3A_268 = tpu.memref_squeeze %dma_wait3A_267 : memref<1x128x16xf32, #tpu.memory_space<vmem>> -> memref<128x16xf32, #tpu.memory_space<vmem>>
      %dma_wait3A_269 = arith.constant 0 : i32
      %dma_wait3A_270 = arith.constant 0 : i32
      %dma_wait3A_271 = arith.constant 0 : i32
      %dma_wait3A_272 = tpu.memref_slice %arg5[%rem3A_58, %dma_wait3A_269, %dma_wait3A_270, %dma_wait3A_271] : memref<2x2x16x128xi32, #tpu.memory_space<vmem>> -> memref<1x2x16x128xi32, #tpu.memory_space<vmem>>
      %dma_wait3A_273 = tpu.memref_squeeze %dma_wait3A_272 : memref<1x2x16x128xi32, #tpu.memory_space<vmem>> -> memref<2x16x128xi32, #tpu.memory_space<vmem>>
      %dma_wait3A_274 = arith.constant 0 : i32
      %dma_wait3A_275 = tpu.memref_slice %dma_wait3A_273[%dma_wait3A_263, %dma_wait3A_264, %dma_wait3A_274] : memref<2x16x128xi32, #tpu.memory_space<vmem>> -> memref<1x1x128xi32, #tpu.memory_space<vmem>>
      %dma_wait3A_276 = tpu.memref_squeeze %dma_wait3A_275 : memref<1x1x128xi32, #tpu.memory_space<vmem>> -> memref<128xi32, #tpu.memory_space<vmem>>
      %dma_wait3A_277 = arith.constant 0 : i32
      %dma_wait3A_278 = arith.constant 0 : i32
      %dma_wait3A_279 = tpu.memref_slice %arg7[%dma_wait3A_277, %dma_wait3A_278] : memref<100352x16xf32, #tpu.memory_space<vmem_shared>> -> memref<100352x16xf32, #tpu.memory_space<vmem_shared>>
      tpu.wait_indirect_dma semaphore(%arg17 : memref<!tpu.dma_semaphore, #tpu.memory_space<semaphore_mem>>) src(%dma_wait3A_268 : memref<128x16xf32, #tpu.memory_space<vmem>>) dst(%dma_wait3A_279 : memref<100352x16xf32, #tpu.memory_space<vmem_shared>>)
      %dma_start3A_280 = arith.constant 1 : i32
      %dma_start3A_281 = arith.constant 8 : i32
      %dma_start3A_282 = arith.constant 0 : i32
      %dma_start3A_283 = arith.constant 0 : i32
      %dma_start3A_284 = arith.constant 0 : i32
      %dma_start3A_285 = tpu.memref_slice %arg6[%dma_start3A_282, %dma_start3A_283, %dma_start3A_284] : memref<8x128x16xf32, #tpu.memory_space<vmem>> -> memref<1x128x16xf32, #tpu.memory_space<vmem>>
      %dma_start3A_286 = tpu.memref_squeeze %dma_start3A_285 : memref<1x128x16xf32, #tpu.memory_space<vmem>> -> memref<128x16xf32, #tpu.memory_space<vmem>>
      %dma_start3A_287 = arith.constant 0 : i32
      %dma_start3A_288 = arith.constant 0 : i32
      %dma_start3A_289 = arith.constant 0 : i32
      %dma_start3A_290 = tpu.memref_slice %arg5[%rem3A_58, %dma_start3A_287, %dma_start3A_288, %dma_start3A_289] : memref<2x2x16x128xi32, #tpu.memory_space<vmem>> -> memref<1x2x16x128xi32, #tpu.memory_space<vmem>>
      %dma_start3A_291 = tpu.memref_squeeze %dma_start3A_290 : memref<1x2x16x128xi32, #tpu.memory_space<vmem>> -> memref<2x16x128xi32, #tpu.memory_space<vmem>>
      %dma_start3A_292 = arith.constant 0 : i32
      %dma_start3A_293 = tpu.memref_slice %dma_start3A_291[%dma_start3A_280, %dma_start3A_281, %dma_start3A_292] : memref<2x16x128xi32, #tpu.memory_space<vmem>> -> memref<1x1x128xi32, #tpu.memory_space<vmem>>
      %dma_start3A_294 = tpu.memref_squeeze %dma_start3A_293 : memref<1x1x128xi32, #tpu.memory_space<vmem>> -> memref<128xi32, #tpu.memory_space<vmem>>
      %dma_start3A_295 = arith.constant 0 : i32
      %dma_start3A_296 = arith.constant 0 : i32
      %dma_start3A_297 = tpu.memref_slice %arg2[%dma_start3A_295, %dma_start3A_296] : memref<100000x16xf32, #tpu.memory_space<hbm>> -> memref<100000x16xf32, #tpu.memory_space<hbm>>
      tpu.enqueue_indirect_dma source(%dma_start3A_297 : memref<100000x16xf32, #tpu.memory_space<hbm>>) target(%dma_start3A_286 : memref<128x16xf32, #tpu.memory_space<vmem>>) offsets(%dma_start3A_294 : memref<128xi32, #tpu.memory_space<vmem>>) semaphore(%arg9 : memref<!tpu.dma_semaphore, #tpu.memory_space<semaphore_mem>>)
      %dma_wait3A_298 = arith.constant 1 : i32
      %dma_wait3A_299 = arith.constant 1 : i32
      %dma_wait3A_300 = arith.constant 1 : i32
      %dma_wait3A_301 = arith.constant 0 : i32
      %dma_wait3A_302 = arith.constant 0 : i32
      %dma_wait3A_303 = tpu.memref_slice %arg6[%dma_wait3A_300, %dma_wait3A_301, %dma_wait3A_302] : memref<8x128x16xf32, #tpu.memory_space<vmem>> -> memref<1x128x16xf32, #tpu.memory_space<vmem>>
      %dma_wait3A_304 = tpu.memref_squeeze %dma_wait3A_303 : memref<1x128x16xf32, #tpu.memory_space<vmem>> -> memref<128x16xf32, #tpu.memory_space<vmem>>
      %dma_wait3A_305 = arith.constant 0 : i32
      %dma_wait3A_306 = arith.constant 0 : i32
      %dma_wait3A_307 = arith.constant 0 : i32
      %dma_wait3A_308 = tpu.memref_slice %arg5[%rem3A_58, %dma_wait3A_305, %dma_wait3A_306, %dma_wait3A_307] : memref<2x2x16x128xi32, #tpu.memory_space<vmem>> -> memref<1x2x16x128xi32, #tpu.memory_space<vmem>>
      %dma_wait3A_309 = tpu.memref_squeeze %dma_wait3A_308 : memref<1x2x16x128xi32, #tpu.memory_space<vmem>> -> memref<2x16x128xi32, #tpu.memory_space<vmem>>
      %dma_wait3A_310 = arith.constant 0 : i32
      %dma_wait3A_311 = tpu.memref_slice %dma_wait3A_309[%dma_wait3A_298, %dma_wait3A_299, %dma_wait3A_310] : memref<2x16x128xi32, #tpu.memory_space<vmem>> -> memref<1x1x128xi32, #tpu.memory_space<vmem>>
      %dma_wait3A_312 = tpu.memref_squeeze %dma_wait3A_311 : memref<1x1x128xi32, #tpu.memory_space<vmem>> -> memref<128xi32, #tpu.memory_space<vmem>>
      %dma_wait3A_313 = arith.constant 0 : i32
      %dma_wait3A_314 = arith.constant 0 : i32
      %dma_wait3A_315 = tpu.memref_slice %arg2[%dma_wait3A_313, %dma_wait3A_314] : memref<100000x16xf32, #tpu.memory_space<hbm>> -> memref<100000x16xf32, #tpu.memory_space<hbm>>
      tpu.wait_indirect_dma semaphore(%arg10 : memref<!tpu.dma_semaphore, #tpu.memory_space<semaphore_mem>>) src(%dma_wait3A_315 : memref<100000x16xf32, #tpu.memory_space<hbm>>) dst(%dma_wait3A_304 : memref<128x16xf32, #tpu.memory_space<vmem>>)
      %dma_start3A_316 = arith.constant 1 : i32
      %dma_start3A_317 = arith.constant 0 : i32
      %dma_start3A_318 = arith.constant 1 : i32
      %dma_start3A_319 = arith.constant 0 : i32
      %dma_start3A_320 = arith.constant 0 : i32
      %dma_start3A_321 = tpu.memref_slice %arg6[%dma_start3A_316, %dma_start3A_319, %dma_start3A_320] : memref<8x128x16xf32, #tpu.memory_space<vmem>> -> memref<1x128x16xf32, #tpu.memory_space<vmem>>
      %dma_start3A_322 = tpu.memref_squeeze %dma_start3A_321 : memref<1x128x16xf32, #tpu.memory_space<vmem>> -> memref<128x16xf32, #tpu.memory_space<vmem>>
      %dma_start3A_323 = arith.constant 0 : i32
      %dma_start3A_324 = arith.constant 0 : i32
      %dma_start3A_325 = arith.constant 0 : i32
      %dma_start3A_326 = tpu.memref_slice %arg5[%rem3A_58, %dma_start3A_323, %dma_start3A_324, %dma_start3A_325] : memref<2x2x16x128xi32, #tpu.memory_space<vmem>> -> memref<1x2x16x128xi32, #tpu.memory_space<vmem>>
      %dma_start3A_327 = tpu.memref_squeeze %dma_start3A_326 : memref<1x2x16x128xi32, #tpu.memory_space<vmem>> -> memref<2x16x128xi32, #tpu.memory_space<vmem>>
      %dma_start3A_328 = arith.constant 0 : i32
      %dma_start3A_329 = tpu.memref_slice %dma_start3A_327[%dma_start3A_317, %dma_start3A_318, %dma_start3A_328] : memref<2x16x128xi32, #tpu.memory_space<vmem>> -> memref<1x1x128xi32, #tpu.memory_space<vmem>>
      %dma_start3A_330 = tpu.memref_squeeze %dma_start3A_329 : memref<1x1x128xi32, #tpu.memory_space<vmem>> -> memref<128xi32, #tpu.memory_space<vmem>>
      %dma_start3A_331 = arith.constant 0 : i32
      %dma_start3A_332 = arith.constant 0 : i32
      %dma_start3A_333 = tpu.memref_slice %arg7[%dma_start3A_331, %dma_start3A_332] : memref<100352x16xf32, #tpu.memory_space<vmem_shared>> -> memref<100352x16xf32, #tpu.memory_space<vmem_shared>>
      tpu.enqueue_indirect_dma source(%dma_start3A_322 : memref<128x16xf32, #tpu.memory_space<vmem>>) target(%dma_start3A_333 : memref<100352x16xf32, #tpu.memory_space<vmem_shared>>) offsets(%dma_start3A_330 : memref<128xi32, #tpu.memory_space<vmem>>) semaphore(%arg18 : memref<!tpu.dma_semaphore, #tpu.memory_space<semaphore_mem>>) {add = true}
      %dma_wait3A_334 = arith.constant 1 : i32
      %dma_wait3A_335 = arith.constant 0 : i32
      %dma_wait3A_336 = arith.constant 1 : i32
      %dma_wait3A_337 = arith.constant 0 : i32
      %dma_wait3A_338 = arith.constant 0 : i32
      %dma_wait3A_339 = tpu.memref_slice %arg6[%dma_wait3A_334, %dma_wait3A_337, %dma_wait3A_338] : memref<8x128x16xf32, #tpu.memory_space<vmem>> -> memref<1x128x16xf32, #tpu.memory_space<vmem>>
      %dma_wait3A_340 = tpu.memref_squeeze %dma_wait3A_339 : memref<1x128x16xf32, #tpu.memory_space<vmem>> -> memref<128x16xf32, #tpu.memory_space<vmem>>
      %dma_wait3A_341 = arith.constant 0 : i32
      %dma_wait3A_342 = arith.constant 0 : i32
      %dma_wait3A_343 = arith.constant 0 : i32
      %dma_wait3A_344 = tpu.memref_slice %arg5[%rem3A_58, %dma_wait3A_341, %dma_wait3A_342, %dma_wait3A_343] : memref<2x2x16x128xi32, #tpu.memory_space<vmem>> -> memref<1x2x16x128xi32, #tpu.memory_space<vmem>>
      %dma_wait3A_345 = tpu.memref_squeeze %dma_wait3A_344 : memref<1x2x16x128xi32, #tpu.memory_space<vmem>> -> memref<2x16x128xi32, #tpu.memory_space<vmem>>
      %dma_wait3A_346 = arith.constant 0 : i32
      %dma_wait3A_347 = tpu.memref_slice %dma_wait3A_345[%dma_wait3A_335, %dma_wait3A_336, %dma_wait3A_346] : memref<2x16x128xi32, #tpu.memory_space<vmem>> -> memref<1x1x128xi32, #tpu.memory_space<vmem>>
      %dma_wait3A_348 = tpu.memref_squeeze %dma_wait3A_347 : memref<1x1x128xi32, #tpu.memory_space<vmem>> -> memref<128xi32, #tpu.memory_space<vmem>>
      %dma_wait3A_349 = arith.constant 0 : i32
      %dma_wait3A_350 = arith.constant 0 : i32
      %dma_wait3A_351 = tpu.memref_slice %arg7[%dma_wait3A_349, %dma_wait3A_350] : memref<100352x16xf32, #tpu.memory_space<vmem_shared>> -> memref<100352x16xf32, #tpu.memory_space<vmem_shared>>
      tpu.wait_indirect_dma semaphore(%arg18 : memref<!tpu.dma_semaphore, #tpu.memory_space<semaphore_mem>>) src(%dma_wait3A_340 : memref<128x16xf32, #tpu.memory_space<vmem>>) dst(%dma_wait3A_351 : memref<100352x16xf32, #tpu.memory_space<vmem_shared>>)
      %dma_start3A_352 = arith.constant 1 : i32
      %dma_start3A_353 = arith.constant 9 : i32
      %dma_start3A_354 = arith.constant 1 : i32
      %dma_start3A_355 = arith.constant 0 : i32
      %dma_start3A_356 = arith.constant 0 : i32
      %dma_start3A_357 = tpu.memref_slice %arg6[%dma_start3A_354, %dma_start3A_355, %dma_start3A_356] : memref<8x128x16xf32, #tpu.memory_space<vmem>> -> memref<1x128x16xf32, #tpu.memory_space<vmem>>
      %dma_start3A_358 = tpu.memref_squeeze %dma_start3A_357 : memref<1x128x16xf32, #tpu.memory_space<vmem>> -> memref<128x16xf32, #tpu.memory_space<vmem>>
      %dma_start3A_359 = arith.constant 0 : i32
      %dma_start3A_360 = arith.constant 0 : i32
      %dma_start3A_361 = arith.constant 0 : i32
      %dma_start3A_362 = tpu.memref_slice %arg5[%rem3A_58, %dma_start3A_359, %dma_start3A_360, %dma_start3A_361] : memref<2x2x16x128xi32, #tpu.memory_space<vmem>> -> memref<1x2x16x128xi32, #tpu.memory_space<vmem>>
      %dma_start3A_363 = tpu.memref_squeeze %dma_start3A_362 : memref<1x2x16x128xi32, #tpu.memory_space<vmem>> -> memref<2x16x128xi32, #tpu.memory_space<vmem>>
      %dma_start3A_364 = arith.constant 0 : i32
      %dma_start3A_365 = tpu.memref_slice %dma_start3A_363[%dma_start3A_352, %dma_start3A_353, %dma_start3A_364] : memref<2x16x128xi32, #tpu.memory_space<vmem>> -> memref<1x1x128xi32, #tpu.memory_space<vmem>>
      %dma_start3A_366 = tpu.memref_squeeze %dma_start3A_365 : memref<1x1x128xi32, #tpu.memory_space<vmem>> -> memref<128xi32, #tpu.memory_space<vmem>>
      %dma_start3A_367 = arith.constant 0 : i32
      %dma_start3A_368 = arith.constant 0 : i32
      %dma_start3A_369 = tpu.memref_slice %arg2[%dma_start3A_367, %dma_start3A_368] : memref<100000x16xf32, #tpu.memory_space<hbm>> -> memref<100000x16xf32, #tpu.memory_space<hbm>>
      tpu.enqueue_indirect_dma source(%dma_start3A_369 : memref<100000x16xf32, #tpu.memory_space<hbm>>) target(%dma_start3A_358 : memref<128x16xf32, #tpu.memory_space<vmem>>) offsets(%dma_start3A_366 : memref<128xi32, #tpu.memory_space<vmem>>) semaphore(%arg10 : memref<!tpu.dma_semaphore, #tpu.memory_space<semaphore_mem>>)
      %dma_wait3A_370 = arith.constant 1 : i32
      %dma_wait3A_371 = arith.constant 2 : i32
      %dma_wait3A_372 = arith.constant 2 : i32
      %dma_wait3A_373 = arith.constant 0 : i32
      %dma_wait3A_374 = arith.constant 0 : i32
      %dma_wait3A_375 = tpu.memref_slice %arg6[%dma_wait3A_372, %dma_wait3A_373, %dma_wait3A_374] : memref<8x128x16xf32, #tpu.memory_space<vmem>> -> memref<1x128x16xf32, #tpu.memory_space<vmem>>
      %dma_wait3A_376 = tpu.memref_squeeze %dma_wait3A_375 : memref<1x128x16xf32, #tpu.memory_space<vmem>> -> memref<128x16xf32, #tpu.memory_space<vmem>>
      %dma_wait3A_377 = arith.constant 0 : i32
      %dma_wait3A_378 = arith.constant 0 : i32
      %dma_wait3A_379 = arith.constant 0 : i32
      %dma_wait3A_380 = tpu.memref_slice %arg5[%rem3A_58, %dma_wait3A_377, %dma_wait3A_378, %dma_wait3A_379] : memref<2x2x16x128xi32, #tpu.memory_space<vmem>> -> memref<1x2x16x128xi32, #tpu.memory_space<vmem>>
      %dma_wait3A_381 = tpu.memref_squeeze %dma_wait3A_380 : memref<1x2x16x128xi32, #tpu.memory_space<vmem>> -> memref<2x16x128xi32, #tpu.memory_space<vmem>>
      %dma_wait3A_382 = arith.constant 0 : i32
      %dma_wait3A_383 = tpu.memref_slice %dma_wait3A_381[%dma_wait3A_370, %dma_wait3A_371, %dma_wait3A_382] : memref<2x16x128xi32, #tpu.memory_space<vmem>> -> memref<1x1x128xi32, #tpu.memory_space<vmem>>
      %dma_wait3A_384 = tpu.memref_squeeze %dma_wait3A_383 : memref<1x1x128xi32, #tpu.memory_space<vmem>> -> memref<128xi32, #tpu.memory_space<vmem>>
      %dma_wait3A_385 = arith.constant 0 : i32
      %dma_wait3A_386 = arith.constant 0 : i32
      %dma_wait3A_387 = tpu.memref_slice %arg2[%dma_wait3A_385, %dma_wait3A_386] : memref<100000x16xf32, #tpu.memory_space<hbm>> -> memref<100000x16xf32, #tpu.memory_space<hbm>>
      tpu.wait_indirect_dma semaphore(%arg11 : memref<!tpu.dma_semaphore, #tpu.memory_space<semaphore_mem>>) src(%dma_wait3A_387 : memref<100000x16xf32, #tpu.memory_space<hbm>>) dst(%dma_wait3A_376 : memref<128x16xf32, #tpu.memory_space<vmem>>)
      %dma_start3A_388 = arith.constant 2 : i32
      %dma_start3A_389 = arith.constant 0 : i32
      %dma_start3A_390 = arith.constant 2 : i32
      %dma_start3A_391 = arith.constant 0 : i32
      %dma_start3A_392 = arith.constant 0 : i32
      %dma_start3A_393 = tpu.memref_slice %arg6[%dma_start3A_388, %dma_start3A_391, %dma_start3A_392] : memref<8x128x16xf32, #tpu.memory_space<vmem>> -> memref<1x128x16xf32, #tpu.memory_space<vmem>>
      %dma_start3A_394 = tpu.memref_squeeze %dma_start3A_393 : memref<1x128x16xf32, #tpu.memory_space<vmem>> -> memref<128x16xf32, #tpu.memory_space<vmem>>
      %dma_start3A_395 = arith.constant 0 : i32
      %dma_start3A_396 = arith.constant 0 : i32
      %dma_start3A_397 = arith.constant 0 : i32
      %dma_start3A_398 = tpu.memref_slice %arg5[%rem3A_58, %dma_start3A_395, %dma_start3A_396, %dma_start3A_397] : memref<2x2x16x128xi32, #tpu.memory_space<vmem>> -> memref<1x2x16x128xi32, #tpu.memory_space<vmem>>
      %dma_start3A_399 = tpu.memref_squeeze %dma_start3A_398 : memref<1x2x16x128xi32, #tpu.memory_space<vmem>> -> memref<2x16x128xi32, #tpu.memory_space<vmem>>
      %dma_start3A_400 = arith.constant 0 : i32
      %dma_start3A_401 = tpu.memref_slice %dma_start3A_399[%dma_start3A_389, %dma_start3A_390, %dma_start3A_400] : memref<2x16x128xi32, #tpu.memory_space<vmem>> -> memref<1x1x128xi32, #tpu.memory_space<vmem>>
      %dma_start3A_402 = tpu.memref_squeeze %dma_start3A_401 : memref<1x1x128xi32, #tpu.memory_space<vmem>> -> memref<128xi32, #tpu.memory_space<vmem>>
      %dma_start3A_403 = arith.constant 0 : i32
      %dma_start3A_404 = arith.constant 0 : i32
      %dma_start3A_405 = tpu.memref_slice %arg7[%dma_start3A_403, %dma_start3A_404] : memref<100352x16xf32, #tpu.memory_space<vmem_shared>> -> memref<100352x16xf32, #tpu.memory_space<vmem_shared>>
      tpu.enqueue_indirect_dma source(%dma_start3A_394 : memref<128x16xf32, #tpu.memory_space<vmem>>) target(%dma_start3A_405 : memref<100352x16xf32, #tpu.memory_space<vmem_shared>>) offsets(%dma_start3A_402 : memref<128xi32, #tpu.memory_space<vmem>>) semaphore(%arg19 : memref<!tpu.dma_semaphore, #tpu.memory_space<semaphore_mem>>) {add = true}
      %dma_wait3A_406 = arith.constant 2 : i32
      %dma_wait3A_407 = arith.constant 0 : i32
      %dma_wait3A_408 = arith.constant 2 : i32
      %dma_wait3A_409 = arith.constant 0 : i32
      %dma_wait3A_410 = arith.constant 0 : i32
      %dma_wait3A_411 = tpu.memref_slice %arg6[%dma_wait3A_406, %dma_wait3A_409, %dma_wait3A_410] : memref<8x128x16xf32, #tpu.memory_space<vmem>> -> memref<1x128x16xf32, #tpu.memory_space<vmem>>
      %dma_wait3A_412 = tpu.memref_squeeze %dma_wait3A_411 : memref<1x128x16xf32, #tpu.memory_space<vmem>> -> memref<128x16xf32, #tpu.memory_space<vmem>>
      %dma_wait3A_413 = arith.constant 0 : i32
      %dma_wait3A_414 = arith.constant 0 : i32
      %dma_wait3A_415 = arith.constant 0 : i32
      %dma_wait3A_416 = tpu.memref_slice %arg5[%rem3A_58, %dma_wait3A_413, %dma_wait3A_414, %dma_wait3A_415] : memref<2x2x16x128xi32, #tpu.memory_space<vmem>> -> memref<1x2x16x128xi32, #tpu.memory_space<vmem>>
      %dma_wait3A_417 = tpu.memref_squeeze %dma_wait3A_416 : memref<1x2x16x128xi32, #tpu.memory_space<vmem>> -> memref<2x16x128xi32, #tpu.memory_space<vmem>>
      %dma_wait3A_418 = arith.constant 0 : i32
      %dma_wait3A_419 = tpu.memref_slice %dma_wait3A_417[%dma_wait3A_407, %dma_wait3A_408, %dma_wait3A_418] : memref<2x16x128xi32, #tpu.memory_space<vmem>> -> memref<1x1x128xi32, #tpu.memory_space<vmem>>
      %dma_wait3A_420 = tpu.memref_squeeze %dma_wait3A_419 : memref<1x1x128xi32, #tpu.memory_space<vmem>> -> memref<128xi32, #tpu.memory_space<vmem>>
      %dma_wait3A_421 = arith.constant 0 : i32
      %dma_wait3A_422 = arith.constant 0 : i32
      %dma_wait3A_423 = tpu.memref_slice %arg7[%dma_wait3A_421, %dma_wait3A_422] : memref<100352x16xf32, #tpu.memory_space<vmem_shared>> -> memref<100352x16xf32, #tpu.memory_space<vmem_shared>>
      tpu.wait_indirect_dma semaphore(%arg19 : memref<!tpu.dma_semaphore, #tpu.memory_space<semaphore_mem>>) src(%dma_wait3A_412 : memref<128x16xf32, #tpu.memory_space<vmem>>) dst(%dma_wait3A_423 : memref<100352x16xf32, #tpu.memory_space<vmem_shared>>)
      %dma_start3A_424 = arith.constant 1 : i32
      %dma_start3A_425 = arith.constant 10 : i32
      %dma_start3A_426 = arith.constant 2 : i32
      %dma_start3A_427 = arith.constant 0 : i32
      %dma_start3A_428 = arith.constant 0 : i32
      %dma_start3A_429 = tpu.memref_slice %arg6[%dma_start3A_426, %dma_start3A_427, %dma_start3A_428] : memref<8x128x16xf32, #tpu.memory_space<vmem>> -> memref<1x128x16xf32, #tpu.memory_space<vmem>>
      %dma_start3A_430 = tpu.memref_squeeze %dma_start3A_429 : memref<1x128x16xf32, #tpu.memory_space<vmem>> -> memref<128x16xf32, #tpu.memory_space<vmem>>
      %dma_start3A_431 = arith.constant 0 : i32
      %dma_start3A_432 = arith.constant 0 : i32
      %dma_start3A_433 = arith.constant 0 : i32
      %dma_start3A_434 = tpu.memref_slice %arg5[%rem3A_58, %dma_start3A_431, %dma_start3A_432, %dma_start3A_433] : memref<2x2x16x128xi32, #tpu.memory_space<vmem>> -> memref<1x2x16x128xi32, #tpu.memory_space<vmem>>
      %dma_start3A_435 = tpu.memref_squeeze %dma_start3A_434 : memref<1x2x16x128xi32, #tpu.memory_space<vmem>> -> memref<2x16x128xi32, #tpu.memory_space<vmem>>
      %dma_start3A_436 = arith.constant 0 : i32
      %dma_start3A_437 = tpu.memref_slice %dma_start3A_435[%dma_start3A_424, %dma_start3A_425, %dma_start3A_436] : memref<2x16x128xi32, #tpu.memory_space<vmem>> -> memref<1x1x128xi32, #tpu.memory_space<vmem>>
      %dma_start3A_438 = tpu.memref_squeeze %dma_start3A_437 : memref<1x1x128xi32, #tpu.memory_space<vmem>> -> memref<128xi32, #tpu.memory_space<vmem>>
      %dma_start3A_439 = arith.constant 0 : i32
      %dma_start3A_440 = arith.constant 0 : i32
      %dma_start3A_441 = tpu.memref_slice %arg2[%dma_start3A_439, %dma_start3A_440] : memref<100000x16xf32, #tpu.memory_space<hbm>> -> memref<100000x16xf32, #tpu.memory_space<hbm>>
      tpu.enqueue_indirect_dma source(%dma_start3A_441 : memref<100000x16xf32, #tpu.memory_space<hbm>>) target(%dma_start3A_430 : memref<128x16xf32, #tpu.memory_space<vmem>>) offsets(%dma_start3A_438 : memref<128xi32, #tpu.memory_space<vmem>>) semaphore(%arg11 : memref<!tpu.dma_semaphore, #tpu.memory_space<semaphore_mem>>)
      %dma_wait3A_442 = arith.constant 1 : i32
      %dma_wait3A_443 = arith.constant 3 : i32
      %dma_wait3A_444 = arith.constant 3 : i32
      %dma_wait3A_445 = arith.constant 0 : i32
      %dma_wait3A_446 = arith.constant 0 : i32
      %dma_wait3A_447 = tpu.memref_slice %arg6[%dma_wait3A_444, %dma_wait3A_445, %dma_wait3A_446] : memref<8x128x16xf32, #tpu.memory_space<vmem>> -> memref<1x128x16xf32, #tpu.memory_space<vmem>>
      %dma_wait3A_448 = tpu.memref_squeeze %dma_wait3A_447 : memref<1x128x16xf32, #tpu.memory_space<vmem>> -> memref<128x16xf32, #tpu.memory_space<vmem>>
      %dma_wait3A_449 = arith.constant 0 : i32
      %dma_wait3A_450 = arith.constant 0 : i32
      %dma_wait3A_451 = arith.constant 0 : i32
      %dma_wait3A_452 = tpu.memref_slice %arg5[%rem3A_58, %dma_wait3A_449, %dma_wait3A_450, %dma_wait3A_451] : memref<2x2x16x128xi32, #tpu.memory_space<vmem>> -> memref<1x2x16x128xi32, #tpu.memory_space<vmem>>
      %dma_wait3A_453 = tpu.memref_squeeze %dma_wait3A_452 : memref<1x2x16x128xi32, #tpu.memory_space<vmem>> -> memref<2x16x128xi32, #tpu.memory_space<vmem>>
      %dma_wait3A_454 = arith.constant 0 : i32
      %dma_wait3A_455 = tpu.memref_slice %dma_wait3A_453[%dma_wait3A_442, %dma_wait3A_443, %dma_wait3A_454] : memref<2x16x128xi32, #tpu.memory_space<vmem>> -> memref<1x1x128xi32, #tpu.memory_space<vmem>>
      %dma_wait3A_456 = tpu.memref_squeeze %dma_wait3A_455 : memref<1x1x128xi32, #tpu.memory_space<vmem>> -> memref<128xi32, #tpu.memory_space<vmem>>
      %dma_wait3A_457 = arith.constant 0 : i32
      %dma_wait3A_458 = arith.constant 0 : i32
      %dma_wait3A_459 = tpu.memref_slice %arg2[%dma_wait3A_457, %dma_wait3A_458] : memref<100000x16xf32, #tpu.memory_space<hbm>> -> memref<100000x16xf32, #tpu.memory_space<hbm>>
      tpu.wait_indirect_dma semaphore(%arg12 : memref<!tpu.dma_semaphore, #tpu.memory_space<semaphore_mem>>) src(%dma_wait3A_459 : memref<100000x16xf32, #tpu.memory_space<hbm>>) dst(%dma_wait3A_448 : memref<128x16xf32, #tpu.memory_space<vmem>>)
      %dma_start3A_460 = arith.constant 3 : i32
      %dma_start3A_461 = arith.constant 0 : i32
      %dma_start3A_462 = arith.constant 3 : i32
      %dma_start3A_463 = arith.constant 0 : i32
      %dma_start3A_464 = arith.constant 0 : i32
      %dma_start3A_465 = tpu.memref_slice %arg6[%dma_start3A_460, %dma_start3A_463, %dma_start3A_464] : memref<8x128x16xf32, #tpu.memory_space<vmem>> -> memref<1x128x16xf32, #tpu.memory_space<vmem>>
      %dma_start3A_466 = tpu.memref_squeeze %dma_start3A_465 : memref<1x128x16xf32, #tpu.memory_space<vmem>> -> memref<128x16xf32, #tpu.memory_space<vmem>>
      %dma_start3A_467 = arith.constant 0 : i32
      %dma_start3A_468 = arith.constant 0 : i32
      %dma_start3A_469 = arith.constant 0 : i32
      %dma_start3A_470 = tpu.memref_slice %arg5[%rem3A_58, %dma_start3A_467, %dma_start3A_468, %dma_start3A_469] : memref<2x2x16x128xi32, #tpu.memory_space<vmem>> -> memref<1x2x16x128xi32, #tpu.memory_space<vmem>>
      %dma_start3A_471 = tpu.memref_squeeze %dma_start3A_470 : memref<1x2x16x128xi32, #tpu.memory_space<vmem>> -> memref<2x16x128xi32, #tpu.memory_space<vmem>>
      %dma_start3A_472 = arith.constant 0 : i32
      %dma_start3A_473 = tpu.memref_slice %dma_start3A_471[%dma_start3A_461, %dma_start3A_462, %dma_start3A_472] : memref<2x16x128xi32, #tpu.memory_space<vmem>> -> memref<1x1x128xi32, #tpu.memory_space<vmem>>
      %dma_start3A_474 = tpu.memref_squeeze %dma_start3A_473 : memref<1x1x128xi32, #tpu.memory_space<vmem>> -> memref<128xi32, #tpu.memory_space<vmem>>
      %dma_start3A_475 = arith.constant 0 : i32
      %dma_start3A_476 = arith.constant 0 : i32
      %dma_start3A_477 = tpu.memref_slice %arg7[%dma_start3A_475, %dma_start3A_476] : memref<100352x16xf32, #tpu.memory_space<vmem_shared>> -> memref<100352x16xf32, #tpu.memory_space<vmem_shared>>
      tpu.enqueue_indirect_dma source(%dma_start3A_466 : memref<128x16xf32, #tpu.memory_space<vmem>>) target(%dma_start3A_477 : memref<100352x16xf32, #tpu.memory_space<vmem_shared>>) offsets(%dma_start3A_474 : memref<128xi32, #tpu.memory_space<vmem>>) semaphore(%arg20 : memref<!tpu.dma_semaphore, #tpu.memory_space<semaphore_mem>>) {add = true}
      %dma_wait3A_478 = arith.constant 3 : i32
      %dma_wait3A_479 = arith.constant 0 : i32
      %dma_wait3A_480 = arith.constant 3 : i32
      %dma_wait3A_481 = arith.constant 0 : i32
      %dma_wait3A_482 = arith.constant 0 : i32
      %dma_wait3A_483 = tpu.memref_slice %arg6[%dma_wait3A_478, %dma_wait3A_481, %dma_wait3A_482] : memref<8x128x16xf32, #tpu.memory_space<vmem>> -> memref<1x128x16xf32, #tpu.memory_space<vmem>>
      %dma_wait3A_484 = tpu.memref_squeeze %dma_wait3A_483 : memref<1x128x16xf32, #tpu.memory_space<vmem>> -> memref<128x16xf32, #tpu.memory_space<vmem>>
      %dma_wait3A_485 = arith.constant 0 : i32
      %dma_wait3A_486 = arith.constant 0 : i32
      %dma_wait3A_487 = arith.constant 0 : i32
      %dma_wait3A_488 = tpu.memref_slice %arg5[%rem3A_58, %dma_wait3A_485, %dma_wait3A_486, %dma_wait3A_487] : memref<2x2x16x128xi32, #tpu.memory_space<vmem>> -> memref<1x2x16x128xi32, #tpu.memory_space<vmem>>
      %dma_wait3A_489 = tpu.memref_squeeze %dma_wait3A_488 : memref<1x2x16x128xi32, #tpu.memory_space<vmem>> -> memref<2x16x128xi32, #tpu.memory_space<vmem>>
      %dma_wait3A_490 = arith.constant 0 : i32
      %dma_wait3A_491 = tpu.memref_slice %dma_wait3A_489[%dma_wait3A_479, %dma_wait3A_480, %dma_wait3A_490] : memref<2x16x128xi32, #tpu.memory_space<vmem>> -> memref<1x1x128xi32, #tpu.memory_space<vmem>>
      %dma_wait3A_492 = tpu.memref_squeeze %dma_wait3A_491 : memref<1x1x128xi32, #tpu.memory_space<vmem>> -> memref<128xi32, #tpu.memory_space<vmem>>
      %dma_wait3A_493 = arith.constant 0 : i32
      %dma_wait3A_494 = arith.constant 0 : i32
      %dma_wait3A_495 = tpu.memref_slice %arg7[%dma_wait3A_493, %dma_wait3A_494] : memref<100352x16xf32, #tpu.memory_space<vmem_shared>> -> memref<100352x16xf32, #tpu.memory_space<vmem_shared>>
      tpu.wait_indirect_dma semaphore(%arg20 : memref<!tpu.dma_semaphore, #tpu.memory_space<semaphore_mem>>) src(%dma_wait3A_484 : memref<128x16xf32, #tpu.memory_space<vmem>>) dst(%dma_wait3A_495 : memref<100352x16xf32, #tpu.memory_space<vmem_shared>>)
      %dma_start3A_496 = arith.constant 1 : i32
      %dma_start3A_497 = arith.constant 11 : i32
      %dma_start3A_498 = arith.constant 3 : i32
      %dma_start3A_499 = arith.constant 0 : i32
      %dma_start3A_500 = arith.constant 0 : i32
      %dma_start3A_501 = tpu.memref_slice %arg6[%dma_start3A_498, %dma_start3A_499, %dma_start3A_500] : memref<8x128x16xf32, #tpu.memory_space<vmem>> -> memref<1x128x16xf32, #tpu.memory_space<vmem>>
      %dma_start3A_502 = tpu.memref_squeeze %dma_start3A_501 : memref<1x128x16xf32, #tpu.memory_space<vmem>> -> memref<128x16xf32, #tpu.memory_space<vmem>>
      %dma_start3A_503 = arith.constant 0 : i32
      %dma_start3A_504 = arith.constant 0 : i32
      %dma_start3A_505 = arith.constant 0 : i32
      %dma_start3A_506 = tpu.memref_slice %arg5[%rem3A_58, %dma_start3A_503, %dma_start3A_504, %dma_start3A_505] : memref<2x2x16x128xi32, #tpu.memory_space<vmem>> -> memref<1x2x16x128xi32, #tpu.memory_space<vmem>>
      %dma_start3A_507 = tpu.memref_squeeze %dma_start3A_506 : memref<1x2x16x128xi32, #tpu.memory_space<vmem>> -> memref<2x16x128xi32, #tpu.memory_space<vmem>>
      %dma_start3A_508 = arith.constant 0 : i32
      %dma_start3A_509 = tpu.memref_slice %dma_start3A_507[%dma_start3A_496, %dma_start3A_497, %dma_start3A_508] : memref<2x16x128xi32, #tpu.memory_space<vmem>> -> memref<1x1x128xi32, #tpu.memory_space<vmem>>
      %dma_start3A_510 = tpu.memref_squeeze %dma_start3A_509 : memref<1x1x128xi32, #tpu.memory_space<vmem>> -> memref<128xi32, #tpu.memory_space<vmem>>
      %dma_start3A_511 = arith.constant 0 : i32
      %dma_start3A_512 = arith.constant 0 : i32
      %dma_start3A_513 = tpu.memref_slice %arg2[%dma_start3A_511, %dma_start3A_512] : memref<100000x16xf32, #tpu.memory_space<hbm>> -> memref<100000x16xf32, #tpu.memory_space<hbm>>
      tpu.enqueue_indirect_dma source(%dma_start3A_513 : memref<100000x16xf32, #tpu.memory_space<hbm>>) target(%dma_start3A_502 : memref<128x16xf32, #tpu.memory_space<vmem>>) offsets(%dma_start3A_510 : memref<128xi32, #tpu.memory_space<vmem>>) semaphore(%arg12 : memref<!tpu.dma_semaphore, #tpu.memory_space<semaphore_mem>>)
      %dma_wait3A_514 = arith.constant 1 : i32
      %dma_wait3A_515 = arith.constant 4 : i32
      %dma_wait3A_516 = arith.constant 4 : i32
      %dma_wait3A_517 = arith.constant 0 : i32
      %dma_wait3A_518 = arith.constant 0 : i32
      %dma_wait3A_519 = tpu.memref_slice %arg6[%dma_wait3A_516, %dma_wait3A_517, %dma_wait3A_518] : memref<8x128x16xf32, #tpu.memory_space<vmem>> -> memref<1x128x16xf32, #tpu.memory_space<vmem>>
      %dma_wait3A_520 = tpu.memref_squeeze %dma_wait3A_519 : memref<1x128x16xf32, #tpu.memory_space<vmem>> -> memref<128x16xf32, #tpu.memory_space<vmem>>
      %dma_wait3A_521 = arith.constant 0 : i32
      %dma_wait3A_522 = arith.constant 0 : i32
      %dma_wait3A_523 = arith.constant 0 : i32
      %dma_wait3A_524 = tpu.memref_slice %arg5[%rem3A_58, %dma_wait3A_521, %dma_wait3A_522, %dma_wait3A_523] : memref<2x2x16x128xi32, #tpu.memory_space<vmem>> -> memref<1x2x16x128xi32, #tpu.memory_space<vmem>>
      %dma_wait3A_525 = tpu.memref_squeeze %dma_wait3A_524 : memref<1x2x16x128xi32, #tpu.memory_space<vmem>> -> memref<2x16x128xi32, #tpu.memory_space<vmem>>
      %dma_wait3A_526 = arith.constant 0 : i32
      %dma_wait3A_527 = tpu.memref_slice %dma_wait3A_525[%dma_wait3A_514, %dma_wait3A_515, %dma_wait3A_526] : memref<2x16x128xi32, #tpu.memory_space<vmem>> -> memref<1x1x128xi32, #tpu.memory_space<vmem>>
      %dma_wait3A_528 = tpu.memref_squeeze %dma_wait3A_527 : memref<1x1x128xi32, #tpu.memory_space<vmem>> -> memref<128xi32, #tpu.memory_space<vmem>>
      %dma_wait3A_529 = arith.constant 0 : i32
      %dma_wait3A_530 = arith.constant 0 : i32
      %dma_wait3A_531 = tpu.memref_slice %arg2[%dma_wait3A_529, %dma_wait3A_530] : memref<100000x16xf32, #tpu.memory_space<hbm>> -> memref<100000x16xf32, #tpu.memory_space<hbm>>
      tpu.wait_indirect_dma semaphore(%arg13 : memref<!tpu.dma_semaphore, #tpu.memory_space<semaphore_mem>>) src(%dma_wait3A_531 : memref<100000x16xf32, #tpu.memory_space<hbm>>) dst(%dma_wait3A_520 : memref<128x16xf32, #tpu.memory_space<vmem>>)
      %dma_start3A_532 = arith.constant 4 : i32
      %dma_start3A_533 = arith.constant 0 : i32
      %dma_start3A_534 = arith.constant 4 : i32
      %dma_start3A_535 = arith.constant 0 : i32
      %dma_start3A_536 = arith.constant 0 : i32
      %dma_start3A_537 = tpu.memref_slice %arg6[%dma_start3A_532, %dma_start3A_535, %dma_start3A_536] : memref<8x128x16xf32, #tpu.memory_space<vmem>> -> memref<1x128x16xf32, #tpu.memory_space<vmem>>
      %dma_start3A_538 = tpu.memref_squeeze %dma_start3A_537 : memref<1x128x16xf32, #tpu.memory_space<vmem>> -> memref<128x16xf32, #tpu.memory_space<vmem>>
      %dma_start3A_539 = arith.constant 0 : i32
      %dma_start3A_540 = arith.constant 0 : i32
      %dma_start3A_541 = arith.constant 0 : i32
      %dma_start3A_542 = tpu.memref_slice %arg5[%rem3A_58, %dma_start3A_539, %dma_start3A_540, %dma_start3A_541] : memref<2x2x16x128xi32, #tpu.memory_space<vmem>> -> memref<1x2x16x128xi32, #tpu.memory_space<vmem>>
      %dma_start3A_543 = tpu.memref_squeeze %dma_start3A_542 : memref<1x2x16x128xi32, #tpu.memory_space<vmem>> -> memref<2x16x128xi32, #tpu.memory_space<vmem>>
      %dma_start3A_544 = arith.constant 0 : i32
      %dma_start3A_545 = tpu.memref_slice %dma_start3A_543[%dma_start3A_533, %dma_start3A_534, %dma_start3A_544] : memref<2x16x128xi32, #tpu.memory_space<vmem>> -> memref<1x1x128xi32, #tpu.memory_space<vmem>>
      %dma_start3A_546 = tpu.memref_squeeze %dma_start3A_545 : memref<1x1x128xi32, #tpu.memory_space<vmem>> -> memref<128xi32, #tpu.memory_space<vmem>>
      %dma_start3A_547 = arith.constant 0 : i32
      %dma_start3A_548 = arith.constant 0 : i32
      %dma_start3A_549 = tpu.memref_slice %arg7[%dma_start3A_547, %dma_start3A_548] : memref<100352x16xf32, #tpu.memory_space<vmem_shared>> -> memref<100352x16xf32, #tpu.memory_space<vmem_shared>>
      tpu.enqueue_indirect_dma source(%dma_start3A_538 : memref<128x16xf32, #tpu.memory_space<vmem>>) target(%dma_start3A_549 : memref<100352x16xf32, #tpu.memory_space<vmem_shared>>) offsets(%dma_start3A_546 : memref<128xi32, #tpu.memory_space<vmem>>) semaphore(%arg21 : memref<!tpu.dma_semaphore, #tpu.memory_space<semaphore_mem>>) {add = true}
      %dma_wait3A_550 = arith.constant 4 : i32
      %dma_wait3A_551 = arith.constant 0 : i32
      %dma_wait3A_552 = arith.constant 4 : i32
      %dma_wait3A_553 = arith.constant 0 : i32
      %dma_wait3A_554 = arith.constant 0 : i32
      %dma_wait3A_555 = tpu.memref_slice %arg6[%dma_wait3A_550, %dma_wait3A_553, %dma_wait3A_554] : memref<8x128x16xf32, #tpu.memory_space<vmem>> -> memref<1x128x16xf32, #tpu.memory_space<vmem>>
      %dma_wait3A_556 = tpu.memref_squeeze %dma_wait3A_555 : memref<1x128x16xf32, #tpu.memory_space<vmem>> -> memref<128x16xf32, #tpu.memory_space<vmem>>
      %dma_wait3A_557 = arith.constant 0 : i32
      %dma_wait3A_558 = arith.constant 0 : i32
      %dma_wait3A_559 = arith.constant 0 : i32
      %dma_wait3A_560 = tpu.memref_slice %arg5[%rem3A_58, %dma_wait3A_557, %dma_wait3A_558, %dma_wait3A_559] : memref<2x2x16x128xi32, #tpu.memory_space<vmem>> -> memref<1x2x16x128xi32, #tpu.memory_space<vmem>>
      %dma_wait3A_561 = tpu.memref_squeeze %dma_wait3A_560 : memref<1x2x16x128xi32, #tpu.memory_space<vmem>> -> memref<2x16x128xi32, #tpu.memory_space<vmem>>
      %dma_wait3A_562 = arith.constant 0 : i32
      %dma_wait3A_563 = tpu.memref_slice %dma_wait3A_561[%dma_wait3A_551, %dma_wait3A_552, %dma_wait3A_562] : memref<2x16x128xi32, #tpu.memory_space<vmem>> -> memref<1x1x128xi32, #tpu.memory_space<vmem>>
      %dma_wait3A_564 = tpu.memref_squeeze %dma_wait3A_563 : memref<1x1x128xi32, #tpu.memory_space<vmem>> -> memref<128xi32, #tpu.memory_space<vmem>>
      %dma_wait3A_565 = arith.constant 0 : i32
      %dma_wait3A_566 = arith.constant 0 : i32
      %dma_wait3A_567 = tpu.memref_slice %arg7[%dma_wait3A_565, %dma_wait3A_566] : memref<100352x16xf32, #tpu.memory_space<vmem_shared>> -> memref<100352x16xf32, #tpu.memory_space<vmem_shared>>
      tpu.wait_indirect_dma semaphore(%arg21 : memref<!tpu.dma_semaphore, #tpu.memory_space<semaphore_mem>>) src(%dma_wait3A_556 : memref<128x16xf32, #tpu.memory_space<vmem>>) dst(%dma_wait3A_567 : memref<100352x16xf32, #tpu.memory_space<vmem_shared>>)
      %dma_start3A_568 = arith.constant 1 : i32
      %dma_start3A_569 = arith.constant 12 : i32
      %dma_start3A_570 = arith.constant 4 : i32
      %dma_start3A_571 = arith.constant 0 : i32
      %dma_start3A_572 = arith.constant 0 : i32
      %dma_start3A_573 = tpu.memref_slice %arg6[%dma_start3A_570, %dma_start3A_571, %dma_start3A_572] : memref<8x128x16xf32, #tpu.memory_space<vmem>> -> memref<1x128x16xf32, #tpu.memory_space<vmem>>
      %dma_start3A_574 = tpu.memref_squeeze %dma_start3A_573 : memref<1x128x16xf32, #tpu.memory_space<vmem>> -> memref<128x16xf32, #tpu.memory_space<vmem>>
      %dma_start3A_575 = arith.constant 0 : i32
      %dma_start3A_576 = arith.constant 0 : i32
      %dma_start3A_577 = arith.constant 0 : i32
      %dma_start3A_578 = tpu.memref_slice %arg5[%rem3A_58, %dma_start3A_575, %dma_start3A_576, %dma_start3A_577] : memref<2x2x16x128xi32, #tpu.memory_space<vmem>> -> memref<1x2x16x128xi32, #tpu.memory_space<vmem>>
      %dma_start3A_579 = tpu.memref_squeeze %dma_start3A_578 : memref<1x2x16x128xi32, #tpu.memory_space<vmem>> -> memref<2x16x128xi32, #tpu.memory_space<vmem>>
      %dma_start3A_580 = arith.constant 0 : i32
      %dma_start3A_581 = tpu.memref_slice %dma_start3A_579[%dma_start3A_568, %dma_start3A_569, %dma_start3A_580] : memref<2x16x128xi32, #tpu.memory_space<vmem>> -> memref<1x1x128xi32, #tpu.memory_space<vmem>>
      %dma_start3A_582 = tpu.memref_squeeze %dma_start3A_581 : memref<1x1x128xi32, #tpu.memory_space<vmem>> -> memref<128xi32, #tpu.memory_space<vmem>>
      %dma_start3A_583 = arith.constant 0 : i32
      %dma_start3A_584 = arith.constant 0 : i32
      %dma_start3A_585 = tpu.memref_slice %arg2[%dma_start3A_583, %dma_start3A_584] : memref<100000x16xf32, #tpu.memory_space<hbm>> -> memref<100000x16xf32, #tpu.memory_space<hbm>>
      tpu.enqueue_indirect_dma source(%dma_start3A_585 : memref<100000x16xf32, #tpu.memory_space<hbm>>) target(%dma_start3A_574 : memref<128x16xf32, #tpu.memory_space<vmem>>) offsets(%dma_start3A_582 : memref<128xi32, #tpu.memory_space<vmem>>) semaphore(%arg13 : memref<!tpu.dma_semaphore, #tpu.memory_space<semaphore_mem>>)
      %dma_wait3A_586 = arith.constant 1 : i32
      %dma_wait3A_587 = arith.constant 5 : i32
      %dma_wait3A_588 = arith.constant 5 : i32
      %dma_wait3A_589 = arith.constant 0 : i32
      %dma_wait3A_590 = arith.constant 0 : i32
      %dma_wait3A_591 = tpu.memref_slice %arg6[%dma_wait3A_588, %dma_wait3A_589, %dma_wait3A_590] : memref<8x128x16xf32, #tpu.memory_space<vmem>> -> memref<1x128x16xf32, #tpu.memory_space<vmem>>
      %dma_wait3A_592 = tpu.memref_squeeze %dma_wait3A_591 : memref<1x128x16xf32, #tpu.memory_space<vmem>> -> memref<128x16xf32, #tpu.memory_space<vmem>>
      %dma_wait3A_593 = arith.constant 0 : i32
      %dma_wait3A_594 = arith.constant 0 : i32
      %dma_wait3A_595 = arith.constant 0 : i32
      %dma_wait3A_596 = tpu.memref_slice %arg5[%rem3A_58, %dma_wait3A_593, %dma_wait3A_594, %dma_wait3A_595] : memref<2x2x16x128xi32, #tpu.memory_space<vmem>> -> memref<1x2x16x128xi32, #tpu.memory_space<vmem>>
      %dma_wait3A_597 = tpu.memref_squeeze %dma_wait3A_596 : memref<1x2x16x128xi32, #tpu.memory_space<vmem>> -> memref<2x16x128xi32, #tpu.memory_space<vmem>>
      %dma_wait3A_598 = arith.constant 0 : i32
      %dma_wait3A_599 = tpu.memref_slice %dma_wait3A_597[%dma_wait3A_586, %dma_wait3A_587, %dma_wait3A_598] : memref<2x16x128xi32, #tpu.memory_space<vmem>> -> memref<1x1x128xi32, #tpu.memory_space<vmem>>
      %dma_wait3A_600 = tpu.memref_squeeze %dma_wait3A_599 : memref<1x1x128xi32, #tpu.memory_space<vmem>> -> memref<128xi32, #tpu.memory_space<vmem>>
      %dma_wait3A_601 = arith.constant 0 : i32
      %dma_wait3A_602 = arith.constant 0 : i32
      %dma_wait3A_603 = tpu.memref_slice %arg2[%dma_wait3A_601, %dma_wait3A_602] : memref<100000x16xf32, #tpu.memory_space<hbm>> -> memref<100000x16xf32, #tpu.memory_space<hbm>>
      tpu.wait_indirect_dma semaphore(%arg14 : memref<!tpu.dma_semaphore, #tpu.memory_space<semaphore_mem>>) src(%dma_wait3A_603 : memref<100000x16xf32, #tpu.memory_space<hbm>>) dst(%dma_wait3A_592 : memref<128x16xf32, #tpu.memory_space<vmem>>)
      %dma_start3A_604 = arith.constant 5 : i32
      %dma_start3A_605 = arith.constant 0 : i32
      %dma_start3A_606 = arith.constant 5 : i32
      %dma_start3A_607 = arith.constant 0 : i32
      %dma_start3A_608 = arith.constant 0 : i32
      %dma_start3A_609 = tpu.memref_slice %arg6[%dma_start3A_604, %dma_start3A_607, %dma_start3A_608] : memref<8x128x16xf32, #tpu.memory_space<vmem>> -> memref<1x128x16xf32, #tpu.memory_space<vmem>>
      %dma_start3A_610 = tpu.memref_squeeze %dma_start3A_609 : memref<1x128x16xf32, #tpu.memory_space<vmem>> -> memref<128x16xf32, #tpu.memory_space<vmem>>
      %dma_start3A_611 = arith.constant 0 : i32
      %dma_start3A_612 = arith.constant 0 : i32
      %dma_start3A_613 = arith.constant 0 : i32
      %dma_start3A_614 = tpu.memref_slice %arg5[%rem3A_58, %dma_start3A_611, %dma_start3A_612, %dma_start3A_613] : memref<2x2x16x128xi32, #tpu.memory_space<vmem>> -> memref<1x2x16x128xi32, #tpu.memory_space<vmem>>
      %dma_start3A_615 = tpu.memref_squeeze %dma_start3A_614 : memref<1x2x16x128xi32, #tpu.memory_space<vmem>> -> memref<2x16x128xi32, #tpu.memory_space<vmem>>
      %dma_start3A_616 = arith.constant 0 : i32
      %dma_start3A_617 = tpu.memref_slice %dma_start3A_615[%dma_start3A_605, %dma_start3A_606, %dma_start3A_616] : memref<2x16x128xi32, #tpu.memory_space<vmem>> -> memref<1x1x128xi32, #tpu.memory_space<vmem>>
      %dma_start3A_618 = tpu.memref_squeeze %dma_start3A_617 : memref<1x1x128xi32, #tpu.memory_space<vmem>> -> memref<128xi32, #tpu.memory_space<vmem>>
      %dma_start3A_619 = arith.constant 0 : i32
      %dma_start3A_620 = arith.constant 0 : i32
      %dma_start3A_621 = tpu.memref_slice %arg7[%dma_start3A_619, %dma_start3A_620] : memref<100352x16xf32, #tpu.memory_space<vmem_shared>> -> memref<100352x16xf32, #tpu.memory_space<vmem_shared>>
      tpu.enqueue_indirect_dma source(%dma_start3A_610 : memref<128x16xf32, #tpu.memory_space<vmem>>) target(%dma_start3A_621 : memref<100352x16xf32, #tpu.memory_space<vmem_shared>>) offsets(%dma_start3A_618 : memref<128xi32, #tpu.memory_space<vmem>>) semaphore(%arg22 : memref<!tpu.dma_semaphore, #tpu.memory_space<semaphore_mem>>) {add = true}
      %dma_wait3A_622 = arith.constant 5 : i32
      %dma_wait3A_623 = arith.constant 0 : i32
      %dma_wait3A_624 = arith.constant 5 : i32
      %dma_wait3A_625 = arith.constant 0 : i32
      %dma_wait3A_626 = arith.constant 0 : i32
      %dma_wait3A_627 = tpu.memref_slice %arg6[%dma_wait3A_622, %dma_wait3A_625, %dma_wait3A_626] : memref<8x128x16xf32, #tpu.memory_space<vmem>> -> memref<1x128x16xf32, #tpu.memory_space<vmem>>
      %dma_wait3A_628 = tpu.memref_squeeze %dma_wait3A_627 : memref<1x128x16xf32, #tpu.memory_space<vmem>> -> memref<128x16xf32, #tpu.memory_space<vmem>>
      %dma_wait3A_629 = arith.constant 0 : i32
      %dma_wait3A_630 = arith.constant 0 : i32
      %dma_wait3A_631 = arith.constant 0 : i32
      %dma_wait3A_632 = tpu.memref_slice %arg5[%rem3A_58, %dma_wait3A_629, %dma_wait3A_630, %dma_wait3A_631] : memref<2x2x16x128xi32, #tpu.memory_space<vmem>> -> memref<1x2x16x128xi32, #tpu.memory_space<vmem>>
      %dma_wait3A_633 = tpu.memref_squeeze %dma_wait3A_632 : memref<1x2x16x128xi32, #tpu.memory_space<vmem>> -> memref<2x16x128xi32, #tpu.memory_space<vmem>>
      %dma_wait3A_634 = arith.constant 0 : i32
      %dma_wait3A_635 = tpu.memref_slice %dma_wait3A_633[%dma_wait3A_623, %dma_wait3A_624, %dma_wait3A_634] : memref<2x16x128xi32, #tpu.memory_space<vmem>> -> memref<1x1x128xi32, #tpu.memory_space<vmem>>
      %dma_wait3A_636 = tpu.memref_squeeze %dma_wait3A_635 : memref<1x1x128xi32, #tpu.memory_space<vmem>> -> memref<128xi32, #tpu.memory_space<vmem>>
      %dma_wait3A_637 = arith.constant 0 : i32
      %dma_wait3A_638 = arith.constant 0 : i32
      %dma_wait3A_639 = tpu.memref_slice %arg7[%dma_wait3A_637, %dma_wait3A_638] : memref<100352x16xf32, #tpu.memory_space<vmem_shared>> -> memref<100352x16xf32, #tpu.memory_space<vmem_shared>>
      tpu.wait_indirect_dma semaphore(%arg22 : memref<!tpu.dma_semaphore, #tpu.memory_space<semaphore_mem>>) src(%dma_wait3A_628 : memref<128x16xf32, #tpu.memory_space<vmem>>) dst(%dma_wait3A_639 : memref<100352x16xf32, #tpu.memory_space<vmem_shared>>)
      %dma_start3A_640 = arith.constant 1 : i32
      %dma_start3A_641 = arith.constant 13 : i32
      %dma_start3A_642 = arith.constant 5 : i32
      %dma_start3A_643 = arith.constant 0 : i32
      %dma_start3A_644 = arith.constant 0 : i32
      %dma_start3A_645 = tpu.memref_slice %arg6[%dma_start3A_642, %dma_start3A_643, %dma_start3A_644] : memref<8x128x16xf32, #tpu.memory_space<vmem>> -> memref<1x128x16xf32, #tpu.memory_space<vmem>>
      %dma_start3A_646 = tpu.memref_squeeze %dma_start3A_645 : memref<1x128x16xf32, #tpu.memory_space<vmem>> -> memref<128x16xf32, #tpu.memory_space<vmem>>
      %dma_start3A_647 = arith.constant 0 : i32
      %dma_start3A_648 = arith.constant 0 : i32
      %dma_start3A_649 = arith.constant 0 : i32
      %dma_start3A_650 = tpu.memref_slice %arg5[%rem3A_58, %dma_start3A_647, %dma_start3A_648, %dma_start3A_649] : memref<2x2x16x128xi32, #tpu.memory_space<vmem>> -> memref<1x2x16x128xi32, #tpu.memory_space<vmem>>
      %dma_start3A_651 = tpu.memref_squeeze %dma_start3A_650 : memref<1x2x16x128xi32, #tpu.memory_space<vmem>> -> memref<2x16x128xi32, #tpu.memory_space<vmem>>
      %dma_start3A_652 = arith.constant 0 : i32
      %dma_start3A_653 = tpu.memref_slice %dma_start3A_651[%dma_start3A_640, %dma_start3A_641, %dma_start3A_652] : memref<2x16x128xi32, #tpu.memory_space<vmem>> -> memref<1x1x128xi32, #tpu.memory_space<vmem>>
      %dma_start3A_654 = tpu.memref_squeeze %dma_start3A_653 : memref<1x1x128xi32, #tpu.memory_space<vmem>> -> memref<128xi32, #tpu.memory_space<vmem>>
      %dma_start3A_655 = arith.constant 0 : i32
      %dma_start3A_656 = arith.constant 0 : i32
      %dma_start3A_657 = tpu.memref_slice %arg2[%dma_start3A_655, %dma_start3A_656] : memref<100000x16xf32, #tpu.memory_space<hbm>> -> memref<100000x16xf32, #tpu.memory_space<hbm>>
      tpu.enqueue_indirect_dma source(%dma_start3A_657 : memref<100000x16xf32, #tpu.memory_space<hbm>>) target(%dma_start3A_646 : memref<128x16xf32, #tpu.memory_space<vmem>>) offsets(%dma_start3A_654 : memref<128xi32, #tpu.memory_space<vmem>>) semaphore(%arg14 : memref<!tpu.dma_semaphore, #tpu.memory_space<semaphore_mem>>)
      %dma_wait3A_658 = arith.constant 1 : i32
      %dma_wait3A_659 = arith.constant 6 : i32
      %dma_wait3A_660 = arith.constant 6 : i32
      %dma_wait3A_661 = arith.constant 0 : i32
      %dma_wait3A_662 = arith.constant 0 : i32
      %dma_wait3A_663 = tpu.memref_slice %arg6[%dma_wait3A_660, %dma_wait3A_661, %dma_wait3A_662] : memref<8x128x16xf32, #tpu.memory_space<vmem>> -> memref<1x128x16xf32, #tpu.memory_space<vmem>>
      %dma_wait3A_664 = tpu.memref_squeeze %dma_wait3A_663 : memref<1x128x16xf32, #tpu.memory_space<vmem>> -> memref<128x16xf32, #tpu.memory_space<vmem>>
      %dma_wait3A_665 = arith.constant 0 : i32
      %dma_wait3A_666 = arith.constant 0 : i32
      %dma_wait3A_667 = arith.constant 0 : i32
      %dma_wait3A_668 = tpu.memref_slice %arg5[%rem3A_58, %dma_wait3A_665, %dma_wait3A_666, %dma_wait3A_667] : memref<2x2x16x128xi32, #tpu.memory_space<vmem>> -> memref<1x2x16x128xi32, #tpu.memory_space<vmem>>
      %dma_wait3A_669 = tpu.memref_squeeze %dma_wait3A_668 : memref<1x2x16x128xi32, #tpu.memory_space<vmem>> -> memref<2x16x128xi32, #tpu.memory_space<vmem>>
      %dma_wait3A_670 = arith.constant 0 : i32
      %dma_wait3A_671 = tpu.memref_slice %dma_wait3A_669[%dma_wait3A_658, %dma_wait3A_659, %dma_wait3A_670] : memref<2x16x128xi32, #tpu.memory_space<vmem>> -> memref<1x1x128xi32, #tpu.memory_space<vmem>>
      %dma_wait3A_672 = tpu.memref_squeeze %dma_wait3A_671 : memref<1x1x128xi32, #tpu.memory_space<vmem>> -> memref<128xi32, #tpu.memory_space<vmem>>
      %dma_wait3A_673 = arith.constant 0 : i32
      %dma_wait3A_674 = arith.constant 0 : i32
      %dma_wait3A_675 = tpu.memref_slice %arg2[%dma_wait3A_673, %dma_wait3A_674] : memref<100000x16xf32, #tpu.memory_space<hbm>> -> memref<100000x16xf32, #tpu.memory_space<hbm>>
      tpu.wait_indirect_dma semaphore(%arg15 : memref<!tpu.dma_semaphore, #tpu.memory_space<semaphore_mem>>) src(%dma_wait3A_675 : memref<100000x16xf32, #tpu.memory_space<hbm>>) dst(%dma_wait3A_664 : memref<128x16xf32, #tpu.memory_space<vmem>>)
      %dma_start3A_676 = arith.constant 6 : i32
      %dma_start3A_677 = arith.constant 0 : i32
      %dma_start3A_678 = arith.constant 6 : i32
      %dma_start3A_679 = arith.constant 0 : i32
      %dma_start3A_680 = arith.constant 0 : i32
      %dma_start3A_681 = tpu.memref_slice %arg6[%dma_start3A_676, %dma_start3A_679, %dma_start3A_680] : memref<8x128x16xf32, #tpu.memory_space<vmem>> -> memref<1x128x16xf32, #tpu.memory_space<vmem>>
      %dma_start3A_682 = tpu.memref_squeeze %dma_start3A_681 : memref<1x128x16xf32, #tpu.memory_space<vmem>> -> memref<128x16xf32, #tpu.memory_space<vmem>>
      %dma_start3A_683 = arith.constant 0 : i32
      %dma_start3A_684 = arith.constant 0 : i32
      %dma_start3A_685 = arith.constant 0 : i32
      %dma_start3A_686 = tpu.memref_slice %arg5[%rem3A_58, %dma_start3A_683, %dma_start3A_684, %dma_start3A_685] : memref<2x2x16x128xi32, #tpu.memory_space<vmem>> -> memref<1x2x16x128xi32, #tpu.memory_space<vmem>>
      %dma_start3A_687 = tpu.memref_squeeze %dma_start3A_686 : memref<1x2x16x128xi32, #tpu.memory_space<vmem>> -> memref<2x16x128xi32, #tpu.memory_space<vmem>>
      %dma_start3A_688 = arith.constant 0 : i32
      %dma_start3A_689 = tpu.memref_slice %dma_start3A_687[%dma_start3A_677, %dma_start3A_678, %dma_start3A_688] : memref<2x16x128xi32, #tpu.memory_space<vmem>> -> memref<1x1x128xi32, #tpu.memory_space<vmem>>
      %dma_start3A_690 = tpu.memref_squeeze %dma_start3A_689 : memref<1x1x128xi32, #tpu.memory_space<vmem>> -> memref<128xi32, #tpu.memory_space<vmem>>
      %dma_start3A_691 = arith.constant 0 : i32
      %dma_start3A_692 = arith.constant 0 : i32
      %dma_start3A_693 = tpu.memref_slice %arg7[%dma_start3A_691, %dma_start3A_692] : memref<100352x16xf32, #tpu.memory_space<vmem_shared>> -> memref<100352x16xf32, #tpu.memory_space<vmem_shared>>
      tpu.enqueue_indirect_dma source(%dma_start3A_682 : memref<128x16xf32, #tpu.memory_space<vmem>>) target(%dma_start3A_693 : memref<100352x16xf32, #tpu.memory_space<vmem_shared>>) offsets(%dma_start3A_690 : memref<128xi32, #tpu.memory_space<vmem>>) semaphore(%arg23 : memref<!tpu.dma_semaphore, #tpu.memory_space<semaphore_mem>>) {add = true}
      %dma_wait3A_694 = arith.constant 6 : i32
      %dma_wait3A_695 = arith.constant 0 : i32
      %dma_wait3A_696 = arith.constant 6 : i32
      %dma_wait3A_697 = arith.constant 0 : i32
      %dma_wait3A_698 = arith.constant 0 : i32
      %dma_wait3A_699 = tpu.memref_slice %arg6[%dma_wait3A_694, %dma_wait3A_697, %dma_wait3A_698] : memref<8x128x16xf32, #tpu.memory_space<vmem>> -> memref<1x128x16xf32, #tpu.memory_space<vmem>>
      %dma_wait3A_700 = tpu.memref_squeeze %dma_wait3A_699 : memref<1x128x16xf32, #tpu.memory_space<vmem>> -> memref<128x16xf32, #tpu.memory_space<vmem>>
      %dma_wait3A_701 = arith.constant 0 : i32
      %dma_wait3A_702 = arith.constant 0 : i32
      %dma_wait3A_703 = arith.constant 0 : i32
      %dma_wait3A_704 = tpu.memref_slice %arg5[%rem3A_58, %dma_wait3A_701, %dma_wait3A_702, %dma_wait3A_703] : memref<2x2x16x128xi32, #tpu.memory_space<vmem>> -> memref<1x2x16x128xi32, #tpu.memory_space<vmem>>
      %dma_wait3A_705 = tpu.memref_squeeze %dma_wait3A_704 : memref<1x2x16x128xi32, #tpu.memory_space<vmem>> -> memref<2x16x128xi32, #tpu.memory_space<vmem>>
      %dma_wait3A_706 = arith.constant 0 : i32
      %dma_wait3A_707 = tpu.memref_slice %dma_wait3A_705[%dma_wait3A_695, %dma_wait3A_696, %dma_wait3A_706] : memref<2x16x128xi32, #tpu.memory_space<vmem>> -> memref<1x1x128xi32, #tpu.memory_space<vmem>>
      %dma_wait3A_708 = tpu.memref_squeeze %dma_wait3A_707 : memref<1x1x128xi32, #tpu.memory_space<vmem>> -> memref<128xi32, #tpu.memory_space<vmem>>
      %dma_wait3A_709 = arith.constant 0 : i32
      %dma_wait3A_710 = arith.constant 0 : i32
      %dma_wait3A_711 = tpu.memref_slice %arg7[%dma_wait3A_709, %dma_wait3A_710] : memref<100352x16xf32, #tpu.memory_space<vmem_shared>> -> memref<100352x16xf32, #tpu.memory_space<vmem_shared>>
      tpu.wait_indirect_dma semaphore(%arg23 : memref<!tpu.dma_semaphore, #tpu.memory_space<semaphore_mem>>) src(%dma_wait3A_700 : memref<128x16xf32, #tpu.memory_space<vmem>>) dst(%dma_wait3A_711 : memref<100352x16xf32, #tpu.memory_space<vmem_shared>>)
      %dma_start3A_712 = arith.constant 1 : i32
      %dma_start3A_713 = arith.constant 14 : i32
      %dma_start3A_714 = arith.constant 6 : i32
      %dma_start3A_715 = arith.constant 0 : i32
      %dma_start3A_716 = arith.constant 0 : i32
      %dma_start3A_717 = tpu.memref_slice %arg6[%dma_start3A_714, %dma_start3A_715, %dma_start3A_716] : memref<8x128x16xf32, #tpu.memory_space<vmem>> -> memref<1x128x16xf32, #tpu.memory_space<vmem>>
      %dma_start3A_718 = tpu.memref_squeeze %dma_start3A_717 : memref<1x128x16xf32, #tpu.memory_space<vmem>> -> memref<128x16xf32, #tpu.memory_space<vmem>>
      %dma_start3A_719 = arith.constant 0 : i32
      %dma_start3A_720 = arith.constant 0 : i32
      %dma_start3A_721 = arith.constant 0 : i32
      %dma_start3A_722 = tpu.memref_slice %arg5[%rem3A_58, %dma_start3A_719, %dma_start3A_720, %dma_start3A_721] : memref<2x2x16x128xi32, #tpu.memory_space<vmem>> -> memref<1x2x16x128xi32, #tpu.memory_space<vmem>>
      %dma_start3A_723 = tpu.memref_squeeze %dma_start3A_722 : memref<1x2x16x128xi32, #tpu.memory_space<vmem>> -> memref<2x16x128xi32, #tpu.memory_space<vmem>>
      %dma_start3A_724 = arith.constant 0 : i32
      %dma_start3A_725 = tpu.memref_slice %dma_start3A_723[%dma_start3A_712, %dma_start3A_713, %dma_start3A_724] : memref<2x16x128xi32, #tpu.memory_space<vmem>> -> memref<1x1x128xi32, #tpu.memory_space<vmem>>
      %dma_start3A_726 = tpu.memref_squeeze %dma_start3A_725 : memref<1x1x128xi32, #tpu.memory_space<vmem>> -> memref<128xi32, #tpu.memory_space<vmem>>
      %dma_start3A_727 = arith.constant 0 : i32
      %dma_start3A_728 = arith.constant 0 : i32
      %dma_start3A_729 = tpu.memref_slice %arg2[%dma_start3A_727, %dma_start3A_728] : memref<100000x16xf32, #tpu.memory_space<hbm>> -> memref<100000x16xf32, #tpu.memory_space<hbm>>
      tpu.enqueue_indirect_dma source(%dma_start3A_729 : memref<100000x16xf32, #tpu.memory_space<hbm>>) target(%dma_start3A_718 : memref<128x16xf32, #tpu.memory_space<vmem>>) offsets(%dma_start3A_726 : memref<128xi32, #tpu.memory_space<vmem>>) semaphore(%arg15 : memref<!tpu.dma_semaphore, #tpu.memory_space<semaphore_mem>>)
      %dma_wait3A_730 = arith.constant 1 : i32
      %dma_wait3A_731 = arith.constant 7 : i32
      %dma_wait3A_732 = arith.constant 7 : i32
      %dma_wait3A_733 = arith.constant 0 : i32
      %dma_wait3A_734 = arith.constant 0 : i32
      %dma_wait3A_735 = tpu.memref_slice %arg6[%dma_wait3A_732, %dma_wait3A_733, %dma_wait3A_734] : memref<8x128x16xf32, #tpu.memory_space<vmem>> -> memref<1x128x16xf32, #tpu.memory_space<vmem>>
      %dma_wait3A_736 = tpu.memref_squeeze %dma_wait3A_735 : memref<1x128x16xf32, #tpu.memory_space<vmem>> -> memref<128x16xf32, #tpu.memory_space<vmem>>
      %dma_wait3A_737 = arith.constant 0 : i32
      %dma_wait3A_738 = arith.constant 0 : i32
      %dma_wait3A_739 = arith.constant 0 : i32
      %dma_wait3A_740 = tpu.memref_slice %arg5[%rem3A_58, %dma_wait3A_737, %dma_wait3A_738, %dma_wait3A_739] : memref<2x2x16x128xi32, #tpu.memory_space<vmem>> -> memref<1x2x16x128xi32, #tpu.memory_space<vmem>>
      %dma_wait3A_741 = tpu.memref_squeeze %dma_wait3A_740 : memref<1x2x16x128xi32, #tpu.memory_space<vmem>> -> memref<2x16x128xi32, #tpu.memory_space<vmem>>
      %dma_wait3A_742 = arith.constant 0 : i32
      %dma_wait3A_743 = tpu.memref_slice %dma_wait3A_741[%dma_wait3A_730, %dma_wait3A_731, %dma_wait3A_742] : memref<2x16x128xi32, #tpu.memory_space<vmem>> -> memref<1x1x128xi32, #tpu.memory_space<vmem>>
      %dma_wait3A_744 = tpu.memref_squeeze %dma_wait3A_743 : memref<1x1x128xi32, #tpu.memory_space<vmem>> -> memref<128xi32, #tpu.memory_space<vmem>>
      %dma_wait3A_745 = arith.constant 0 : i32
      %dma_wait3A_746 = arith.constant 0 : i32
      %dma_wait3A_747 = tpu.memref_slice %arg2[%dma_wait3A_745, %dma_wait3A_746] : memref<100000x16xf32, #tpu.memory_space<hbm>> -> memref<100000x16xf32, #tpu.memory_space<hbm>>
      tpu.wait_indirect_dma semaphore(%arg16 : memref<!tpu.dma_semaphore, #tpu.memory_space<semaphore_mem>>) src(%dma_wait3A_747 : memref<100000x16xf32, #tpu.memory_space<hbm>>) dst(%dma_wait3A_736 : memref<128x16xf32, #tpu.memory_space<vmem>>)
      %dma_start3A_748 = arith.constant 7 : i32
      %dma_start3A_749 = arith.constant 0 : i32
      %dma_start3A_750 = arith.constant 7 : i32
      %dma_start3A_751 = arith.constant 0 : i32
      %dma_start3A_752 = arith.constant 0 : i32
      %dma_start3A_753 = tpu.memref_slice %arg6[%dma_start3A_748, %dma_start3A_751, %dma_start3A_752] : memref<8x128x16xf32, #tpu.memory_space<vmem>> -> memref<1x128x16xf32, #tpu.memory_space<vmem>>
      %dma_start3A_754 = tpu.memref_squeeze %dma_start3A_753 : memref<1x128x16xf32, #tpu.memory_space<vmem>> -> memref<128x16xf32, #tpu.memory_space<vmem>>
      %dma_start3A_755 = arith.constant 0 : i32
      %dma_start3A_756 = arith.constant 0 : i32
      %dma_start3A_757 = arith.constant 0 : i32
      %dma_start3A_758 = tpu.memref_slice %arg5[%rem3A_58, %dma_start3A_755, %dma_start3A_756, %dma_start3A_757] : memref<2x2x16x128xi32, #tpu.memory_space<vmem>> -> memref<1x2x16x128xi32, #tpu.memory_space<vmem>>
      %dma_start3A_759 = tpu.memref_squeeze %dma_start3A_758 : memref<1x2x16x128xi32, #tpu.memory_space<vmem>> -> memref<2x16x128xi32, #tpu.memory_space<vmem>>
      %dma_start3A_760 = arith.constant 0 : i32
      %dma_start3A_761 = tpu.memref_slice %dma_start3A_759[%dma_start3A_749, %dma_start3A_750, %dma_start3A_760] : memref<2x16x128xi32, #tpu.memory_space<vmem>> -> memref<1x1x128xi32, #tpu.memory_space<vmem>>
      %dma_start3A_762 = tpu.memref_squeeze %dma_start3A_761 : memref<1x1x128xi32, #tpu.memory_space<vmem>> -> memref<128xi32, #tpu.memory_space<vmem>>
      %dma_start3A_763 = arith.constant 0 : i32
      %dma_start3A_764 = arith.constant 0 : i32
      %dma_start3A_765 = tpu.memref_slice %arg7[%dma_start3A_763, %dma_start3A_764] : memref<100352x16xf32, #tpu.memory_space<vmem_shared>> -> memref<100352x16xf32, #tpu.memory_space<vmem_shared>>
      tpu.enqueue_indirect_dma source(%dma_start3A_754 : memref<128x16xf32, #tpu.memory_space<vmem>>) target(%dma_start3A_765 : memref<100352x16xf32, #tpu.memory_space<vmem_shared>>) offsets(%dma_start3A_762 : memref<128xi32, #tpu.memory_space<vmem>>) semaphore(%arg24 : memref<!tpu.dma_semaphore, #tpu.memory_space<semaphore_mem>>) {add = true}
      %dma_wait3A_766 = arith.constant 7 : i32
      %dma_wait3A_767 = arith.constant 0 : i32
      %dma_wait3A_768 = arith.constant 7 : i32
      %dma_wait3A_769 = arith.constant 0 : i32
      %dma_wait3A_770 = arith.constant 0 : i32
      %dma_wait3A_771 = tpu.memref_slice %arg6[%dma_wait3A_766, %dma_wait3A_769, %dma_wait3A_770] : memref<8x128x16xf32, #tpu.memory_space<vmem>> -> memref<1x128x16xf32, #tpu.memory_space<vmem>>
      %dma_wait3A_772 = tpu.memref_squeeze %dma_wait3A_771 : memref<1x128x16xf32, #tpu.memory_space<vmem>> -> memref<128x16xf32, #tpu.memory_space<vmem>>
      %dma_wait3A_773 = arith.constant 0 : i32
      %dma_wait3A_774 = arith.constant 0 : i32
      %dma_wait3A_775 = arith.constant 0 : i32
      %dma_wait3A_776 = tpu.memref_slice %arg5[%rem3A_58, %dma_wait3A_773, %dma_wait3A_774, %dma_wait3A_775] : memref<2x2x16x128xi32, #tpu.memory_space<vmem>> -> memref<1x2x16x128xi32, #tpu.memory_space<vmem>>
      %dma_wait3A_777 = tpu.memref_squeeze %dma_wait3A_776 : memref<1x2x16x128xi32, #tpu.memory_space<vmem>> -> memref<2x16x128xi32, #tpu.memory_space<vmem>>
      %dma_wait3A_778 = arith.constant 0 : i32
      %dma_wait3A_779 = tpu.memref_slice %dma_wait3A_777[%dma_wait3A_767, %dma_wait3A_768, %dma_wait3A_778] : memref<2x16x128xi32, #tpu.memory_space<vmem>> -> memref<1x1x128xi32, #tpu.memory_space<vmem>>
      %dma_wait3A_780 = tpu.memref_squeeze %dma_wait3A_779 : memref<1x1x128xi32, #tpu.memory_space<vmem>> -> memref<128xi32, #tpu.memory_space<vmem>>
      %dma_wait3A_781 = arith.constant 0 : i32
      %dma_wait3A_782 = arith.constant 0 : i32
      %dma_wait3A_783 = tpu.memref_slice %arg7[%dma_wait3A_781, %dma_wait3A_782] : memref<100352x16xf32, #tpu.memory_space<vmem_shared>> -> memref<100352x16xf32, #tpu.memory_space<vmem_shared>>
      tpu.wait_indirect_dma semaphore(%arg24 : memref<!tpu.dma_semaphore, #tpu.memory_space<semaphore_mem>>) src(%dma_wait3A_772 : memref<128x16xf32, #tpu.memory_space<vmem>>) dst(%dma_wait3A_783 : memref<100352x16xf32, #tpu.memory_space<vmem_shared>>)
      %dma_start3A_784 = arith.constant 1 : i32
      %dma_start3A_785 = arith.constant 15 : i32
      %dma_start3A_786 = arith.constant 7 : i32
      %dma_start3A_787 = arith.constant 0 : i32
      %dma_start3A_788 = arith.constant 0 : i32
      %dma_start3A_789 = tpu.memref_slice %arg6[%dma_start3A_786, %dma_start3A_787, %dma_start3A_788] : memref<8x128x16xf32, #tpu.memory_space<vmem>> -> memref<1x128x16xf32, #tpu.memory_space<vmem>>
      %dma_start3A_790 = tpu.memref_squeeze %dma_start3A_789 : memref<1x128x16xf32, #tpu.memory_space<vmem>> -> memref<128x16xf32, #tpu.memory_space<vmem>>
      %dma_start3A_791 = arith.constant 0 : i32
      %dma_start3A_792 = arith.constant 0 : i32
      %dma_start3A_793 = arith.constant 0 : i32
      %dma_start3A_794 = tpu.memref_slice %arg5[%rem3A_58, %dma_start3A_791, %dma_start3A_792, %dma_start3A_793] : memref<2x2x16x128xi32, #tpu.memory_space<vmem>> -> memref<1x2x16x128xi32, #tpu.memory_space<vmem>>
      %dma_start3A_795 = tpu.memref_squeeze %dma_start3A_794 : memref<1x2x16x128xi32, #tpu.memory_space<vmem>> -> memref<2x16x128xi32, #tpu.memory_space<vmem>>
      %dma_start3A_796 = arith.constant 0 : i32
      %dma_start3A_797 = tpu.memref_slice %dma_start3A_795[%dma_start3A_784, %dma_start3A_785, %dma_start3A_796] : memref<2x16x128xi32, #tpu.memory_space<vmem>> -> memref<1x1x128xi32, #tpu.memory_space<vmem>>
      %dma_start3A_798 = tpu.memref_squeeze %dma_start3A_797 : memref<1x1x128xi32, #tpu.memory_space<vmem>> -> memref<128xi32, #tpu.memory_space<vmem>>
      %dma_start3A_799 = arith.constant 0 : i32
      %dma_start3A_800 = arith.constant 0 : i32
      %dma_start3A_801 = tpu.memref_slice %arg2[%dma_start3A_799, %dma_start3A_800] : memref<100000x16xf32, #tpu.memory_space<hbm>> -> memref<100000x16xf32, #tpu.memory_space<hbm>>
      tpu.enqueue_indirect_dma source(%dma_start3A_801 : memref<100000x16xf32, #tpu.memory_space<hbm>>) target(%dma_start3A_790 : memref<128x16xf32, #tpu.memory_space<vmem>>) offsets(%dma_start3A_798 : memref<128xi32, #tpu.memory_space<vmem>>) semaphore(%arg16 : memref<!tpu.dma_semaphore, #tpu.memory_space<semaphore_mem>>)
      %dma_wait3A_802 = arith.constant 1 : i32
      %dma_wait3A_803 = arith.constant 8 : i32
      %dma_wait3A_804 = arith.constant 0 : i32
      %dma_wait3A_805 = arith.constant 0 : i32
      %dma_wait3A_806 = arith.constant 0 : i32
      %dma_wait3A_807 = tpu.memref_slice %arg6[%dma_wait3A_804, %dma_wait3A_805, %dma_wait3A_806] : memref<8x128x16xf32, #tpu.memory_space<vmem>> -> memref<1x128x16xf32, #tpu.memory_space<vmem>>
      %dma_wait3A_808 = tpu.memref_squeeze %dma_wait3A_807 : memref<1x128x16xf32, #tpu.memory_space<vmem>> -> memref<128x16xf32, #tpu.memory_space<vmem>>
      %dma_wait3A_809 = arith.constant 0 : i32
      %dma_wait3A_810 = arith.constant 0 : i32
      %dma_wait3A_811 = arith.constant 0 : i32
      %dma_wait3A_812 = tpu.memref_slice %arg5[%rem3A_58, %dma_wait3A_809, %dma_wait3A_810, %dma_wait3A_811] : memref<2x2x16x128xi32, #tpu.memory_space<vmem>> -> memref<1x2x16x128xi32, #tpu.memory_space<vmem>>
      %dma_wait3A_813 = tpu.memref_squeeze %dma_wait3A_812 : memref<1x2x16x128xi32, #tpu.memory_space<vmem>> -> memref<2x16x128xi32, #tpu.memory_space<vmem>>
      %dma_wait3A_814 = arith.constant 0 : i32
      %dma_wait3A_815 = tpu.memref_slice %dma_wait3A_813[%dma_wait3A_802, %dma_wait3A_803, %dma_wait3A_814] : memref<2x16x128xi32, #tpu.memory_space<vmem>> -> memref<1x1x128xi32, #tpu.memory_space<vmem>>
      %dma_wait3A_816 = tpu.memref_squeeze %dma_wait3A_815 : memref<1x1x128xi32, #tpu.memory_space<vmem>> -> memref<128xi32, #tpu.memory_space<vmem>>
      %dma_wait3A_817 = arith.constant 0 : i32
      %dma_wait3A_818 = arith.constant 0 : i32
      %dma_wait3A_819 = tpu.memref_slice %arg2[%dma_wait3A_817, %dma_wait3A_818] : memref<100000x16xf32, #tpu.memory_space<hbm>> -> memref<100000x16xf32, #tpu.memory_space<hbm>>
      tpu.wait_indirect_dma semaphore(%arg9 : memref<!tpu.dma_semaphore, #tpu.memory_space<semaphore_mem>>) src(%dma_wait3A_819 : memref<100000x16xf32, #tpu.memory_space<hbm>>) dst(%dma_wait3A_808 : memref<128x16xf32, #tpu.memory_space<vmem>>)
      %dma_start3A_820 = arith.constant 0 : i32
      %dma_start3A_821 = arith.constant 0 : i32
      %dma_start3A_822 = arith.constant 8 : i32
      %dma_start3A_823 = arith.constant 0 : i32
      %dma_start3A_824 = arith.constant 0 : i32
      %dma_start3A_825 = tpu.memref_slice %arg6[%dma_start3A_820, %dma_start3A_823, %dma_start3A_824] : memref<8x128x16xf32, #tpu.memory_space<vmem>> -> memref<1x128x16xf32, #tpu.memory_space<vmem>>
      %dma_start3A_826 = tpu.memref_squeeze %dma_start3A_825 : memref<1x128x16xf32, #tpu.memory_space<vmem>> -> memref<128x16xf32, #tpu.memory_space<vmem>>
      %dma_start3A_827 = arith.constant 0 : i32
      %dma_start3A_828 = arith.constant 0 : i32
      %dma_start3A_829 = arith.constant 0 : i32
      %dma_start3A_830 = tpu.memref_slice %arg5[%rem3A_58, %dma_start3A_827, %dma_start3A_828, %dma_start3A_829] : memref<2x2x16x128xi32, #tpu.memory_space<vmem>> -> memref<1x2x16x128xi32, #tpu.memory_space<vmem>>
      %dma_start3A_831 = tpu.memref_squeeze %dma_start3A_830 : memref<1x2x16x128xi32, #tpu.memory_space<vmem>> -> memref<2x16x128xi32, #tpu.memory_space<vmem>>
      %dma_start3A_832 = arith.constant 0 : i32
      %dma_start3A_833 = tpu.memref_slice %dma_start3A_831[%dma_start3A_821, %dma_start3A_822, %dma_start3A_832] : memref<2x16x128xi32, #tpu.memory_space<vmem>> -> memref<1x1x128xi32, #tpu.memory_space<vmem>>
      %dma_start3A_834 = tpu.memref_squeeze %dma_start3A_833 : memref<1x1x128xi32, #tpu.memory_space<vmem>> -> memref<128xi32, #tpu.memory_space<vmem>>
      %dma_start3A_835 = arith.constant 0 : i32
      %dma_start3A_836 = arith.constant 0 : i32
      %dma_start3A_837 = tpu.memref_slice %arg7[%dma_start3A_835, %dma_start3A_836] : memref<100352x16xf32, #tpu.memory_space<vmem_shared>> -> memref<100352x16xf32, #tpu.memory_space<vmem_shared>>
      tpu.enqueue_indirect_dma source(%dma_start3A_826 : memref<128x16xf32, #tpu.memory_space<vmem>>) target(%dma_start3A_837 : memref<100352x16xf32, #tpu.memory_space<vmem_shared>>) offsets(%dma_start3A_834 : memref<128xi32, #tpu.memory_space<vmem>>) semaphore(%arg17 : memref<!tpu.dma_semaphore, #tpu.memory_space<semaphore_mem>>) {add = true}
      %dma_wait3A_838 = arith.constant 0 : i32
      %dma_wait3A_839 = arith.constant 0 : i32
      %dma_wait3A_840 = arith.constant 8 : i32
      %dma_wait3A_841 = arith.constant 0 : i32
      %dma_wait3A_842 = arith.constant 0 : i32
      %dma_wait3A_843 = tpu.memref_slice %arg6[%dma_wait3A_838, %dma_wait3A_841, %dma_wait3A_842] : memref<8x128x16xf32, #tpu.memory_space<vmem>> -> memref<1x128x16xf32, #tpu.memory_space<vmem>>
      %dma_wait3A_844 = tpu.memref_squeeze %dma_wait3A_843 : memref<1x128x16xf32, #tpu.memory_space<vmem>> -> memref<128x16xf32, #tpu.memory_space<vmem>>
      %dma_wait3A_845 = arith.constant 0 : i32
      %dma_wait3A_846 = arith.constant 0 : i32
      %dma_wait3A_847 = arith.constant 0 : i32
      %dma_wait3A_848 = tpu.memref_slice %arg5[%rem3A_58, %dma_wait3A_845, %dma_wait3A_846, %dma_wait3A_847] : memref<2x2x16x128xi32, #tpu.memory_space<vmem>> -> memref<1x2x16x128xi32, #tpu.memory_space<vmem>>
      %dma_wait3A_849 = tpu.memref_squeeze %dma_wait3A_848 : memref<1x2x16x128xi32, #tpu.memory_space<vmem>> -> memref<2x16x128xi32, #tpu.memory_space<vmem>>
      %dma_wait3A_850 = arith.constant 0 : i32
      %dma_wait3A_851 = tpu.memref_slice %dma_wait3A_849[%dma_wait3A_839, %dma_wait3A_840, %dma_wait3A_850] : memref<2x16x128xi32, #tpu.memory_space<vmem>> -> memref<1x1x128xi32, #tpu.memory_space<vmem>>
      %dma_wait3A_852 = tpu.memref_squeeze %dma_wait3A_851 : memref<1x1x128xi32, #tpu.memory_space<vmem>> -> memref<128xi32, #tpu.memory_space<vmem>>
      %dma_wait3A_853 = arith.constant 0 : i32
      %dma_wait3A_854 = arith.constant 0 : i32
      %dma_wait3A_855 = tpu.memref_slice %arg7[%dma_wait3A_853, %dma_wait3A_854] : memref<100352x16xf32, #tpu.memory_space<vmem_shared>> -> memref<100352x16xf32, #tpu.memory_space<vmem_shared>>
      tpu.wait_indirect_dma semaphore(%arg17 : memref<!tpu.dma_semaphore, #tpu.memory_space<semaphore_mem>>) src(%dma_wait3A_844 : memref<128x16xf32, #tpu.memory_space<vmem>>) dst(%dma_wait3A_855 : memref<100352x16xf32, #tpu.memory_space<vmem_shared>>)
      %dma_wait3A_856 = arith.constant 1 : i32
      %dma_wait3A_857 = arith.constant 9 : i32
      %dma_wait3A_858 = arith.constant 1 : i32
      %dma_wait3A_859 = arith.constant 0 : i32
      %dma_wait3A_860 = arith.constant 0 : i32
      %dma_wait3A_861 = tpu.memref_slice %arg6[%dma_wait3A_858, %dma_wait3A_859, %dma_wait3A_860] : memref<8x128x16xf32, #tpu.memory_space<vmem>> -> memref<1x128x16xf32, #tpu.memory_space<vmem>>
      %dma_wait3A_862 = tpu.memref_squeeze %dma_wait3A_861 : memref<1x128x16xf32, #tpu.memory_space<vmem>> -> memref<128x16xf32, #tpu.memory_space<vmem>>
      %dma_wait3A_863 = arith.constant 0 : i32
      %dma_wait3A_864 = arith.constant 0 : i32
      %dma_wait3A_865 = arith.constant 0 : i32
      %dma_wait3A_866 = tpu.memref_slice %arg5[%rem3A_58, %dma_wait3A_863, %dma_wait3A_864, %dma_wait3A_865] : memref<2x2x16x128xi32, #tpu.memory_space<vmem>> -> memref<1x2x16x128xi32, #tpu.memory_space<vmem>>
      %dma_wait3A_867 = tpu.memref_squeeze %dma_wait3A_866 : memref<1x2x16x128xi32, #tpu.memory_space<vmem>> -> memref<2x16x128xi32, #tpu.memory_space<vmem>>
      %dma_wait3A_868 = arith.constant 0 : i32
      %dma_wait3A_869 = tpu.memref_slice %dma_wait3A_867[%dma_wait3A_856, %dma_wait3A_857, %dma_wait3A_868] : memref<2x16x128xi32, #tpu.memory_space<vmem>> -> memref<1x1x128xi32, #tpu.memory_space<vmem>>
      %dma_wait3A_870 = tpu.memref_squeeze %dma_wait3A_869 : memref<1x1x128xi32, #tpu.memory_space<vmem>> -> memref<128xi32, #tpu.memory_space<vmem>>
      %dma_wait3A_871 = arith.constant 0 : i32
      %dma_wait3A_872 = arith.constant 0 : i32
      %dma_wait3A_873 = tpu.memref_slice %arg2[%dma_wait3A_871, %dma_wait3A_872] : memref<100000x16xf32, #tpu.memory_space<hbm>> -> memref<100000x16xf32, #tpu.memory_space<hbm>>
      tpu.wait_indirect_dma semaphore(%arg10 : memref<!tpu.dma_semaphore, #tpu.memory_space<semaphore_mem>>) src(%dma_wait3A_873 : memref<100000x16xf32, #tpu.memory_space<hbm>>) dst(%dma_wait3A_862 : memref<128x16xf32, #tpu.memory_space<vmem>>)
      %dma_start3A_874 = arith.constant 1 : i32
      %dma_start3A_875 = arith.constant 0 : i32
      %dma_start3A_876 = arith.constant 9 : i32
      %dma_start3A_877 = arith.constant 0 : i32
      %dma_start3A_878 = arith.constant 0 : i32
      %dma_start3A_879 = tpu.memref_slice %arg6[%dma_start3A_874, %dma_start3A_877, %dma_start3A_878] : memref<8x128x16xf32, #tpu.memory_space<vmem>> -> memref<1x128x16xf32, #tpu.memory_space<vmem>>
      %dma_start3A_880 = tpu.memref_squeeze %dma_start3A_879 : memref<1x128x16xf32, #tpu.memory_space<vmem>> -> memref<128x16xf32, #tpu.memory_space<vmem>>
      %dma_start3A_881 = arith.constant 0 : i32
      %dma_start3A_882 = arith.constant 0 : i32
      %dma_start3A_883 = arith.constant 0 : i32
      %dma_start3A_884 = tpu.memref_slice %arg5[%rem3A_58, %dma_start3A_881, %dma_start3A_882, %dma_start3A_883] : memref<2x2x16x128xi32, #tpu.memory_space<vmem>> -> memref<1x2x16x128xi32, #tpu.memory_space<vmem>>
      %dma_start3A_885 = tpu.memref_squeeze %dma_start3A_884 : memref<1x2x16x128xi32, #tpu.memory_space<vmem>> -> memref<2x16x128xi32, #tpu.memory_space<vmem>>
      %dma_start3A_886 = arith.constant 0 : i32
      %dma_start3A_887 = tpu.memref_slice %dma_start3A_885[%dma_start3A_875, %dma_start3A_876, %dma_start3A_886] : memref<2x16x128xi32, #tpu.memory_space<vmem>> -> memref<1x1x128xi32, #tpu.memory_space<vmem>>
      %dma_start3A_888 = tpu.memref_squeeze %dma_start3A_887 : memref<1x1x128xi32, #tpu.memory_space<vmem>> -> memref<128xi32, #tpu.memory_space<vmem>>
      %dma_start3A_889 = arith.constant 0 : i32
      %dma_start3A_890 = arith.constant 0 : i32
      %dma_start3A_891 = tpu.memref_slice %arg7[%dma_start3A_889, %dma_start3A_890] : memref<100352x16xf32, #tpu.memory_space<vmem_shared>> -> memref<100352x16xf32, #tpu.memory_space<vmem_shared>>
      tpu.enqueue_indirect_dma source(%dma_start3A_880 : memref<128x16xf32, #tpu.memory_space<vmem>>) target(%dma_start3A_891 : memref<100352x16xf32, #tpu.memory_space<vmem_shared>>) offsets(%dma_start3A_888 : memref<128xi32, #tpu.memory_space<vmem>>) semaphore(%arg18 : memref<!tpu.dma_semaphore, #tpu.memory_space<semaphore_mem>>) {add = true}
      %dma_wait3A_892 = arith.constant 1 : i32
      %dma_wait3A_893 = arith.constant 0 : i32
      %dma_wait3A_894 = arith.constant 9 : i32
      %dma_wait3A_895 = arith.constant 0 : i32
      %dma_wait3A_896 = arith.constant 0 : i32
      %dma_wait3A_897 = tpu.memref_slice %arg6[%dma_wait3A_892, %dma_wait3A_895, %dma_wait3A_896] : memref<8x128x16xf32, #tpu.memory_space<vmem>> -> memref<1x128x16xf32, #tpu.memory_space<vmem>>
      %dma_wait3A_898 = tpu.memref_squeeze %dma_wait3A_897 : memref<1x128x16xf32, #tpu.memory_space<vmem>> -> memref<128x16xf32, #tpu.memory_space<vmem>>
      %dma_wait3A_899 = arith.constant 0 : i32
      %dma_wait3A_900 = arith.constant 0 : i32
      %dma_wait3A_901 = arith.constant 0 : i32
      %dma_wait3A_902 = tpu.memref_slice %arg5[%rem3A_58, %dma_wait3A_899, %dma_wait3A_900, %dma_wait3A_901] : memref<2x2x16x128xi32, #tpu.memory_space<vmem>> -> memref<1x2x16x128xi32, #tpu.memory_space<vmem>>
      %dma_wait3A_903 = tpu.memref_squeeze %dma_wait3A_902 : memref<1x2x16x128xi32, #tpu.memory_space<vmem>> -> memref<2x16x128xi32, #tpu.memory_space<vmem>>
      %dma_wait3A_904 = arith.constant 0 : i32
      %dma_wait3A_905 = tpu.memref_slice %dma_wait3A_903[%dma_wait3A_893, %dma_wait3A_894, %dma_wait3A_904] : memref<2x16x128xi32, #tpu.memory_space<vmem>> -> memref<1x1x128xi32, #tpu.memory_space<vmem>>
      %dma_wait3A_906 = tpu.memref_squeeze %dma_wait3A_905 : memref<1x1x128xi32, #tpu.memory_space<vmem>> -> memref<128xi32, #tpu.memory_space<vmem>>
      %dma_wait3A_907 = arith.constant 0 : i32
      %dma_wait3A_908 = arith.constant 0 : i32
      %dma_wait3A_909 = tpu.memref_slice %arg7[%dma_wait3A_907, %dma_wait3A_908] : memref<100352x16xf32, #tpu.memory_space<vmem_shared>> -> memref<100352x16xf32, #tpu.memory_space<vmem_shared>>
      tpu.wait_indirect_dma semaphore(%arg18 : memref<!tpu.dma_semaphore, #tpu.memory_space<semaphore_mem>>) src(%dma_wait3A_898 : memref<128x16xf32, #tpu.memory_space<vmem>>) dst(%dma_wait3A_909 : memref<100352x16xf32, #tpu.memory_space<vmem_shared>>)
      %dma_wait3A_910 = arith.constant 1 : i32
      %dma_wait3A_911 = arith.constant 10 : i32
      %dma_wait3A_912 = arith.constant 2 : i32
      %dma_wait3A_913 = arith.constant 0 : i32
      %dma_wait3A_914 = arith.constant 0 : i32
      %dma_wait3A_915 = tpu.memref_slice %arg6[%dma_wait3A_912, %dma_wait3A_913, %dma_wait3A_914] : memref<8x128x16xf32, #tpu.memory_space<vmem>> -> memref<1x128x16xf32, #tpu.memory_space<vmem>>
      %dma_wait3A_916 = tpu.memref_squeeze %dma_wait3A_915 : memref<1x128x16xf32, #tpu.memory_space<vmem>> -> memref<128x16xf32, #tpu.memory_space<vmem>>
      %dma_wait3A_917 = arith.constant 0 : i32
      %dma_wait3A_918 = arith.constant 0 : i32
      %dma_wait3A_919 = arith.constant 0 : i32
      %dma_wait3A_920 = tpu.memref_slice %arg5[%rem3A_58, %dma_wait3A_917, %dma_wait3A_918, %dma_wait3A_919] : memref<2x2x16x128xi32, #tpu.memory_space<vmem>> -> memref<1x2x16x128xi32, #tpu.memory_space<vmem>>
      %dma_wait3A_921 = tpu.memref_squeeze %dma_wait3A_920 : memref<1x2x16x128xi32, #tpu.memory_space<vmem>> -> memref<2x16x128xi32, #tpu.memory_space<vmem>>
      %dma_wait3A_922 = arith.constant 0 : i32
      %dma_wait3A_923 = tpu.memref_slice %dma_wait3A_921[%dma_wait3A_910, %dma_wait3A_911, %dma_wait3A_922] : memref<2x16x128xi32, #tpu.memory_space<vmem>> -> memref<1x1x128xi32, #tpu.memory_space<vmem>>
      %dma_wait3A_924 = tpu.memref_squeeze %dma_wait3A_923 : memref<1x1x128xi32, #tpu.memory_space<vmem>> -> memref<128xi32, #tpu.memory_space<vmem>>
      %dma_wait3A_925 = arith.constant 0 : i32
      %dma_wait3A_926 = arith.constant 0 : i32
      %dma_wait3A_927 = tpu.memref_slice %arg2[%dma_wait3A_925, %dma_wait3A_926] : memref<100000x16xf32, #tpu.memory_space<hbm>> -> memref<100000x16xf32, #tpu.memory_space<hbm>>
      tpu.wait_indirect_dma semaphore(%arg11 : memref<!tpu.dma_semaphore, #tpu.memory_space<semaphore_mem>>) src(%dma_wait3A_927 : memref<100000x16xf32, #tpu.memory_space<hbm>>) dst(%dma_wait3A_916 : memref<128x16xf32, #tpu.memory_space<vmem>>)
      %dma_start3A_928 = arith.constant 2 : i32
      %dma_start3A_929 = arith.constant 0 : i32
      %dma_start3A_930 = arith.constant 10 : i32
      %dma_start3A_931 = arith.constant 0 : i32
      %dma_start3A_932 = arith.constant 0 : i32
      %dma_start3A_933 = tpu.memref_slice %arg6[%dma_start3A_928, %dma_start3A_931, %dma_start3A_932] : memref<8x128x16xf32, #tpu.memory_space<vmem>> -> memref<1x128x16xf32, #tpu.memory_space<vmem>>
      %dma_start3A_934 = tpu.memref_squeeze %dma_start3A_933 : memref<1x128x16xf32, #tpu.memory_space<vmem>> -> memref<128x16xf32, #tpu.memory_space<vmem>>
      %dma_start3A_935 = arith.constant 0 : i32
      %dma_start3A_936 = arith.constant 0 : i32
      %dma_start3A_937 = arith.constant 0 : i32
      %dma_start3A_938 = tpu.memref_slice %arg5[%rem3A_58, %dma_start3A_935, %dma_start3A_936, %dma_start3A_937] : memref<2x2x16x128xi32, #tpu.memory_space<vmem>> -> memref<1x2x16x128xi32, #tpu.memory_space<vmem>>
      %dma_start3A_939 = tpu.memref_squeeze %dma_start3A_938 : memref<1x2x16x128xi32, #tpu.memory_space<vmem>> -> memref<2x16x128xi32, #tpu.memory_space<vmem>>
      %dma_start3A_940 = arith.constant 0 : i32
      %dma_start3A_941 = tpu.memref_slice %dma_start3A_939[%dma_start3A_929, %dma_start3A_930, %dma_start3A_940] : memref<2x16x128xi32, #tpu.memory_space<vmem>> -> memref<1x1x128xi32, #tpu.memory_space<vmem>>
      %dma_start3A_942 = tpu.memref_squeeze %dma_start3A_941 : memref<1x1x128xi32, #tpu.memory_space<vmem>> -> memref<128xi32, #tpu.memory_space<vmem>>
      %dma_start3A_943 = arith.constant 0 : i32
      %dma_start3A_944 = arith.constant 0 : i32
      %dma_start3A_945 = tpu.memref_slice %arg7[%dma_start3A_943, %dma_start3A_944] : memref<100352x16xf32, #tpu.memory_space<vmem_shared>> -> memref<100352x16xf32, #tpu.memory_space<vmem_shared>>
      tpu.enqueue_indirect_dma source(%dma_start3A_934 : memref<128x16xf32, #tpu.memory_space<vmem>>) target(%dma_start3A_945 : memref<100352x16xf32, #tpu.memory_space<vmem_shared>>) offsets(%dma_start3A_942 : memref<128xi32, #tpu.memory_space<vmem>>) semaphore(%arg19 : memref<!tpu.dma_semaphore, #tpu.memory_space<semaphore_mem>>) {add = true}
      %dma_wait3A_946 = arith.constant 2 : i32
      %dma_wait3A_947 = arith.constant 0 : i32
      %dma_wait3A_948 = arith.constant 10 : i32
      %dma_wait3A_949 = arith.constant 0 : i32
      %dma_wait3A_950 = arith.constant 0 : i32
      %dma_wait3A_951 = tpu.memref_slice %arg6[%dma_wait3A_946, %dma_wait3A_949, %dma_wait3A_950] : memref<8x128x16xf32, #tpu.memory_space<vmem>> -> memref<1x128x16xf32, #tpu.memory_space<vmem>>
      %dma_wait3A_952 = tpu.memref_squeeze %dma_wait3A_951 : memref<1x128x16xf32, #tpu.memory_space<vmem>> -> memref<128x16xf32, #tpu.memory_space<vmem>>
      %dma_wait3A_953 = arith.constant 0 : i32
      %dma_wait3A_954 = arith.constant 0 : i32
      %dma_wait3A_955 = arith.constant 0 : i32
      %dma_wait3A_956 = tpu.memref_slice %arg5[%rem3A_58, %dma_wait3A_953, %dma_wait3A_954, %dma_wait3A_955] : memref<2x2x16x128xi32, #tpu.memory_space<vmem>> -> memref<1x2x16x128xi32, #tpu.memory_space<vmem>>
      %dma_wait3A_957 = tpu.memref_squeeze %dma_wait3A_956 : memref<1x2x16x128xi32, #tpu.memory_space<vmem>> -> memref<2x16x128xi32, #tpu.memory_space<vmem>>
      %dma_wait3A_958 = arith.constant 0 : i32
      %dma_wait3A_959 = tpu.memref_slice %dma_wait3A_957[%dma_wait3A_947, %dma_wait3A_948, %dma_wait3A_958] : memref<2x16x128xi32, #tpu.memory_space<vmem>> -> memref<1x1x128xi32, #tpu.memory_space<vmem>>
      %dma_wait3A_960 = tpu.memref_squeeze %dma_wait3A_959 : memref<1x1x128xi32, #tpu.memory_space<vmem>> -> memref<128xi32, #tpu.memory_space<vmem>>
      %dma_wait3A_961 = arith.constant 0 : i32
      %dma_wait3A_962 = arith.constant 0 : i32
      %dma_wait3A_963 = tpu.memref_slice %arg7[%dma_wait3A_961, %dma_wait3A_962] : memref<100352x16xf32, #tpu.memory_space<vmem_shared>> -> memref<100352x16xf32, #tpu.memory_space<vmem_shared>>
      tpu.wait_indirect_dma semaphore(%arg19 : memref<!tpu.dma_semaphore, #tpu.memory_space<semaphore_mem>>) src(%dma_wait3A_952 : memref<128x16xf32, #tpu.memory_space<vmem>>) dst(%dma_wait3A_963 : memref<100352x16xf32, #tpu.memory_space<vmem_shared>>)
      %dma_wait3A_964 = arith.constant 1 : i32
      %dma_wait3A_965 = arith.constant 11 : i32
      %dma_wait3A_966 = arith.constant 3 : i32
      %dma_wait3A_967 = arith.constant 0 : i32
      %dma_wait3A_968 = arith.constant 0 : i32
      %dma_wait3A_969 = tpu.memref_slice %arg6[%dma_wait3A_966, %dma_wait3A_967, %dma_wait3A_968] : memref<8x128x16xf32, #tpu.memory_space<vmem>> -> memref<1x128x16xf32, #tpu.memory_space<vmem>>
      %dma_wait3A_970 = tpu.memref_squeeze %dma_wait3A_969 : memref<1x128x16xf32, #tpu.memory_space<vmem>> -> memref<128x16xf32, #tpu.memory_space<vmem>>
      %dma_wait3A_971 = arith.constant 0 : i32
      %dma_wait3A_972 = arith.constant 0 : i32
      %dma_wait3A_973 = arith.constant 0 : i32
      %dma_wait3A_974 = tpu.memref_slice %arg5[%rem3A_58, %dma_wait3A_971, %dma_wait3A_972, %dma_wait3A_973] : memref<2x2x16x128xi32, #tpu.memory_space<vmem>> -> memref<1x2x16x128xi32, #tpu.memory_space<vmem>>
      %dma_wait3A_975 = tpu.memref_squeeze %dma_wait3A_974 : memref<1x2x16x128xi32, #tpu.memory_space<vmem>> -> memref<2x16x128xi32, #tpu.memory_space<vmem>>
      %dma_wait3A_976 = arith.constant 0 : i32
      %dma_wait3A_977 = tpu.memref_slice %dma_wait3A_975[%dma_wait3A_964, %dma_wait3A_965, %dma_wait3A_976] : memref<2x16x128xi32, #tpu.memory_space<vmem>> -> memref<1x1x128xi32, #tpu.memory_space<vmem>>
      %dma_wait3A_978 = tpu.memref_squeeze %dma_wait3A_977 : memref<1x1x128xi32, #tpu.memory_space<vmem>> -> memref<128xi32, #tpu.memory_space<vmem>>
      %dma_wait3A_979 = arith.constant 0 : i32
      %dma_wait3A_980 = arith.constant 0 : i32
      %dma_wait3A_981 = tpu.memref_slice %arg2[%dma_wait3A_979, %dma_wait3A_980] : memref<100000x16xf32, #tpu.memory_space<hbm>> -> memref<100000x16xf32, #tpu.memory_space<hbm>>
      tpu.wait_indirect_dma semaphore(%arg12 : memref<!tpu.dma_semaphore, #tpu.memory_space<semaphore_mem>>) src(%dma_wait3A_981 : memref<100000x16xf32, #tpu.memory_space<hbm>>) dst(%dma_wait3A_970 : memref<128x16xf32, #tpu.memory_space<vmem>>)
      %dma_start3A_982 = arith.constant 3 : i32
      %dma_start3A_983 = arith.constant 0 : i32
      %dma_start3A_984 = arith.constant 11 : i32
      %dma_start3A_985 = arith.constant 0 : i32
      %dma_start3A_986 = arith.constant 0 : i32
      %dma_start3A_987 = tpu.memref_slice %arg6[%dma_start3A_982, %dma_start3A_985, %dma_start3A_986] : memref<8x128x16xf32, #tpu.memory_space<vmem>> -> memref<1x128x16xf32, #tpu.memory_space<vmem>>
      %dma_start3A_988 = tpu.memref_squeeze %dma_start3A_987 : memref<1x128x16xf32, #tpu.memory_space<vmem>> -> memref<128x16xf32, #tpu.memory_space<vmem>>
      %dma_start3A_989 = arith.constant 0 : i32
      %dma_start3A_990 = arith.constant 0 : i32
      %dma_start3A_991 = arith.constant 0 : i32
      %dma_start3A_992 = tpu.memref_slice %arg5[%rem3A_58, %dma_start3A_989, %dma_start3A_990, %dma_start3A_991] : memref<2x2x16x128xi32, #tpu.memory_space<vmem>> -> memref<1x2x16x128xi32, #tpu.memory_space<vmem>>
      %dma_start3A_993 = tpu.memref_squeeze %dma_start3A_992 : memref<1x2x16x128xi32, #tpu.memory_space<vmem>> -> memref<2x16x128xi32, #tpu.memory_space<vmem>>
      %dma_start3A_994 = arith.constant 0 : i32
      %dma_start3A_995 = tpu.memref_slice %dma_start3A_993[%dma_start3A_983, %dma_start3A_984, %dma_start3A_994] : memref<2x16x128xi32, #tpu.memory_space<vmem>> -> memref<1x1x128xi32, #tpu.memory_space<vmem>>
      %dma_start3A_996 = tpu.memref_squeeze %dma_start3A_995 : memref<1x1x128xi32, #tpu.memory_space<vmem>> -> memref<128xi32, #tpu.memory_space<vmem>>
      %dma_start3A_997 = arith.constant 0 : i32
      %dma_start3A_998 = arith.constant 0 : i32
      %dma_start3A_999 = tpu.memref_slice %arg7[%dma_start3A_997, %dma_start3A_998] : memref<100352x16xf32, #tpu.memory_space<vmem_shared>> -> memref<100352x16xf32, #tpu.memory_space<vmem_shared>>
      tpu.enqueue_indirect_dma source(%dma_start3A_988 : memref<128x16xf32, #tpu.memory_space<vmem>>) target(%dma_start3A_999 : memref<100352x16xf32, #tpu.memory_space<vmem_shared>>) offsets(%dma_start3A_996 : memref<128xi32, #tpu.memory_space<vmem>>) semaphore(%arg20 : memref<!tpu.dma_semaphore, #tpu.memory_space<semaphore_mem>>) {add = true}
      %dma_wait3A_1000 = arith.constant 3 : i32
      %dma_wait3A_1001 = arith.constant 0 : i32
      %dma_wait3A_1002 = arith.constant 11 : i32
      %dma_wait3A_1003 = arith.constant 0 : i32
      %dma_wait3A_1004 = arith.constant 0 : i32
      %dma_wait3A_1005 = tpu.memref_slice %arg6[%dma_wait3A_1000, %dma_wait3A_1003, %dma_wait3A_1004] : memref<8x128x16xf32, #tpu.memory_space<vmem>> -> memref<1x128x16xf32, #tpu.memory_space<vmem>>
      %dma_wait3A_1006 = tpu.memref_squeeze %dma_wait3A_1005 : memref<1x128x16xf32, #tpu.memory_space<vmem>> -> memref<128x16xf32, #tpu.memory_space<vmem>>
      %dma_wait3A_1007 = arith.constant 0 : i32
      %dma_wait3A_1008 = arith.constant 0 : i32
      %dma_wait3A_1009 = arith.constant 0 : i32
      %dma_wait3A_1010 = tpu.memref_slice %arg5[%rem3A_58, %dma_wait3A_1007, %dma_wait3A_1008, %dma_wait3A_1009] : memref<2x2x16x128xi32, #tpu.memory_space<vmem>> -> memref<1x2x16x128xi32, #tpu.memory_space<vmem>>
      %dma_wait3A_1011 = tpu.memref_squeeze %dma_wait3A_1010 : memref<1x2x16x128xi32, #tpu.memory_space<vmem>> -> memref<2x16x128xi32, #tpu.memory_space<vmem>>
      %dma_wait3A_1012 = arith.constant 0 : i32
      %dma_wait3A_1013 = tpu.memref_slice %dma_wait3A_1011[%dma_wait3A_1001, %dma_wait3A_1002, %dma_wait3A_1012] : memref<2x16x128xi32, #tpu.memory_space<vmem>> -> memref<1x1x128xi32, #tpu.memory_space<vmem>>
      %dma_wait3A_1014 = tpu.memref_squeeze %dma_wait3A_1013 : memref<1x1x128xi32, #tpu.memory_space<vmem>> -> memref<128xi32, #tpu.memory_space<vmem>>
      %dma_wait3A_1015 = arith.constant 0 : i32
      %dma_wait3A_1016 = arith.constant 0 : i32
      %dma_wait3A_1017 = tpu.memref_slice %arg7[%dma_wait3A_1015, %dma_wait3A_1016] : memref<100352x16xf32, #tpu.memory_space<vmem_shared>> -> memref<100352x16xf32, #tpu.memory_space<vmem_shared>>
      tpu.wait_indirect_dma semaphore(%arg20 : memref<!tpu.dma_semaphore, #tpu.memory_space<semaphore_mem>>) src(%dma_wait3A_1006 : memref<128x16xf32, #tpu.memory_space<vmem>>) dst(%dma_wait3A_1017 : memref<100352x16xf32, #tpu.memory_space<vmem_shared>>)
      %dma_wait3A_1018 = arith.constant 1 : i32
      %dma_wait3A_1019 = arith.constant 12 : i32
      %dma_wait3A_1020 = arith.constant 4 : i32
      %dma_wait3A_1021 = arith.constant 0 : i32
      %dma_wait3A_1022 = arith.constant 0 : i32
      %dma_wait3A_1023 = tpu.memref_slice %arg6[%dma_wait3A_1020, %dma_wait3A_1021, %dma_wait3A_1022] : memref<8x128x16xf32, #tpu.memory_space<vmem>> -> memref<1x128x16xf32, #tpu.memory_space<vmem>>
      %dma_wait3A_1024 = tpu.memref_squeeze %dma_wait3A_1023 : memref<1x128x16xf32, #tpu.memory_space<vmem>> -> memref<128x16xf32, #tpu.memory_space<vmem>>
      %dma_wait3A_1025 = arith.constant 0 : i32
      %dma_wait3A_1026 = arith.constant 0 : i32
      %dma_wait3A_1027 = arith.constant 0 : i32
      %dma_wait3A_1028 = tpu.memref_slice %arg5[%rem3A_58, %dma_wait3A_1025, %dma_wait3A_1026, %dma_wait3A_1027] : memref<2x2x16x128xi32, #tpu.memory_space<vmem>> -> memref<1x2x16x128xi32, #tpu.memory_space<vmem>>
      %dma_wait3A_1029 = tpu.memref_squeeze %dma_wait3A_1028 : memref<1x2x16x128xi32, #tpu.memory_space<vmem>> -> memref<2x16x128xi32, #tpu.memory_space<vmem>>
      %dma_wait3A_1030 = arith.constant 0 : i32
      %dma_wait3A_1031 = tpu.memref_slice %dma_wait3A_1029[%dma_wait3A_1018, %dma_wait3A_1019, %dma_wait3A_1030] : memref<2x16x128xi32, #tpu.memory_space<vmem>> -> memref<1x1x128xi32, #tpu.memory_space<vmem>>
      %dma_wait3A_1032 = tpu.memref_squeeze %dma_wait3A_1031 : memref<1x1x128xi32, #tpu.memory_space<vmem>> -> memref<128xi32, #tpu.memory_space<vmem>>
      %dma_wait3A_1033 = arith.constant 0 : i32
      %dma_wait3A_1034 = arith.constant 0 : i32
      %dma_wait3A_1035 = tpu.memref_slice %arg2[%dma_wait3A_1033, %dma_wait3A_1034] : memref<100000x16xf32, #tpu.memory_space<hbm>> -> memref<100000x16xf32, #tpu.memory_space<hbm>>
      tpu.wait_indirect_dma semaphore(%arg13 : memref<!tpu.dma_semaphore, #tpu.memory_space<semaphore_mem>>) src(%dma_wait3A_1035 : memref<100000x16xf32, #tpu.memory_space<hbm>>) dst(%dma_wait3A_1024 : memref<128x16xf32, #tpu.memory_space<vmem>>)
      %dma_start3A_1036 = arith.constant 4 : i32
      %dma_start3A_1037 = arith.constant 0 : i32
      %dma_start3A_1038 = arith.constant 12 : i32
      %dma_start3A_1039 = arith.constant 0 : i32
      %dma_start3A_1040 = arith.constant 0 : i32
      %dma_start3A_1041 = tpu.memref_slice %arg6[%dma_start3A_1036, %dma_start3A_1039, %dma_start3A_1040] : memref<8x128x16xf32, #tpu.memory_space<vmem>> -> memref<1x128x16xf32, #tpu.memory_space<vmem>>
      %dma_start3A_1042 = tpu.memref_squeeze %dma_start3A_1041 : memref<1x128x16xf32, #tpu.memory_space<vmem>> -> memref<128x16xf32, #tpu.memory_space<vmem>>
      %dma_start3A_1043 = arith.constant 0 : i32
      %dma_start3A_1044 = arith.constant 0 : i32
      %dma_start3A_1045 = arith.constant 0 : i32
      %dma_start3A_1046 = tpu.memref_slice %arg5[%rem3A_58, %dma_start3A_1043, %dma_start3A_1044, %dma_start3A_1045] : memref<2x2x16x128xi32, #tpu.memory_space<vmem>> -> memref<1x2x16x128xi32, #tpu.memory_space<vmem>>
      %dma_start3A_1047 = tpu.memref_squeeze %dma_start3A_1046 : memref<1x2x16x128xi32, #tpu.memory_space<vmem>> -> memref<2x16x128xi32, #tpu.memory_space<vmem>>
      %dma_start3A_1048 = arith.constant 0 : i32
      %dma_start3A_1049 = tpu.memref_slice %dma_start3A_1047[%dma_start3A_1037, %dma_start3A_1038, %dma_start3A_1048] : memref<2x16x128xi32, #tpu.memory_space<vmem>> -> memref<1x1x128xi32, #tpu.memory_space<vmem>>
      %dma_start3A_1050 = tpu.memref_squeeze %dma_start3A_1049 : memref<1x1x128xi32, #tpu.memory_space<vmem>> -> memref<128xi32, #tpu.memory_space<vmem>>
      %dma_start3A_1051 = arith.constant 0 : i32
      %dma_start3A_1052 = arith.constant 0 : i32
      %dma_start3A_1053 = tpu.memref_slice %arg7[%dma_start3A_1051, %dma_start3A_1052] : memref<100352x16xf32, #tpu.memory_space<vmem_shared>> -> memref<100352x16xf32, #tpu.memory_space<vmem_shared>>
      tpu.enqueue_indirect_dma source(%dma_start3A_1042 : memref<128x16xf32, #tpu.memory_space<vmem>>) target(%dma_start3A_1053 : memref<100352x16xf32, #tpu.memory_space<vmem_shared>>) offsets(%dma_start3A_1050 : memref<128xi32, #tpu.memory_space<vmem>>) semaphore(%arg21 : memref<!tpu.dma_semaphore, #tpu.memory_space<semaphore_mem>>) {add = true}
      %dma_wait3A_1054 = arith.constant 4 : i32
      %dma_wait3A_1055 = arith.constant 0 : i32
      %dma_wait3A_1056 = arith.constant 12 : i32
      %dma_wait3A_1057 = arith.constant 0 : i32
      %dma_wait3A_1058 = arith.constant 0 : i32
      %dma_wait3A_1059 = tpu.memref_slice %arg6[%dma_wait3A_1054, %dma_wait3A_1057, %dma_wait3A_1058] : memref<8x128x16xf32, #tpu.memory_space<vmem>> -> memref<1x128x16xf32, #tpu.memory_space<vmem>>
      %dma_wait3A_1060 = tpu.memref_squeeze %dma_wait3A_1059 : memref<1x128x16xf32, #tpu.memory_space<vmem>> -> memref<128x16xf32, #tpu.memory_space<vmem>>
      %dma_wait3A_1061 = arith.constant 0 : i32
      %dma_wait3A_1062 = arith.constant 0 : i32
      %dma_wait3A_1063 = arith.constant 0 : i32
      %dma_wait3A_1064 = tpu.memref_slice %arg5[%rem3A_58, %dma_wait3A_1061, %dma_wait3A_1062, %dma_wait3A_1063] : memref<2x2x16x128xi32, #tpu.memory_space<vmem>> -> memref<1x2x16x128xi32, #tpu.memory_space<vmem>>
      %dma_wait3A_1065 = tpu.memref_squeeze %dma_wait3A_1064 : memref<1x2x16x128xi32, #tpu.memory_space<vmem>> -> memref<2x16x128xi32, #tpu.memory_space<vmem>>
      %dma_wait3A_1066 = arith.constant 0 : i32
      %dma_wait3A_1067 = tpu.memref_slice %dma_wait3A_1065[%dma_wait3A_1055, %dma_wait3A_1056, %dma_wait3A_1066] : memref<2x16x128xi32, #tpu.memory_space<vmem>> -> memref<1x1x128xi32, #tpu.memory_space<vmem>>
      %dma_wait3A_1068 = tpu.memref_squeeze %dma_wait3A_1067 : memref<1x1x128xi32, #tpu.memory_space<vmem>> -> memref<128xi32, #tpu.memory_space<vmem>>
      %dma_wait3A_1069 = arith.constant 0 : i32
      %dma_wait3A_1070 = arith.constant 0 : i32
      %dma_wait3A_1071 = tpu.memref_slice %arg7[%dma_wait3A_1069, %dma_wait3A_1070] : memref<100352x16xf32, #tpu.memory_space<vmem_shared>> -> memref<100352x16xf32, #tpu.memory_space<vmem_shared>>
      tpu.wait_indirect_dma semaphore(%arg21 : memref<!tpu.dma_semaphore, #tpu.memory_space<semaphore_mem>>) src(%dma_wait3A_1060 : memref<128x16xf32, #tpu.memory_space<vmem>>) dst(%dma_wait3A_1071 : memref<100352x16xf32, #tpu.memory_space<vmem_shared>>)
      %dma_wait3A_1072 = arith.constant 1 : i32
      %dma_wait3A_1073 = arith.constant 13 : i32
      %dma_wait3A_1074 = arith.constant 5 : i32
      %dma_wait3A_1075 = arith.constant 0 : i32
      %dma_wait3A_1076 = arith.constant 0 : i32
      %dma_wait3A_1077 = tpu.memref_slice %arg6[%dma_wait3A_1074, %dma_wait3A_1075, %dma_wait3A_1076] : memref<8x128x16xf32, #tpu.memory_space<vmem>> -> memref<1x128x16xf32, #tpu.memory_space<vmem>>
      %dma_wait3A_1078 = tpu.memref_squeeze %dma_wait3A_1077 : memref<1x128x16xf32, #tpu.memory_space<vmem>> -> memref<128x16xf32, #tpu.memory_space<vmem>>
      %dma_wait3A_1079 = arith.constant 0 : i32
      %dma_wait3A_1080 = arith.constant 0 : i32
      %dma_wait3A_1081 = arith.constant 0 : i32
      %dma_wait3A_1082 = tpu.memref_slice %arg5[%rem3A_58, %dma_wait3A_1079, %dma_wait3A_1080, %dma_wait3A_1081] : memref<2x2x16x128xi32, #tpu.memory_space<vmem>> -> memref<1x2x16x128xi32, #tpu.memory_space<vmem>>
      %dma_wait3A_1083 = tpu.memref_squeeze %dma_wait3A_1082 : memref<1x2x16x128xi32, #tpu.memory_space<vmem>> -> memref<2x16x128xi32, #tpu.memory_space<vmem>>
      %dma_wait3A_1084 = arith.constant 0 : i32
      %dma_wait3A_1085 = tpu.memref_slice %dma_wait3A_1083[%dma_wait3A_1072, %dma_wait3A_1073, %dma_wait3A_1084] : memref<2x16x128xi32, #tpu.memory_space<vmem>> -> memref<1x1x128xi32, #tpu.memory_space<vmem>>
      %dma_wait3A_1086 = tpu.memref_squeeze %dma_wait3A_1085 : memref<1x1x128xi32, #tpu.memory_space<vmem>> -> memref<128xi32, #tpu.memory_space<vmem>>
      %dma_wait3A_1087 = arith.constant 0 : i32
      %dma_wait3A_1088 = arith.constant 0 : i32
      %dma_wait3A_1089 = tpu.memref_slice %arg2[%dma_wait3A_1087, %dma_wait3A_1088] : memref<100000x16xf32, #tpu.memory_space<hbm>> -> memref<100000x16xf32, #tpu.memory_space<hbm>>
      tpu.wait_indirect_dma semaphore(%arg14 : memref<!tpu.dma_semaphore, #tpu.memory_space<semaphore_mem>>) src(%dma_wait3A_1089 : memref<100000x16xf32, #tpu.memory_space<hbm>>) dst(%dma_wait3A_1078 : memref<128x16xf32, #tpu.memory_space<vmem>>)
      %dma_start3A_1090 = arith.constant 5 : i32
      %dma_start3A_1091 = arith.constant 0 : i32
      %dma_start3A_1092 = arith.constant 13 : i32
      %dma_start3A_1093 = arith.constant 0 : i32
      %dma_start3A_1094 = arith.constant 0 : i32
      %dma_start3A_1095 = tpu.memref_slice %arg6[%dma_start3A_1090, %dma_start3A_1093, %dma_start3A_1094] : memref<8x128x16xf32, #tpu.memory_space<vmem>> -> memref<1x128x16xf32, #tpu.memory_space<vmem>>
      %dma_start3A_1096 = tpu.memref_squeeze %dma_start3A_1095 : memref<1x128x16xf32, #tpu.memory_space<vmem>> -> memref<128x16xf32, #tpu.memory_space<vmem>>
      %dma_start3A_1097 = arith.constant 0 : i32
      %dma_start3A_1098 = arith.constant 0 : i32
      %dma_start3A_1099 = arith.constant 0 : i32
      %dma_start3A_1100 = tpu.memref_slice %arg5[%rem3A_58, %dma_start3A_1097, %dma_start3A_1098, %dma_start3A_1099] : memref<2x2x16x128xi32, #tpu.memory_space<vmem>> -> memref<1x2x16x128xi32, #tpu.memory_space<vmem>>
      %dma_start3A_1101 = tpu.memref_squeeze %dma_start3A_1100 : memref<1x2x16x128xi32, #tpu.memory_space<vmem>> -> memref<2x16x128xi32, #tpu.memory_space<vmem>>
      %dma_start3A_1102 = arith.constant 0 : i32
      %dma_start3A_1103 = tpu.memref_slice %dma_start3A_1101[%dma_start3A_1091, %dma_start3A_1092, %dma_start3A_1102] : memref<2x16x128xi32, #tpu.memory_space<vmem>> -> memref<1x1x128xi32, #tpu.memory_space<vmem>>
      %dma_start3A_1104 = tpu.memref_squeeze %dma_start3A_1103 : memref<1x1x128xi32, #tpu.memory_space<vmem>> -> memref<128xi32, #tpu.memory_space<vmem>>
      %dma_start3A_1105 = arith.constant 0 : i32
      %dma_start3A_1106 = arith.constant 0 : i32
      %dma_start3A_1107 = tpu.memref_slice %arg7[%dma_start3A_1105, %dma_start3A_1106] : memref<100352x16xf32, #tpu.memory_space<vmem_shared>> -> memref<100352x16xf32, #tpu.memory_space<vmem_shared>>
      tpu.enqueue_indirect_dma source(%dma_start3A_1096 : memref<128x16xf32, #tpu.memory_space<vmem>>) target(%dma_start3A_1107 : memref<100352x16xf32, #tpu.memory_space<vmem_shared>>) offsets(%dma_start3A_1104 : memref<128xi32, #tpu.memory_space<vmem>>) semaphore(%arg22 : memref<!tpu.dma_semaphore, #tpu.memory_space<semaphore_mem>>) {add = true}
      %dma_wait3A_1108 = arith.constant 5 : i32
      %dma_wait3A_1109 = arith.constant 0 : i32
      %dma_wait3A_1110 = arith.constant 13 : i32
      %dma_wait3A_1111 = arith.constant 0 : i32
      %dma_wait3A_1112 = arith.constant 0 : i32
      %dma_wait3A_1113 = tpu.memref_slice %arg6[%dma_wait3A_1108, %dma_wait3A_1111, %dma_wait3A_1112] : memref<8x128x16xf32, #tpu.memory_space<vmem>> -> memref<1x128x16xf32, #tpu.memory_space<vmem>>
      %dma_wait3A_1114 = tpu.memref_squeeze %dma_wait3A_1113 : memref<1x128x16xf32, #tpu.memory_space<vmem>> -> memref<128x16xf32, #tpu.memory_space<vmem>>
      %dma_wait3A_1115 = arith.constant 0 : i32
      %dma_wait3A_1116 = arith.constant 0 : i32
      %dma_wait3A_1117 = arith.constant 0 : i32
      %dma_wait3A_1118 = tpu.memref_slice %arg5[%rem3A_58, %dma_wait3A_1115, %dma_wait3A_1116, %dma_wait3A_1117] : memref<2x2x16x128xi32, #tpu.memory_space<vmem>> -> memref<1x2x16x128xi32, #tpu.memory_space<vmem>>
      %dma_wait3A_1119 = tpu.memref_squeeze %dma_wait3A_1118 : memref<1x2x16x128xi32, #tpu.memory_space<vmem>> -> memref<2x16x128xi32, #tpu.memory_space<vmem>>
      %dma_wait3A_1120 = arith.constant 0 : i32
      %dma_wait3A_1121 = tpu.memref_slice %dma_wait3A_1119[%dma_wait3A_1109, %dma_wait3A_1110, %dma_wait3A_1120] : memref<2x16x128xi32, #tpu.memory_space<vmem>> -> memref<1x1x128xi32, #tpu.memory_space<vmem>>
      %dma_wait3A_1122 = tpu.memref_squeeze %dma_wait3A_1121 : memref<1x1x128xi32, #tpu.memory_space<vmem>> -> memref<128xi32, #tpu.memory_space<vmem>>
      %dma_wait3A_1123 = arith.constant 0 : i32
      %dma_wait3A_1124 = arith.constant 0 : i32
      %dma_wait3A_1125 = tpu.memref_slice %arg7[%dma_wait3A_1123, %dma_wait3A_1124] : memref<100352x16xf32, #tpu.memory_space<vmem_shared>> -> memref<100352x16xf32, #tpu.memory_space<vmem_shared>>
      tpu.wait_indirect_dma semaphore(%arg22 : memref<!tpu.dma_semaphore, #tpu.memory_space<semaphore_mem>>) src(%dma_wait3A_1114 : memref<128x16xf32, #tpu.memory_space<vmem>>) dst(%dma_wait3A_1125 : memref<100352x16xf32, #tpu.memory_space<vmem_shared>>)
      %dma_wait3A_1126 = arith.constant 1 : i32
      %dma_wait3A_1127 = arith.constant 14 : i32
      %dma_wait3A_1128 = arith.constant 6 : i32
      %dma_wait3A_1129 = arith.constant 0 : i32
      %dma_wait3A_1130 = arith.constant 0 : i32
      %dma_wait3A_1131 = tpu.memref_slice %arg6[%dma_wait3A_1128, %dma_wait3A_1129, %dma_wait3A_1130] : memref<8x128x16xf32, #tpu.memory_space<vmem>> -> memref<1x128x16xf32, #tpu.memory_space<vmem>>
      %dma_wait3A_1132 = tpu.memref_squeeze %dma_wait3A_1131 : memref<1x128x16xf32, #tpu.memory_space<vmem>> -> memref<128x16xf32, #tpu.memory_space<vmem>>
      %dma_wait3A_1133 = arith.constant 0 : i32
      %dma_wait3A_1134 = arith.constant 0 : i32
      %dma_wait3A_1135 = arith.constant 0 : i32
      %dma_wait3A_1136 = tpu.memref_slice %arg5[%rem3A_58, %dma_wait3A_1133, %dma_wait3A_1134, %dma_wait3A_1135] : memref<2x2x16x128xi32, #tpu.memory_space<vmem>> -> memref<1x2x16x128xi32, #tpu.memory_space<vmem>>
      %dma_wait3A_1137 = tpu.memref_squeeze %dma_wait3A_1136 : memref<1x2x16x128xi32, #tpu.memory_space<vmem>> -> memref<2x16x128xi32, #tpu.memory_space<vmem>>
      %dma_wait3A_1138 = arith.constant 0 : i32
      %dma_wait3A_1139 = tpu.memref_slice %dma_wait3A_1137[%dma_wait3A_1126, %dma_wait3A_1127, %dma_wait3A_1138] : memref<2x16x128xi32, #tpu.memory_space<vmem>> -> memref<1x1x128xi32, #tpu.memory_space<vmem>>
      %dma_wait3A_1140 = tpu.memref_squeeze %dma_wait3A_1139 : memref<1x1x128xi32, #tpu.memory_space<vmem>> -> memref<128xi32, #tpu.memory_space<vmem>>
      %dma_wait3A_1141 = arith.constant 0 : i32
      %dma_wait3A_1142 = arith.constant 0 : i32
      %dma_wait3A_1143 = tpu.memref_slice %arg2[%dma_wait3A_1141, %dma_wait3A_1142] : memref<100000x16xf32, #tpu.memory_space<hbm>> -> memref<100000x16xf32, #tpu.memory_space<hbm>>
      tpu.wait_indirect_dma semaphore(%arg15 : memref<!tpu.dma_semaphore, #tpu.memory_space<semaphore_mem>>) src(%dma_wait3A_1143 : memref<100000x16xf32, #tpu.memory_space<hbm>>) dst(%dma_wait3A_1132 : memref<128x16xf32, #tpu.memory_space<vmem>>)
      %dma_start3A_1144 = arith.constant 6 : i32
      %dma_start3A_1145 = arith.constant 0 : i32
      %dma_start3A_1146 = arith.constant 14 : i32
      %dma_start3A_1147 = arith.constant 0 : i32
      %dma_start3A_1148 = arith.constant 0 : i32
      %dma_start3A_1149 = tpu.memref_slice %arg6[%dma_start3A_1144, %dma_start3A_1147, %dma_start3A_1148] : memref<8x128x16xf32, #tpu.memory_space<vmem>> -> memref<1x128x16xf32, #tpu.memory_space<vmem>>
      %dma_start3A_1150 = tpu.memref_squeeze %dma_start3A_1149 : memref<1x128x16xf32, #tpu.memory_space<vmem>> -> memref<128x16xf32, #tpu.memory_space<vmem>>
      %dma_start3A_1151 = arith.constant 0 : i32
      %dma_start3A_1152 = arith.constant 0 : i32
      %dma_start3A_1153 = arith.constant 0 : i32
      %dma_start3A_1154 = tpu.memref_slice %arg5[%rem3A_58, %dma_start3A_1151, %dma_start3A_1152, %dma_start3A_1153] : memref<2x2x16x128xi32, #tpu.memory_space<vmem>> -> memref<1x2x16x128xi32, #tpu.memory_space<vmem>>
      %dma_start3A_1155 = tpu.memref_squeeze %dma_start3A_1154 : memref<1x2x16x128xi32, #tpu.memory_space<vmem>> -> memref<2x16x128xi32, #tpu.memory_space<vmem>>
      %dma_start3A_1156 = arith.constant 0 : i32
      %dma_start3A_1157 = tpu.memref_slice %dma_start3A_1155[%dma_start3A_1145, %dma_start3A_1146, %dma_start3A_1156] : memref<2x16x128xi32, #tpu.memory_space<vmem>> -> memref<1x1x128xi32, #tpu.memory_space<vmem>>
      %dma_start3A_1158 = tpu.memref_squeeze %dma_start3A_1157 : memref<1x1x128xi32, #tpu.memory_space<vmem>> -> memref<128xi32, #tpu.memory_space<vmem>>
      %dma_start3A_1159 = arith.constant 0 : i32
      %dma_start3A_1160 = arith.constant 0 : i32
      %dma_start3A_1161 = tpu.memref_slice %arg7[%dma_start3A_1159, %dma_start3A_1160] : memref<100352x16xf32, #tpu.memory_space<vmem_shared>> -> memref<100352x16xf32, #tpu.memory_space<vmem_shared>>
      tpu.enqueue_indirect_dma source(%dma_start3A_1150 : memref<128x16xf32, #tpu.memory_space<vmem>>) target(%dma_start3A_1161 : memref<100352x16xf32, #tpu.memory_space<vmem_shared>>) offsets(%dma_start3A_1158 : memref<128xi32, #tpu.memory_space<vmem>>) semaphore(%arg23 : memref<!tpu.dma_semaphore, #tpu.memory_space<semaphore_mem>>) {add = true}
      %dma_wait3A_1162 = arith.constant 6 : i32
      %dma_wait3A_1163 = arith.constant 0 : i32
      %dma_wait3A_1164 = arith.constant 14 : i32
      %dma_wait3A_1165 = arith.constant 0 : i32
      %dma_wait3A_1166 = arith.constant 0 : i32
      %dma_wait3A_1167 = tpu.memref_slice %arg6[%dma_wait3A_1162, %dma_wait3A_1165, %dma_wait3A_1166] : memref<8x128x16xf32, #tpu.memory_space<vmem>> -> memref<1x128x16xf32, #tpu.memory_space<vmem>>
      %dma_wait3A_1168 = tpu.memref_squeeze %dma_wait3A_1167 : memref<1x128x16xf32, #tpu.memory_space<vmem>> -> memref<128x16xf32, #tpu.memory_space<vmem>>
      %dma_wait3A_1169 = arith.constant 0 : i32
      %dma_wait3A_1170 = arith.constant 0 : i32
      %dma_wait3A_1171 = arith.constant 0 : i32
      %dma_wait3A_1172 = tpu.memref_slice %arg5[%rem3A_58, %dma_wait3A_1169, %dma_wait3A_1170, %dma_wait3A_1171] : memref<2x2x16x128xi32, #tpu.memory_space<vmem>> -> memref<1x2x16x128xi32, #tpu.memory_space<vmem>>
      %dma_wait3A_1173 = tpu.memref_squeeze %dma_wait3A_1172 : memref<1x2x16x128xi32, #tpu.memory_space<vmem>> -> memref<2x16x128xi32, #tpu.memory_space<vmem>>
      %dma_wait3A_1174 = arith.constant 0 : i32
      %dma_wait3A_1175 = tpu.memref_slice %dma_wait3A_1173[%dma_wait3A_1163, %dma_wait3A_1164, %dma_wait3A_1174] : memref<2x16x128xi32, #tpu.memory_space<vmem>> -> memref<1x1x128xi32, #tpu.memory_space<vmem>>
      %dma_wait3A_1176 = tpu.memref_squeeze %dma_wait3A_1175 : memref<1x1x128xi32, #tpu.memory_space<vmem>> -> memref<128xi32, #tpu.memory_space<vmem>>
      %dma_wait3A_1177 = arith.constant 0 : i32
      %dma_wait3A_1178 = arith.constant 0 : i32
      %dma_wait3A_1179 = tpu.memref_slice %arg7[%dma_wait3A_1177, %dma_wait3A_1178] : memref<100352x16xf32, #tpu.memory_space<vmem_shared>> -> memref<100352x16xf32, #tpu.memory_space<vmem_shared>>
      tpu.wait_indirect_dma semaphore(%arg23 : memref<!tpu.dma_semaphore, #tpu.memory_space<semaphore_mem>>) src(%dma_wait3A_1168 : memref<128x16xf32, #tpu.memory_space<vmem>>) dst(%dma_wait3A_1179 : memref<100352x16xf32, #tpu.memory_space<vmem_shared>>)
      %dma_wait3A_1180 = arith.constant 1 : i32
      %dma_wait3A_1181 = arith.constant 15 : i32
      %dma_wait3A_1182 = arith.constant 7 : i32
      %dma_wait3A_1183 = arith.constant 0 : i32
      %dma_wait3A_1184 = arith.constant 0 : i32
      %dma_wait3A_1185 = tpu.memref_slice %arg6[%dma_wait3A_1182, %dma_wait3A_1183, %dma_wait3A_1184] : memref<8x128x16xf32, #tpu.memory_space<vmem>> -> memref<1x128x16xf32, #tpu.memory_space<vmem>>
      %dma_wait3A_1186 = tpu.memref_squeeze %dma_wait3A_1185 : memref<1x128x16xf32, #tpu.memory_space<vmem>> -> memref<128x16xf32, #tpu.memory_space<vmem>>
      %dma_wait3A_1187 = arith.constant 0 : i32
      %dma_wait3A_1188 = arith.constant 0 : i32
      %dma_wait3A_1189 = arith.constant 0 : i32
      %dma_wait3A_1190 = tpu.memref_slice %arg5[%rem3A_58, %dma_wait3A_1187, %dma_wait3A_1188, %dma_wait3A_1189] : memref<2x2x16x128xi32, #tpu.memory_space<vmem>> -> memref<1x2x16x128xi32, #tpu.memory_space<vmem>>
      %dma_wait3A_1191 = tpu.memref_squeeze %dma_wait3A_1190 : memref<1x2x16x128xi32, #tpu.memory_space<vmem>> -> memref<2x16x128xi32, #tpu.memory_space<vmem>>
      %dma_wait3A_1192 = arith.constant 0 : i32
      %dma_wait3A_1193 = tpu.memref_slice %dma_wait3A_1191[%dma_wait3A_1180, %dma_wait3A_1181, %dma_wait3A_1192] : memref<2x16x128xi32, #tpu.memory_space<vmem>> -> memref<1x1x128xi32, #tpu.memory_space<vmem>>
      %dma_wait3A_1194 = tpu.memref_squeeze %dma_wait3A_1193 : memref<1x1x128xi32, #tpu.memory_space<vmem>> -> memref<128xi32, #tpu.memory_space<vmem>>
      %dma_wait3A_1195 = arith.constant 0 : i32
      %dma_wait3A_1196 = arith.constant 0 : i32
      %dma_wait3A_1197 = tpu.memref_slice %arg2[%dma_wait3A_1195, %dma_wait3A_1196] : memref<100000x16xf32, #tpu.memory_space<hbm>> -> memref<100000x16xf32, #tpu.memory_space<hbm>>
      tpu.wait_indirect_dma semaphore(%arg16 : memref<!tpu.dma_semaphore, #tpu.memory_space<semaphore_mem>>) src(%dma_wait3A_1197 : memref<100000x16xf32, #tpu.memory_space<hbm>>) dst(%dma_wait3A_1186 : memref<128x16xf32, #tpu.memory_space<vmem>>)
      %dma_start3A_1198 = arith.constant 7 : i32
      %dma_start3A_1199 = arith.constant 0 : i32
      %dma_start3A_1200 = arith.constant 15 : i32
      %dma_start3A_1201 = arith.constant 0 : i32
      %dma_start3A_1202 = arith.constant 0 : i32
      %dma_start3A_1203 = tpu.memref_slice %arg6[%dma_start3A_1198, %dma_start3A_1201, %dma_start3A_1202] : memref<8x128x16xf32, #tpu.memory_space<vmem>> -> memref<1x128x16xf32, #tpu.memory_space<vmem>>
      %dma_start3A_1204 = tpu.memref_squeeze %dma_start3A_1203 : memref<1x128x16xf32, #tpu.memory_space<vmem>> -> memref<128x16xf32, #tpu.memory_space<vmem>>
      %dma_start3A_1205 = arith.constant 0 : i32
      %dma_start3A_1206 = arith.constant 0 : i32
      %dma_start3A_1207 = arith.constant 0 : i32
      %dma_start3A_1208 = tpu.memref_slice %arg5[%rem3A_58, %dma_start3A_1205, %dma_start3A_1206, %dma_start3A_1207] : memref<2x2x16x128xi32, #tpu.memory_space<vmem>> -> memref<1x2x16x128xi32, #tpu.memory_space<vmem>>
      %dma_start3A_1209 = tpu.memref_squeeze %dma_start3A_1208 : memref<1x2x16x128xi32, #tpu.memory_space<vmem>> -> memref<2x16x128xi32, #tpu.memory_space<vmem>>
      %dma_start3A_1210 = arith.constant 0 : i32
      %dma_start3A_1211 = tpu.memref_slice %dma_start3A_1209[%dma_start3A_1199, %dma_start3A_1200, %dma_start3A_1210] : memref<2x16x128xi32, #tpu.memory_space<vmem>> -> memref<1x1x128xi32, #tpu.memory_space<vmem>>
      %dma_start3A_1212 = tpu.memref_squeeze %dma_start3A_1211 : memref<1x1x128xi32, #tpu.memory_space<vmem>> -> memref<128xi32, #tpu.memory_space<vmem>>
      %dma_start3A_1213 = arith.constant 0 : i32
      %dma_start3A_1214 = arith.constant 0 : i32
      %dma_start3A_1215 = tpu.memref_slice %arg7[%dma_start3A_1213, %dma_start3A_1214] : memref<100352x16xf32, #tpu.memory_space<vmem_shared>> -> memref<100352x16xf32, #tpu.memory_space<vmem_shared>>
      tpu.enqueue_indirect_dma source(%dma_start3A_1204 : memref<128x16xf32, #tpu.memory_space<vmem>>) target(%dma_start3A_1215 : memref<100352x16xf32, #tpu.memory_space<vmem_shared>>) offsets(%dma_start3A_1212 : memref<128xi32, #tpu.memory_space<vmem>>) semaphore(%arg24 : memref<!tpu.dma_semaphore, #tpu.memory_space<semaphore_mem>>) {add = true}
      %dma_wait3A_1216 = arith.constant 7 : i32
      %dma_wait3A_1217 = arith.constant 0 : i32
      %dma_wait3A_1218 = arith.constant 15 : i32
      %dma_wait3A_1219 = arith.constant 0 : i32
      %dma_wait3A_1220 = arith.constant 0 : i32
      %dma_wait3A_1221 = tpu.memref_slice %arg6[%dma_wait3A_1216, %dma_wait3A_1219, %dma_wait3A_1220] : memref<8x128x16xf32, #tpu.memory_space<vmem>> -> memref<1x128x16xf32, #tpu.memory_space<vmem>>
      %dma_wait3A_1222 = tpu.memref_squeeze %dma_wait3A_1221 : memref<1x128x16xf32, #tpu.memory_space<vmem>> -> memref<128x16xf32, #tpu.memory_space<vmem>>
      %dma_wait3A_1223 = arith.constant 0 : i32
      %dma_wait3A_1224 = arith.constant 0 : i32
      %dma_wait3A_1225 = arith.constant 0 : i32
      %dma_wait3A_1226 = tpu.memref_slice %arg5[%rem3A_58, %dma_wait3A_1223, %dma_wait3A_1224, %dma_wait3A_1225] : memref<2x2x16x128xi32, #tpu.memory_space<vmem>> -> memref<1x2x16x128xi32, #tpu.memory_space<vmem>>
      %dma_wait3A_1227 = tpu.memref_squeeze %dma_wait3A_1226 : memref<1x2x16x128xi32, #tpu.memory_space<vmem>> -> memref<2x16x128xi32, #tpu.memory_space<vmem>>
      %dma_wait3A_1228 = arith.constant 0 : i32
      %dma_wait3A_1229 = tpu.memref_slice %dma_wait3A_1227[%dma_wait3A_1217, %dma_wait3A_1218, %dma_wait3A_1228] : memref<2x16x128xi32, #tpu.memory_space<vmem>> -> memref<1x1x128xi32, #tpu.memory_space<vmem>>
      %dma_wait3A_1230 = tpu.memref_squeeze %dma_wait3A_1229 : memref<1x1x128xi32, #tpu.memory_space<vmem>> -> memref<128xi32, #tpu.memory_space<vmem>>
      %dma_wait3A_1231 = arith.constant 0 : i32
      %dma_wait3A_1232 = arith.constant 0 : i32
      %dma_wait3A_1233 = tpu.memref_slice %arg7[%dma_wait3A_1231, %dma_wait3A_1232] : memref<100352x16xf32, #tpu.memory_space<vmem_shared>> -> memref<100352x16xf32, #tpu.memory_space<vmem_shared>>
      tpu.wait_indirect_dma semaphore(%arg24 : memref<!tpu.dma_semaphore, #tpu.memory_space<semaphore_mem>>) src(%dma_wait3A_1222 : memref<128x16xf32, #tpu.memory_space<vmem>>) dst(%dma_wait3A_1233 : memref<100352x16xf32, #tpu.memory_space<vmem_shared>>)
      %dma_wait3A_1234 = arith.constant 0 : i32
      %dma_wait3A_1235 = arith.constant 0 : i32
      %dma_wait3A_1236 = arith.constant 0 : i32
      %dma_wait3A_1237 = tpu.memref_slice %arg5[%sub3A_59, %dma_wait3A_1234, %dma_wait3A_1235, %dma_wait3A_1236] : memref<2x2x16x128xi32, #tpu.memory_space<vmem>> -> memref<1x2x16x128xi32, #tpu.memory_space<vmem>>
      %dma_wait3A_1238 = tpu.memref_squeeze %dma_wait3A_1237 : memref<1x2x16x128xi32, #tpu.memory_space<vmem>> -> memref<2x16x128xi32, #tpu.memory_space<vmem>>
      %dma_wait3A_1239 = arith.constant 0 : i32
      %dma_wait3A_1240 = arith.constant 0 : i32
      %dma_wait3A_1241 = tpu.memref_slice %arg3[%dma_wait3A_1239, %add3A_65, %dma_wait3A_1240] : memref<2x25088x128xi32, #tpu.memory_space<hbm>> -> memref<2x16x128xi32, #tpu.memory_space<hbm>>
      %dma_wait3A_1242 = arith.constant 0 : i32
      %dma_wait3A_1243 = arith.constant 0 : i32
      %dma_wait3A_1244 = arith.constant 0 : i32
      %dma_wait3A_1245 = tpu.memref_slice %arg5[%sub3A_59, %dma_wait3A_1242, %dma_wait3A_1243, %dma_wait3A_1244] : memref<2x2x16x128xi32, #tpu.memory_space<vmem>> -> memref<1x2x16x128xi32, #tpu.memory_space<vmem>>
      %dma_wait3A_1246 = tpu.memref_squeeze %dma_wait3A_1245 : memref<1x2x16x128xi32, #tpu.memory_space<vmem>> -> memref<2x16x128xi32, #tpu.memory_space<vmem>>
      %dma_wait3A_1247 = arith.constant 0 : i32
      %dma_wait3A_1248 = arith.constant 0 : i32
      %dma_wait3A_1249 = tpu.memref_slice %arg3[%dma_wait3A_1247, %add3A_65, %dma_wait3A_1248] : memref<2x25088x128xi32, #tpu.memory_space<hbm>> -> memref<2x16x128xi32, #tpu.memory_space<hbm>>
      tpu.wait_dma2 semaphore(%arg8 : memref<!tpu.dma_semaphore, #tpu.memory_space<semaphore_mem>>) src(%dma_wait3A_1249 : memref<2x16x128xi32, #tpu.memory_space<hbm>>) dst(%dma_wait3A_1246 : memref<2x16x128xi32, #tpu.memory_space<vmem>>)
    }
    %scan3A_51 = arith.constant 49 : i32
    %barrier3A_52 = arith.constant 0 : index
    tpu.barrier barrier_id(%barrier3A_52)
    %mul3A_53 = arith.constant 6272 : i32
    %mul3A_54 = arith.muli %arg1, %mul3A_53 : i32
    %mul3A_55 = arith.constant 6272 : i32
    %mul3A_56 = arith.muli %arg1, %mul3A_55 : i32
    "tpu.region"() ({
      %run_scoped3A = tpu.sem_alloc : memref<!tpu.dma_semaphore, #tpu.memory_space<semaphore_mem>>
      %dma_start3A_57 = arith.constant 0 : i32
      %dma_start3A_58 = tpu.memref_slice %arg4[%arg0, %mul3A_56, %dma_start3A_57] : memref<2x100352x16xf32, #tpu.memory_space<hbm>> -> memref<1x6272x16xf32, #tpu.memory_space<hbm>>
      %dma_start3A_59 = tpu.memref_squeeze %dma_start3A_58 : memref<1x6272x16xf32, #tpu.memory_space<hbm>> -> memref<6272x16xf32, #tpu.memory_space<hbm>>
      %dma_start3A_60 = arith.constant 0 : i32
      %dma_start3A_61 = tpu.memref_slice %arg7[%mul3A_54, %dma_start3A_60] : memref<100352x16xf32, #tpu.memory_space<vmem_shared>> -> memref<6272x16xf32, #tpu.memory_space<vmem_shared>>
      tpu.enqueue_dma source(%dma_start3A_61 : memref<6272x16xf32, #tpu.memory_space<vmem_shared>>) target(%dma_start3A_59 : memref<6272x16xf32, #tpu.memory_space<hbm>>) target_semaphore(%run_scoped3A : memref<!tpu.dma_semaphore, #tpu.memory_space<semaphore_mem>>)
      %dma_wait3A_62 = arith.constant 0 : i32
      %dma_wait3A_63 = tpu.memref_slice %arg4[%arg0, %mul3A_56, %dma_wait3A_62] : memref<2x100352x16xf32, #tpu.memory_space<hbm>> -> memref<1x6272x16xf32, #tpu.memory_space<hbm>>
      %dma_wait3A_64 = tpu.memref_squeeze %dma_wait3A_63 : memref<1x6272x16xf32, #tpu.memory_space<hbm>> -> memref<6272x16xf32, #tpu.memory_space<hbm>>
      %dma_wait3A_65 = arith.constant 0 : i32
      %dma_wait3A_66 = tpu.memref_slice %arg7[%mul3A_54, %dma_wait3A_65] : memref<100352x16xf32, #tpu.memory_space<vmem_shared>> -> memref<6272x16xf32, #tpu.memory_space<vmem_shared>>
      tpu.wait_dma2 semaphore(%run_scoped3A : memref<!tpu.dma_semaphore, #tpu.memory_space<semaphore_mem>>) src(%dma_wait3A_66 : memref<6272x16xf32, #tpu.memory_space<vmem_shared>>) dst(%dma_wait3A_64 : memref<6272x16xf32, #tpu.memory_space<hbm>>)
      tpu.yield
    }) : () -> ()
    return
  }
}

module attributes {stable_mosaic.version = 14 : i64} {
  func.func @body(%arg0: i32, %arg1: memref<2x2048x16xf32, #tpu.memory_space<vmem>>, %arg2: memref<8x2048xf32, #tpu.memory_space<vmem>>) attributes {dimension_semantics = [#tpu.dimension_semantics<arbitrary>], iteration_bounds = array<i64: 49>, scalar_prefetch = 0 : i64, scratch_operands = 0 : i64, tpu.core_type = #tpu.core_type<tc>, window_params = [{transform_indices = @transform_0, window_bounds = array<i64: 2, 2048, 16>}, {transform_indices = @transform_1, window_bounds = array<i64: 8, 2048>}]} {
    %get3A = arith.constant 0 : index
    %get3A_0 = arith.constant 0 : index
    %get3A_1 = arith.constant 0 : index
    %get3A_2 = vector.load %arg1[%get3A, %get3A_0, %get3A_1] : memref<2x2048x16xf32, #tpu.memory_space<vmem>>, vector<2x2048x16xf32>
    %slice3A = vector.extract_strided_slice %get3A_2 {offsets = [0, 0, 0], sizes = [1, 2048, 16], strides = [1, 1, 1]} : vector<2x2048x16xf32> to vector<1x2048x16xf32>
    %squeeze3A = vector.shape_cast %slice3A : vector<1x2048x16xf32> to vector<2048x16xf32>
    %slice3A_3 = vector.extract_strided_slice %get3A_2 {offsets = [1, 0, 0], sizes = [1, 2048, 16], strides = [1, 1, 1]} : vector<2x2048x16xf32> to vector<1x2048x16xf32>
    %squeeze3A_4 = vector.shape_cast %slice3A_3 : vector<1x2048x16xf32> to vector<2048x16xf32>
    %add3A = arith.addf %squeeze3A, %squeeze3A_4 : vector<2048x16xf32>
    %slice3A_5 = vector.extract_strided_slice %add3A {offsets = [0, 8], sizes = [2048, 1], strides = [1, 1]} : vector<2048x16xf32> to vector<2048x1xf32>
    %max3A = arith.constant 1.000000e+00 : f32
    %max3A_6 = vector.broadcast %max3A : f32 to vector<2048x1xf32>
    %max3A_7 = arith.maximumf %slice3A_5, %max3A_6 : vector<2048x1xf32>
    %slice3A_8 = vector.extract_strided_slice %add3A {offsets = [0, 0], sizes = [2048, 8], strides = [1, 1]} : vector<2048x16xf32> to vector<2048x8xf32>
    %div3A = vector.broadcast %max3A_7 : vector<2048x1xf32> to vector<2048x8xf32>
    %div3A_9 = arith.divf %slice3A_8, %div3A : vector<2048x8xf32>
    %transpose3A = tpu.transpose %div3A_9, [1, 0] : vector<2048x8xf32> -> vector<8x2048xf32>
    %swap3A = arith.constant 0 : index
    %swap3A_10 = arith.constant 0 : index
    %swap3A_11 = vector.load %arg2[%swap3A, %swap3A_10] : memref<8x2048xf32, #tpu.memory_space<vmem>>, vector<8x2048xf32>
    tpu.vector_store %arg2[%swap3A, %swap3A_10], %transpose3A {strides = array<i32>} : memref<8x2048xf32, #tpu.memory_space<vmem>>, vector<8x2048xf32>,
    return
  }
  func.func @transform_0(%arg0: i32) -> (i32, i32, i32) {
    %c0_i32 = arith.constant 0 : i32
    %c0_i32_0 = arith.constant 0 : i32
    %c0_i32_1 = arith.constant 0 : i32
    return %c0_i32, %arg0, %c0_i32_0 : i32, i32, i32
  }
  func.func @transform_1(%arg0: i32) -> (i32, i32) {
    %c0_i32 = arith.constant 0 : i32
    %c0_i32_0 = arith.constant 0 : i32
    return %c0_i32, %arg0 : i32, i32
  }
}

module attributes {stable_mosaic.version = 14 : i64} {
  func.func @body(%arg0: i32, %arg1: memref<8x128xf32, #tpu.memory_space<vmem>>, %arg2: memref<128x1xf32, #tpu.memory_space<vmem>>, %arg3: memref<128x1xf32, #tpu.memory_space<vmem>>, %arg4: memref<128x1xf32, #tpu.memory_space<vmem>>, %arg5: memref<1xf32, #tpu.memory_space<smem>>, %arg6: memref<8x128xf32, #tpu.memory_space<vmem>>) attributes {dimension_semantics = [#tpu.dimension_semantics<arbitrary>], iteration_bounds = array<i64: 784>, scalar_prefetch = 0 : i64, scratch_operands = 0 : i64, tpu.core_type = #tpu.core_type<tc>, window_params = [{transform_indices = @transform_0, window_bounds = array<i64: 8, 128>}, {pipeline_mode = #tpu.pipeline_mode<synchronous>, transform_indices = @transform_1, window_bounds = array<i64: 128, 1>}, {pipeline_mode = #tpu.pipeline_mode<synchronous>, transform_indices = @transform_2, window_bounds = array<i64: 128, 1>}, {pipeline_mode = #tpu.pipeline_mode<synchronous>, transform_indices = @transform_3, window_bounds = array<i64: 128, 1>}, {transform_indices = @transform_4, window_bounds = array<i64: 1>}, {transform_indices = @transform_5, window_bounds = array<i64: 8, 128>}]} {
    %get3A = arith.constant 0 : index
    %get3A_0 = arith.constant 0 : index
    %get3A_1 = vector.load %arg1[%get3A, %get3A_0] : memref<8x128xf32, #tpu.memory_space<vmem>>, vector<8x128xf32>
    %broadcast_in_dim3A = vector.shape_cast %get3A_1 : vector<8x128xf32> to vector<8x1x128xf32>
    %get3A_2 = arith.constant 0 : index
    %get3A_3 = arith.constant 0 : index
    %get3A_4 = vector.load %arg2[%get3A_2, %get3A_3] : memref<128x1xf32, #tpu.memory_space<vmem>>, vector<128x1xf32>
    %broadcast_in_dim3A_5 = vector.shape_cast %get3A_4 : vector<128x1xf32> to vector<1x128x1xf32>
    %get3A_6 = arith.constant 0 : index
    %get3A_7 = arith.constant 0 : index
    %get3A_8 = vector.load %arg3[%get3A_6, %get3A_7] : memref<128x1xf32, #tpu.memory_space<vmem>>, vector<128x1xf32>
    %broadcast_in_dim3A_9 = vector.shape_cast %get3A_8 : vector<128x1xf32> to vector<1x128x1xf32>
    %mul3A = vector.broadcast %broadcast_in_dim3A : vector<8x1x128xf32> to vector<8x128x128xf32>
    %mul3A_10 = vector.broadcast %broadcast_in_dim3A_5 : vector<1x128x1xf32> to vector<8x128x128xf32>
    %mul3A_11 = arith.mulf %mul3A, %mul3A_10 : vector<8x128x128xf32>
    %add3A = vector.broadcast %broadcast_in_dim3A_9 : vector<1x128x1xf32> to vector<8x128x128xf32>
    %add3A_12 = arith.addf %mul3A_11, %add3A : vector<8x128x128xf32>
    %abs3A = math.absf %add3A_12 : vector<8x128x128xf32>
    %mul3A_13 = arith.constant 0.707106769 : f32
    %mul3A_14 = vector.broadcast %mul3A_13 : f32 to vector<8x128x128xf32>
    %mul3A_15 = arith.mulf %abs3A, %mul3A_14 : vector<8x128x128xf32>
    %mul3A_16 = arith.constant 0.327591091 : f32
    %mul3A_17 = vector.broadcast %mul3A_16 : f32 to vector<8x128x128xf32>
    %mul3A_18 = arith.mulf %mul3A_17, %mul3A_15 : vector<8x128x128xf32>
    %add3A_19 = arith.constant 1.000000e+00 : f32
    %add3A_20 = vector.broadcast %add3A_19 : f32 to vector<8x128x128xf32>
    %add3A_21 = arith.addf %add3A_20, %mul3A_18 : vector<8x128x128xf32>
    %div3A = arith.constant 1.000000e+00 : f32
    %div3A_22 = vector.broadcast %div3A : f32 to vector<8x128x128xf32>
    %div3A_23 = arith.divf %div3A_22, %add3A_21 : vector<8x128x128xf32>
    %mul3A_24 = arith.constant 1.06140542 : f32
    %mul3A_25 = vector.broadcast %mul3A_24 : f32 to vector<8x128x128xf32>
    %mul3A_26 = arith.mulf %div3A_23, %mul3A_25 : vector<8x128x128xf32>
    %add3A_27 = arith.constant -1.45315206 : f32
    %add3A_28 = vector.broadcast %add3A_27 : f32 to vector<8x128x128xf32>
    %add3A_29 = arith.addf %add3A_28, %mul3A_26 : vector<8x128x128xf32>
    %mul3A_30 = arith.mulf %div3A_23, %add3A_29 : vector<8x128x128xf32>
    %add3A_31 = arith.constant 1.42141378 : f32
    %add3A_32 = vector.broadcast %add3A_31 : f32 to vector<8x128x128xf32>
    %add3A_33 = arith.addf %add3A_32, %mul3A_30 : vector<8x128x128xf32>
    %mul3A_34 = arith.mulf %div3A_23, %add3A_33 : vector<8x128x128xf32>
    %add3A_35 = arith.constant -0.284496725 : f32
    %add3A_36 = vector.broadcast %add3A_35 : f32 to vector<8x128x128xf32>
    %add3A_37 = arith.addf %add3A_36, %mul3A_34 : vector<8x128x128xf32>
    %mul3A_38 = arith.mulf %div3A_23, %add3A_37 : vector<8x128x128xf32>
    %add3A_39 = arith.constant 0.254829586 : f32
    %add3A_40 = vector.broadcast %add3A_39 : f32 to vector<8x128x128xf32>
    %add3A_41 = arith.addf %add3A_40, %mul3A_38 : vector<8x128x128xf32>
    %mul3A_42 = arith.mulf %div3A_23, %add3A_41 : vector<8x128x128xf32>
    %neg3A = arith.constant 0.000000e+00 : f32
    %neg3A_43 = vector.broadcast %neg3A : f32 to vector<8x128x128xf32>
    %neg3A_44 = arith.subf %neg3A_43, %mul3A_15 : vector<8x128x128xf32>
    %mul3A_45 = arith.mulf %neg3A_44, %mul3A_15 : vector<8x128x128xf32>
    %exp3A = math.exp %mul3A_45 : vector<8x128x128xf32>
    %mul3A_46 = arith.mulf %mul3A_42, %exp3A : vector<8x128x128xf32>
    %sub3A = arith.constant 1.000000e+00 : f32
    %sub3A_47 = vector.broadcast %sub3A : f32 to vector<8x128x128xf32>
    %sub3A_48 = arith.subf %sub3A_47, %mul3A_46 : vector<8x128x128xf32>
    %ge3A = arith.constant 0.000000e+00 : f32
    %ge3A_49 = vector.broadcast %ge3A : f32 to vector<8x128x128xf32>
    %ge3A_50 = arith.cmpf oge, %add3A_12, %ge3A_49 : vector<8x128x128xf32>
    %neg3A_51 = arith.constant 0.000000e+00 : f32
    %neg3A_52 = vector.broadcast %neg3A_51 : f32 to vector<8x128x128xf32>
    %neg3A_53 = arith.subf %neg3A_52, %sub3A_48 : vector<8x128x128xf32>
    %select_n3A = arith.select %ge3A_50, %sub3A_48, %neg3A_53 : vector<8x128x128xi1>, vector<8x128x128xf32>
    %mul3A_54 = arith.constant 5.000000e-01 : f32
    %mul3A_55 = vector.broadcast %mul3A_54 : f32 to vector<8x128x128xf32>
    %mul3A_56 = arith.mulf %mul3A_55, %add3A_12 : vector<8x128x128xf32>
    %add3A_57 = arith.constant 1.000000e+00 : f32
    %add3A_58 = vector.broadcast %add3A_57 : f32 to vector<8x128x128xf32>
    %add3A_59 = arith.addf %add3A_58, %select_n3A : vector<8x128x128xf32>
    %mul3A_60 = arith.mulf %mul3A_56, %add3A_59 : vector<8x128x128xf32>
    %get3A_61 = arith.constant 0 : index
    %get3A_62 = arith.constant 0 : index
    %get3A_63 = vector.load %arg4[%get3A_61, %get3A_62] : memref<128x1xf32, #tpu.memory_space<vmem>>, vector<128x1xf32>
    %broadcast_in_dim3A_64 = vector.shape_cast %get3A_63 : vector<128x1xf32> to vector<1x128x1xf32>
    %mul3A_65 = vector.broadcast %broadcast_in_dim3A_64 : vector<1x128x1xf32> to vector<8x128x128xf32>
    %mul3A_66 = arith.mulf %mul3A_60, %mul3A_65 : vector<8x128x128xf32>
    %reduce_sum3A = arith.constant dense<0.000000e+00> : vector<8x128xf32>
    %reduce_sum3A_67 = vector.multi_reduction <add>, %mul3A_66, %reduce_sum3A [1] : vector<8x128x128xf32> to vector<8x128xf32>
    %get3A_68 = arith.constant 0 : index
    %get3A_69 = memref.load %arg5[%get3A_68] : memref<1xf32, #tpu.memory_space<smem>>
    %add3A_70 = vector.broadcast %get3A_69 : f32 to vector<8x128xf32>
    %add3A_71 = arith.addf %reduce_sum3A_67, %add3A_70 : vector<8x128xf32>
    %swap3A = arith.constant 0 : index
    %swap3A_72 = arith.constant 0 : index
    %swap3A_73 = vector.load %arg6[%swap3A, %swap3A_72] : memref<8x128xf32, #tpu.memory_space<vmem>>, vector<8x128xf32>
    tpu.vector_store %arg6[%swap3A, %swap3A_72], %add3A_71 {strides = array<i32>} : memref<8x128xf32, #tpu.memory_space<vmem>>, vector<8x128xf32>,
    return
  }
  func.func @transform_0(%arg0: i32) -> (i32, i32) {
    %c0_i32 = arith.constant 0 : i32
    %c0_i32_0 = arith.constant 0 : i32
    return %c0_i32, %arg0 : i32, i32
  }
  func.func @transform_1(%arg0: i32) -> (i32, i32) {
    %c0_i32 = arith.constant 0 : i32
    %c0_i32_0 = arith.constant 0 : i32
    %c0_i32_1 = arith.constant 0 : i32
    return %c0_i32, %c0_i32_0 : i32, i32
  }
  func.func @transform_2(%arg0: i32) -> (i32, i32) {
    %c0_i32 = arith.constant 0 : i32
    %c0_i32_0 = arith.constant 0 : i32
    %c0_i32_1 = arith.constant 0 : i32
    return %c0_i32, %c0_i32_0 : i32, i32
  }
  func.func @transform_3(%arg0: i32) -> (i32, i32) {
    %c0_i32 = arith.constant 0 : i32
    %c0_i32_0 = arith.constant 0 : i32
    %c0_i32_1 = arith.constant 0 : i32
    return %c0_i32, %c0_i32_0 : i32, i32
  }
  func.func @transform_4(%arg0: i32) -> i32 {
    %c0_i32 = arith.constant 0 : i32
    %c0_i32_0 = arith.constant 0 : i32
    return %c0_i32 : i32
  }
  func.func @transform_5(%arg0: i32) -> (i32, i32) {
    %c0_i32 = arith.constant 0 : i32
    %c0_i32_0 = arith.constant 0 : i32
    return %c0_i32, %arg0 : i32, i32
  }
}

</mosaic_0001>

<sc_bundles>
// kernel: kernel.5.cloned.1.call-start
scs
__scs_entry_jumppad:
0x0: {  	(pc) =	sbr.rel $0x88, $3  }
0x1: {  	(tag) =	ssettag $0x0;
	lr =	simm.s32 $0x1  }
0x2: {  	[smem:$0x3F9B] =	sst lr;
	_ =	strace $0xD0000000  }
0x3: {  	_ = 	snop  }
0x4: {  	_ = 	snop  }
0x5: {  	_ = 	snop  }
0x6: {  	_ = 	snop  }
0x7: {  	_ = 	snop  }
__scs_overlays_trampoline_lowered:
0x8: {  	[smem:$0x3FAA] =	sst s0  }
0x9: {  	[smem:$0x3FAB] =	sst s1  }
0xa: {  	[smem:$0x3FAC] =	sst s2  }
0xb: {  	[smem:$0x3FAD] =	sst s3  }
0xc: {  	[smem:$0x3FAE] =	sst s4  }
0xd: {  	[smem:$0x3FAF] =	sst s5  }
0xe: {  	[smem:$0x3FB0] =	sst s6  }
0xf: {  	[smem:$0x3FB1] =	sst s7  }
0x10: {  	[smem:$0x3FB2] =	sst s8  }
0x11: {  	[smem:$0x3FB3] =	sst s9;
	s0 =	simm.s32 @!p0 $0x0  }
0x12: {  	s1 =	sld [smem:$0x3F99];
	s0 =	simm.s32 @p0 $0x1  }
0x13: {  	[smem:$0x3FB4] =	sst s0;
	s0 =	simm.s32 @!p1 $0x0  }
0x14: {  	s2 =	sld [smem:$0x3F98];
	s0 =	simm.s32 @p1 $0x1  }
0x15: {  	[smem:$0x3FB5] =	sst s0;
	s0 =	simm.s32 @!p2 $0x0  }
0x16: {  	s3 =	sld [smem:$0x3FDB];
	s0 =	simm.s32 @p2 $0x1  }
0x17: {  	s4 =	simm.s32 $0x1BF5;
	[smem:$0x3FB7] =	sst s0  }
0x18: {  	s0 =	sld [smem:$0x3F9A];
	_ =	swait.ge [sflag:s4], $0x0  }
0x19: {  	s7 =	sld [smem:$0x3F9B]  }
0x1a: {  	s8 =	sadd.s32 $0xFFFFE003, lr  }
0x1b: {  	s9 =	sadd.s32 $0xFFFFFEF7, lr;
	s5 =	simm.s32 $0xFFFFFFFF;
	p2 =	slt.u32 s8, $0xFFFFF086  }
0x1c: {  	p1 =	slt.u32 s9, $0xF7A;
	s5 =	simm.s32 @!p2 $0x0  }
0x1d: {  	s5 =	simm.s32 @p1 $0x1;
	p0 =	seq.s32 s7, s2  }
0x1e: {  	s7 =	smul.u32 @!p0 $0xF7A, s2;
	p2 =	seq.s32 @!p0 s5, $0x0  }
0x1f: {  	s9 =	smul.u32 $0xF7A, s1;
	s8 =	simm.s32 @!p0 $0x1BF5;
	p2 =	por !p2, p0  }
0x20: {  	[sflag:s8] =	ssyncset.s32 @!p0 $0xFFFFF086;
	s6 =	sadd.s32 @!p0 s3, s7;
	s7 =	simm.s32 @!p0 $0x108  }
0x21: {  	s3 =	sadd.s32 s3, s9;
	s6 =	sadd.s32 @!p0 $0x88, s6;
	s7 =	simm.s32 @p2 $0x1082  }
0x22: {  	[simem:s7], [sflag:s8] =	dma.local @!p0 [hbm:s6], $0xF7A  }
0x23: {  	s9 =	sor.u32 $0xD0000000, s2;
	s6 =	simm.s32 $0x108;
	_ =	swait.ge @!p0 [sflag:s8], $0x0  }
0x24: {  	s3 =	sadd.s32 $0x88, s3;
	s6 =	simm.s32 @!p1 $0x1082;
	[sflag:s4] =	ssyncset.s32 $0xFFFFF086  }
0x25: {  	[simem:s6], [sflag:s4] =	dma.local [hbm:s3], $0xF7A  }
0x26: {  	[smem:$0x3F9B] =	sst s1;
	(tag) =	ssettag s2;
	_ =	strace s9  }
0x27: {  	s1 =	sld [smem:$0x3FAB]  }
0x28: {  	s2 =	sld [smem:$0x3FAC]  }
0x29: {  	s4 =	sld [smem:$0x3FAE]  }
0x2a: {  	p0 =	seq.s32 s5, $0x0;
	s5 =	sld [smem:$0x3FAF]  }
0x2b: {  	s6 =	sld [smem:$0x3FB0]  }
0x2c: {  	s7 =	sld [smem:$0x3FB1]  }
0x2d: {  	s3 =	simm.s32 $0x108;
	s8 =	sld [smem:$0x3FB2]  }
0x2e: {  	s3 =	simm.s32 @!p0 $0x1082;
	s9 =	sld [smem:$0x3FB3]  }
0x2f: {  	lr =	sadd.s32 s0, s3;
	s0 =	sld [smem:$0x3FAA]  }
0x30: {  	s3 =	sld [smem:$0x3FAD]  }
0x31: {  	[smem:$0x3FB6] =	sst s10  }
0x32: {  	s10 =	sld [smem:$0x3FB4];
	_ =	sdelay $0x3  }
0x33: {  	p0 =	seq.s32 s10, $0x1;
	s10 =	sld [smem:$0x3FB6];
	_ =	sdelay $0x3  }
0x34: {  	[smem:$0x3FB6] =	sst s10  }
0x35: {  	s10 =	sld [smem:$0x3FB5];
	_ =	sdelay $0x3  }
0x36: {  	p1 =	seq.s32 s10, $0x1;
	s10 =	sld [smem:$0x3FB6];
	_ =	sdelay $0x3  }
0x37: {  	[smem:$0x3FB6] =	sst s10  }
0x38: {  	s10 =	sld [smem:$0x3FB7]  }
0x39: {  	_ = 	snop;
	(pc) =	sbr.ind lr, $3  }
0x3a: {  	_ = 	snop  }
0x3b: {  	_ = 	snop  }
0x3c: {  	p2 =	seq.s32 s10, $0x1;
	s10 =	sld [smem:$0x3FB6]  }
0x3d: {  	_ =	shalt  }
0x3e: {  	_ =	shalt  }
0x3f: {  	_ =	shalt  }
0x40: {  	_ =	shalt  }
0x41: {  	_ =	shalt  }
0x42: {  	_ =	shalt  }
0x43: {  	_ =	shalt  }
0x44: {  	_ =	shalt  }
0x45: {  	_ =	shalt  }
0x46: {  	_ =	shalt  }
0x47: {  	_ =	shalt  }
0x48: {  	_ =	shalt  }
0x49: {  	_ =	shalt  }
0x4a: {  	_ =	shalt  }
0x4b: {  	_ =	shalt  }
0x4c: {  	_ =	shalt  }
0x4d: {  	_ =	shalt  }
0x4e: {  	_ =	shalt  }
0x4f: {  	_ =	shalt  }
0x50: {  	_ =	shalt  }
0x51: {  	_ =	shalt  }
0x52: {  	_ =	shalt  }
0x53: {  	_ =	shalt  }
0x54: {  	_ =	shalt  }
0x55: {  	_ =	shalt  }
0x56: {  	_ =	shalt  }
0x57: {  	_ =	shalt  }
0x58: {  	_ =	shalt  }
0x59: {  	_ =	shalt  }
0x5a: {  	_ =	shalt  }
0x5b: {  	_ =	shalt  }
0x5c: {  	_ =	shalt  }
0x5d: {  	_ =	shalt  }
0x5e: {  	_ =	shalt  }
0x5f: {  	_ =	shalt  }
0x60: {  	_ =	shalt  }
0x61: {  	_ =	shalt  }
0x62: {  	_ =	shalt  }
0x63: {  	_ =	shalt  }
0x64: {  	_ =	shalt  }
0x65: {  	_ =	shalt  }
0x66: {  	_ =	shalt  }
0x67: {  	_ =	shalt  }
0x68: {  	_ =	shalt  }
0x69: {  	_ =	shalt  }
0x6a: {  	_ =	shalt  }
0x6b: {  	_ =	shalt  }
0x6c: {  	_ =	shalt  }
0x6d: {  	_ =	shalt  }
0x6e: {  	_ =	shalt  }
0x6f: {  	_ =	shalt  }
0x70: {  	_ =	shalt  }
0x71: {  	_ =	shalt  }
0x72: {  	_ =	shalt  }
0x73: {  	_ =	shalt  }
0x74: {  	_ =	shalt  }
0x75: {  	_ =	shalt  }
0x76: {  	_ =	shalt  }
0x77: {  	_ =	shalt  }
0x78: {  	_ =	shalt  }
0x79: {  	_ =	shalt  }
0x7a: {  	_ =	shalt  }
0x7b: {  	_ =	shalt  }
0x7c: {  	_ =	shalt  }
0x7d: {  	_ =	shalt  }
0x7e: {  	_ =	shalt  }
0x7f: {  	_ =	shalt  }
0x80: {  	_ =	shalt  }
0x81: {  	_ =	shalt  }
0x82: {  	_ =	shalt  }
0x83: {  	_ =	shalt  }
0x84: {  	_ =	shalt  }
0x85: {  	_ =	shalt  }
0x86: {  	_ =	shalt  }
0x87: {  	_ =	shalt  }
.Lfunc_end0:
.L_simem_size_0:
called_computation_lowered:
.L_overlay_start_0:
0x88: {  	s2 =	sld [smem:$0x3FD9]  }
0x89: {  	s3 =	sld [smem:$0x3FFE];
	_ =	sdelay $0x1  }
0x8a: {  	s1 =	srdreg.scid  }
0x8b: {  	s0 =	sand.u32 $0x1, s1  }
0x8c: {  	s16 =	sshll.u32 s0, $0xA;
	s2 =	sadd.s32 s3, s2  }
0x8d: {  	s2 =	sadd.s32 s2, s16  }
0x8e: {  	[smem:$0x3FC2] =	sst s2  }
0x8f: {  	_ = 	snop  }
0x90: {  	(tm) =	ssettm $0x1  }
0x91: {  	s17 =	sld [smem:$0x3FFB];
	_ =	sdelay $0x3  }
0x92: {  	_ =	strace s17  }
0x93: {  	s2 =	sld [smem:$0x3FFC];
	_ =	sdelay $0x3  }
0x94: {  	_ =	strace s2  }
0x95: {  	s2 =	sld [smem:$0x3FFD];
	_ =	sdelay $0x3  }
0x96: {  	_ =	strace s2  }
0x97: {  	_ =	strace $0x8FFFFFFF  }
0x98: {  	s18 =	sld [smem:$0x3FDB];
	_ =	sdelay $0x1  }
0x99: {  	s19 =	simm.s32 $_scs_section_size  }
0x9a: {  	s4 =	simm.s32 $_size__tile_overlayer_lowered;
	s5 =	simm.s32 $_tile_overlayer_lowered  }
0x9b: {  	s22 =	simm.s32 $0x1BFF;
	s21 =	sshll.u32 s5, $0x1;
	s2 =	sadd.s32 s19, s18  }
0x9c: {  	s6 =	simm.s32 $0x0;
	s20 =	sshll.u32 s4, $0x1;
	s4 =	sadd.s32 s21, s2  }
0x9d: {  	[timem:s6], [sflag:s22] =	dma.local [hbm:s4], s20  }
0x9e: {  	_ =	swait.ge [sflag:s22], s20  }
0x9f: {  	s3 =	ssub.s32 $0x0, s20;
	[sflag:s22] =	ssyncset.done $0x0  }
0xa0: {  	[sflag:s22] =	ssyncadd.s32 s3;
	_ =	sdelay $0x1  }
0xa1: {  	s23 =	simm.s32 $0x1B8B  }
0xa2: {  	_ =	swait.ge [sflag:s23], $0x1  }
0xa3: {  	[sflag:s23] =	ssyncset.done $0x0  }
0xa4: {  	s25 =	simm.s32 $0x1B8E;
	s24 =	sld [smem:$0x3FFE];
	[sflag:s23] =	ssyncadd.s32 $0xFFFFFFFF  }
0xa5: {  	s26 =	simm.s32 $execute0_lowered;
	[smem:$0x3FD2] =	sst s25  }
0xa6: {  	s4 =	sshll.u32 s26, $0x1;
	_ =	strace $0x80000046;
	[dreg:$0x1] =	wrdreg $0xFFFFFFFF  }
0xa7: {  	s28 =	simm.s32 $_size_execute0_lowered;
	s2 =	sadd.s32 s2, s4;
	[dreg:$0x0] =	wrdreg $0x0  }
0xa8: {  	s4 =	sshll.u32 s28, $0x1;
	[dreg:$0x2] =	wrdreg s2  }
0xa9: {  	[dreg:$0x3] =	wrdreg s4  }
0xaa: {  	[dreg:$0x4] =	wrdreg $0xC0  }
0xab: {  	_ =	task [dreg:s6], $0x5FFFF  }
0xac: {  	[dreg:$0x1] =	wrdreg $0xFFFFFFFF  }
0xad: {  	[dreg:$0x0] =	wrdreg $0x60  }
0xae: {  	[dreg:$0x2] =	wrdreg s24  }
0xaf: {  	[dreg:$0x3] =	wrdreg $0x60000  }
0xb0: {  	[dreg:$0x4] =	wrdreg $0x9  }
0xb1: {  	_ =	task.clear_ibuf [dreg:s6], $0x5FFFF;
	_ =	strace $0x90000046  }
0xb2: {  	s29 =	simm.s32 $0x9;
	_ =	strace $0x80000048  }
0xb3: {  	_ =	swait.ge [sflag:s29], $0x1  }
0xb4: {  	[sflag:s29] =	ssyncadd.s32 $0xFFFFFFFF  }
0xb5: {  	_ =	strace $0x90000048  }
0xb6: {  	_ =	sfence  }
0xb7: {  	s30 =	sld [smem:$0x0];
	_ =	sdelay $0x2  }
0xb8: {  	s31 =	sshll.u32 s1, $0xD;
	s1 =	sshrl.u32 s1, $0x2  }
0xb9: {  	s3 =	sand.u32 $0x4000, s31;
	s1 =	sadd.s32 s1, s30  }
0xba: {  	s0 =	sor.u32 s3, s0;
	s1 =	sshll.u32 s1, $0x11  }
0xbb: {  	s0 =	sor.u32 s1, s0  }
0xbc: {  	s0 =	sadd.s32 $0x8F2B, s0  }
0xbd: {  	[sflag:s0] =	ssyncadd.remote.s32 $0x1  }
0xbe: {  	_ =	sfence.sel $0xFFFF  }
0xbf: {  	[dreg:$0x0] =	wrdreg $0xFFFFFFFF;
	(pc) =	sbr.abs _section_cstart, $3  }
0xc0: {  	[dreg:$0x1] =	wrdreg $0xFFFFFFFF  }
0xc1: {  	_ =	task.clear_ibuf [dreg:s6], $0x2FFFF;
	_ =	strace $0x9FFFFFFF  }
0xc2: {  	(tm) =	ssettm $0x7FFFFFFF  }
0xc3: {  	_ =	shalt  }
tec
execute0_lowered:
.L_overlay_start_1:
0x0: {  	(tag) =	ssettag $0x1  }
0x1: {  	s0 =	rddreg [dreg:$0x0]  }
0x2: {  	s1 =	rddreg [dreg:$0x1];
	s3 =	simm.s32 $0x0  }
0x3: {  	s2 =	srdreg.scid;
	s7 =	stileid.u32;
	s10 =	simm.s32 $0x2000  }
0x4: {  	s14 =	simm.s32 $0x80;
	s15 =	simm.s32 $0x2800;
	s16 =	simm.s32 $0x3000  }
0x5: {  	s17 =	simm.s32 $0x3800;
	s18 =	simm.s32 $0x4000;
	s19 =	simm.s32 $0x4800  }
0x6: {  	s20 =	simm.s32 $0x5000;
	s21 =	simm.s32 $0x5800;
	s22 =	simm.s32 $0x2  }
0x7: {  	s23 =	simm.s32 $0xA;
	s28 =	simm.s32 $0x4;
	s29 =	simm.s32 $0xC  }
0x8: {  	s30 =	simm.s32 $0x5;
	s31 =	simm.s32 $0xD;
	s12 =	simm.s32 $0x11  }
0x9: {  	[smem:$0x7FF] =	sst s3;
	s2 =	sand.u32 $0x1, s2;
	s5 =	smul.u32 $0x18800, s7  }
0xa: {  	s4 =	sadd.s32 $0x187600, s0;
	s11 =	sadd.s32 $0xC00, s0;
	s24 =	smul.u32 $0x188000, s2  }
0xb: {  	_ =	strace $0x80000047;
	s6 =	sshll.u32 s2, $0x4;
	s2 =	ssub.s32 $0x2, s2  }
0xc: {  	[dreg:$0x4] =	wrdreg s11;
	s6 =	sor.u32 s7, s6;
	s7 =	smul.u32 $0x62000, s7  }
0xd: {  	s9 =	sshrl.u32 s2, $0x1;
	s26 =	sadd.s32 s5, s1;
	s8 =	smul.u32 $0x3100, s6  }
0xe: {  	s3 =	sadd.s32 s5, s24;
	s6 =	smul.u32 $0x18800, s6;
	s2 =	ssub.s32 s2, s9  }
0xf: {  	s24 =	simm.s32 $0x3;
	s9 =	simm.s32 $0x10;
	s3 =	sshrl.u32 s3, $0x3  }
0x10: {  	s7 =	sshrl.u32 s7, $0x2;
	s2 =	smax.u32 s2, $0x1;
	s0 =	sadd.s32 s3, s0  }
0x11: {  	s13 =	sadd.s32 s7, s1;
	s25 =	sadd.s32 s11, s8;
	[dreg:$0x3] =	wrdreg s6  }
0x12: {  	[dreg:$0x8] =	wrdreg s2;
	s3 =	simm.s32 $0xE;
	s2 =	simm.s32 $0x7  }
0x13: {  	s7 =	simm.s32 $0xF;
	s8 =	simm.s32 $0x8;
	[dreg:$0x6] =	wrdreg s25  }
0x14: {  	s6 =	simm.s32 $0x0;
	s0 =	sadd.s32 $0xC4C00, s0;
	[dreg:$0x5] =	wrdreg s13  }
0x15: {  	s25 =	simm.s32 $0x9;
	[dreg:$0x7] =	wrdreg s0;
	s0 =	sshrl.u32 s26, $0x3  }
0x16: {  	v0 =	vimm.f32 $0.0e+00;
	s26 =	simm.s32 $0xB;
	[dreg:$0x9] =	wrdreg s0;
	s0 =	simm.s32 $0x6  }
.LBB2_1:
0x17: {  	[dreg:$0xa] =	wrdreg s6;
	s5 =	simm.s32 $0x0  }
.LBB2_2:
0x18: {  	p0 =	sne.s32 s5, $0x1FC0  }
.Ltmp0:
0x19: {  	_ = 	snop;
	(pc) =	sbr.rel @p0 .LBB2_2-.Ltmp0, $3  }
0x1a: {  	_ =	sdelay $0x1  }
0x1b: {  	s6 =	sshra.s32 s5, $0x2  }
0x1c: {  	s5 =	sadd.s32 $0x40, s5;
	[tilespmem:s6+$0x2000] =	vst v0  }
0x1d: {  	s5 =	sadd.s32 $0x0, s13;
	s11 =	simm.s32 $0x12  }
0x1e: {  	[spmem:s5] =	stream.linear.scatter [tilespmem:s10], [sflag:$0x12], $0x800, $0x38;
	[tilespmem:$0x1E800] =	vst v63  }
0x1f: {  	s5 =	simm.s32 $0x2000;
	_ =	swait.ge [sflag:s11], $0x800  }
.LBB2_4:
0x20: {  	s6 =	sshra.s32 s5, $0x2;
	[sflag:s11] =	ssyncset.done $0x0;
	p0 =	sne.s32 s5, $0x60000  }
.Ltmp1:
0x21: {  	s6 =	sadd.s32 s6, s13;
	[sflag:s11] =	ssyncadd.s32 $0xFFFFF800;
	(pc) =	sbr.rel @p0 .LBB2_4-.Ltmp1, $3  }
0x22: {  	[spmem:s6] =	stream.linear.scatter [tilespmem:s10], [sflag:$0x12], $0x800, $0x38;
	[tilespmem:$0x1E800] =	vst v63  }
0x23: {  	s5 =	sadd.s32 $0x2000, s5;
	_ =	sdelay $0x1  }
0x24: {  	_ =	swait.ge [sflag:s11], $0x800  }
0x25: {  	[sflag:s11] =	ssyncset.done $0x0  }
0x26: {  	[sflag:s11] =	ssyncadd.s32 $0xFFFFF800  }
0x27: {  	s5 =	simm.s32 $0x0;
	[bflag:$0x0] =	sbarrier.arrive $0xFFFF  }
0x28: {  	s13 =	simm.s32 $0x310000;
	s11 =	simm.s32 $0x800;
	s6 =	rddreg [dreg:$0x6]  }
0x29: {  	[tilespmem:s5], [sflag:$0x1] =	stream.strided.gather [hbm4b:s6+s11], $0x1000, s13, s11, $0x38;
	[tilespmem:$0x1E800] =	vst v63  }
0x2a: {  	s6 =	simm.s32 $0x1  }
0x2b: {  	_ =	swait.ge [sflag:s6], $0x1000;
	s13 =	smin.u32 s6, $0x30  }
0x2c: {  	s11 =	rddreg [dreg:$0x3];
	s5 =	sshll.u32 s13, $0xB  }
0x2d: {  	s13 =	sadd.s32 s11, s5;
	s11 =	simm.s32 $0x0  }
0x2e: {  	s5 =	sand.u32 $0x1, s11  }
0x2f: {  	[sflag:s6] =	ssyncset.done $0x0;
	s11 =	rddreg [dreg:$0x4];
	s5 =	sshll.u32 s5, $0xC  }
0x30: {  	s13 =	sshrl.u32 s13, $0x3;
	[dreg:$0xc] =	wrdreg s5;
	s5 =	sxor.u32 $0x1000, s5  }
0x31: {  	[sflag:s6] =	ssyncadd.s32 $0xFFFFF000;
	s6 =	sadd.s32 s11, s13;
	[dreg:$0xb] =	wrdreg s5  }
0x32: {  	s13 =	simm.s32 $0x800;
	s5 =	simm.s32 $0x310000;
	s11 =	rddreg [dreg:$0xb]  }
0x33: {  	[tilespmem:s11], [sflag:$0x1] =	stream.strided.gather [hbm4b:s6+s13], $0x1000, s5, s13, $0x38;
	[tilespmem:$0x1E800] =	vst v63  }
0x34: {  	s5 =	rddreg [dreg:$0xc]  }
0x35: {  	s13 =	sor.u32 $0x800, s5  }
0x36: {  	[tilespmem:s10], [sflag:$0x2] =	stream.indirect.gather [hbm4b:s4+s14], $0x10, s13, s14, $0xb8;
	[tilespmem:$0x1E800] =	vst v63  }
0x37: {  	s11 =	sor.u32 $0x880, s5  }
0x38: {  	[tilespmem:s15], [sflag:$0x3] =	stream.indirect.gather [hbm4b:s4+s14], $0x10, s11, s14, $0xb8;
	[tilespmem:$0x1E800] =	vst v63  }
0x39: {  	s13 =	sor.u32 $0x900, s5  }
0x3a: {  	[tilespmem:s16], [sflag:$0x4] =	stream.indirect.gather [hbm4b:s4+s14], $0x10, s13, s14, $0xb8;
	[tilespmem:$0x1E800] =	vst v63  }
0x3b: {  	s11 =	sor.u32 $0x980, s5  }
0x3c: {  	[tilespmem:s17], [sflag:$0x5] =	stream.indirect.gather [hbm4b:s4+s14], $0x10, s11, s14, $0xb8;
	[tilespmem:$0x1E800] =	vst v63  }
0x3d: {  	s13 =	sor.u32 $0xA00, s5  }
0x3e: {  	[tilespmem:s18], [sflag:$0x6] =	stream.indirect.gather [hbm4b:s4+s14], $0x10, s13, s14, $0xb8;
	[tilespmem:$0x1E800] =	vst v63  }
0x3f: {  	s11 =	sor.u32 $0xA80, s5  }
0x40: {  	[tilespmem:s19], [sflag:$0x7] =	stream.indirect.gather [hbm4b:s4+s14], $0x10, s11, s14, $0xb8;
	[tilespmem:$0x1E800] =	vst v63  }
0x41: {  	s13 =	sor.u32 $0xB00, s5  }
0x42: {  	[tilespmem:s20], [sflag:$0x8] =	stream.indirect.gather [hbm4b:s4+s14], $0x10, s13, s14, $0xb8;
	[tilespmem:$0x1E800] =	vst v63  }
0x43: {  	s11 =	sor.u32 $0xB80, s5  }
0x44: {  	[tilespmem:s21], [sflag:$0x9] =	stream.indirect.gather [hbm4b:s4+s14], $0x10, s11, s14, $0xb8;
	[tilespmem:$0x1E800] =	vst v63  }
0x45: {  	_ =	swait.ge [sflag:s22], $0x800  }
0x46: {  	[sflag:s22] =	ssyncset.done $0x0  }
0x47: {  	[sflag:s22] =	ssyncadd.s32 $0xFFFFF800  }
0x48: {  	[spmem:s1] =	stream.indirect.scatter.add.f32 [tilespmem:s10], [sflag:$0xA], $0x10, s5, s14, $0xb8;
	[tilespmem:$0x1E800] =	vst v63  }
0x49: {  	_ =	swait.ge [sflag:s23], $0x800  }
0x4a: {  	[sflag:s23] =	ssyncset.done $0x0  }
0x4b: {  	s13 =	sor.u32 $0xC00, s5;
	[sflag:s23] =	ssyncadd.s32 $0xFFFFF800  }
0x4c: {  	[tilespmem:s10], [sflag:$0x2] =	stream.indirect.gather [hbm4b:s4+s14], $0x10, s13, s14, $0xb8;
	[tilespmem:$0x1E800] =	vst v63  }
0x4d: {  	_ =	swait.ge [sflag:s24], $0x800  }
0x4e: {  	[sflag:s24] =	ssyncset.done $0x0  }
0x4f: {  	s11 =	sor.u32 $0x80, s5;
	[sflag:s24] =	ssyncadd.s32 $0xFFFFF800  }
0x50: {  	[spmem:s1] =	stream.indirect.scatter.add.f32 [tilespmem:s15], [sflag:$0xB], $0x10, s11, s14, $0xb8;
	[tilespmem:$0x1E800] =	vst v63  }
0x51: {  	_ =	swait.ge [sflag:s26], $0x800  }
0x52: {  	[sflag:s26] =	ssyncset.done $0x0  }
0x53: {  	s13 =	sor.u32 $0xC80, s5;
	[sflag:s26] =	ssyncadd.s32 $0xFFFFF800  }
0x54: {  	[tilespmem:s15], [sflag:$0x3] =	stream.indirect.gather [hbm4b:s4+s14], $0x10, s13, s14, $0xb8;
	[tilespmem:$0x1E800] =	vst v63  }
0x55: {  	_ =	swait.ge [sflag:s28], $0x800  }
0x56: {  	[sflag:s28] =	ssyncset.done $0x0  }
0x57: {  	s11 =	sor.u32 $0x100, s5;
	[sflag:s28] =	ssyncadd.s32 $0xFFFFF800  }
0x58: {  	[spmem:s1] =	stream.indirect.scatter.add.f32 [tilespmem:s16], [sflag:$0xC], $0x10, s11, s14, $0xb8;
	[tilespmem:$0x1E800] =	vst v63  }
0x59: {  	_ =	swait.ge [sflag:s29], $0x800  }
0x5a: {  	[sflag:s29] =	ssyncset.done $0x0  }
0x5b: {  	s13 =	sor.u32 $0xD00, s5;
	[sflag:s29] =	ssyncadd.s32 $0xFFFFF800  }
0x5c: {  	[tilespmem:s16], [sflag:$0x4] =	stream.indirect.gather [hbm4b:s4+s14], $0x10, s13, s14, $0xb8;
	[tilespmem:$0x1E800] =	vst v63  }
0x5d: {  	_ =	swait.ge [sflag:s30], $0x800  }
0x5e: {  	[sflag:s30] =	ssyncset.done $0x0  }
0x5f: {  	s11 =	sor.u32 $0x180, s5;
	[sflag:s30] =	ssyncadd.s32 $0xFFFFF800  }
0x60: {  	[spmem:s1] =	stream.indirect.scatter.add.f32 [tilespmem:s17], [sflag:$0xD], $0x10, s11, s14, $0xb8;
	[tilespmem:$0x1E800] =	vst v63  }
0x61: {  	_ =	swait.ge [sflag:s31], $0x800  }
0x62: {  	[sflag:s31] =	ssyncset.done $0x0  }
0x63: {  	s13 =	sor.u32 $0xD80, s5;
	[sflag:s31] =	ssyncadd.s32 $0xFFFFF800  }
0x64: {  	[tilespmem:s17], [sflag:$0x5] =	stream.indirect.gather [hbm4b:s4+s14], $0x10, s13, s14, $0xb8;
	[tilespmem:$0x1E800] =	vst v63  }
0x65: {  	_ =	swait.ge [sflag:s0], $0x800  }
0x66: {  	[sflag:s0] =	ssyncset.done $0x0  }
0x67: {  	s11 =	sor.u32 $0x200, s5;
	[sflag:s0] =	ssyncadd.s32 $0xFFFFF800  }
0x68: {  	[spmem:s1] =	stream.indirect.scatter.add.f32 [tilespmem:s18], [sflag:$0xE], $0x10, s11, s14, $0xb8;
	[tilespmem:$0x1E800] =	vst v63  }
0x69: {  	_ =	swait.ge [sflag:s3], $0x800  }
0x6a: {  	[sflag:s3] =	ssyncset.done $0x0  }
0x6b: {  	s13 =	sor.u32 $0xE00, s5;
	[sflag:s3] =	ssyncadd.s32 $0xFFFFF800  }
0x6c: {  	[tilespmem:s18], [sflag:$0x6] =	stream.indirect.gather [hbm4b:s4+s14], $0x10, s13, s14, $0xb8;
	[tilespmem:$0x1E800] =	vst v63  }
0x6d: {  	_ =	swait.ge [sflag:s2], $0x800  }
0x6e: {  	[sflag:s2] =	ssyncset.done $0x0  }
0x6f: {  	s11 =	sor.u32 $0x280, s5;
	[sflag:s2] =	ssyncadd.s32 $0xFFFFF800  }
0x70: {  	[spmem:s1] =	stream.indirect.scatter.add.f32 [tilespmem:s19], [sflag:$0xF], $0x10, s11, s14, $0xb8;
	[tilespmem:$0x1E800] =	vst v63  }
0x71: {  	_ =	swait.ge [sflag:s7], $0x800  }
0x72: {  	[sflag:s7] =	ssyncset.done $0x0  }
0x73: {  	s13 =	sor.u32 $0xE80, s5;
	[sflag:s7] =	ssyncadd.s32 $0xFFFFF800  }
0x74: {  	[tilespmem:s19], [sflag:$0x7] =	stream.indirect.gather [hbm4b:s4+s14], $0x10, s13, s14, $0xb8;
	[tilespmem:$0x1E800] =	vst v63  }
0x75: {  	_ =	swait.ge [sflag:s8], $0x800  }
0x76: {  	[sflag:s8] =	ssyncset.done $0x0  }
0x77: {  	s11 =	sor.u32 $0x300, s5;
	[sflag:s8] =	ssyncadd.s32 $0xFFFFF800  }
0x78: {  	[spmem:s1] =	stream.indirect.scatter.add.f32 [tilespmem:s20], [sflag:$0x10], $0x10, s11, s14, $0xb8;
	[tilespmem:$0x1E800] =	vst v63  }
0x79: {  	_ =	swait.ge [sflag:s9], $0x800  }
0x7a: {  	[sflag:s9] =	ssyncset.done $0x0  }
0x7b: {  	s13 =	sor.u32 $0xF00, s5;
	[sflag:s9] =	ssyncadd.s32 $0xFFFFF800  }
0x7c: {  	[tilespmem:s20], [sflag:$0x8] =	stream.indirect.gather [hbm4b:s4+s14], $0x10, s13, s14, $0xb8;
	[tilespmem:$0x1E800] =	vst v63  }
0x7d: {  	_ =	swait.ge [sflag:s25], $0x800  }
0x7e: {  	[sflag:s25] =	ssyncset.done $0x0  }
0x7f: {  	s11 =	sor.u32 $0x380, s5;
	[sflag:s25] =	ssyncadd.s32 $0xFFFFF800  }
0x80: {  	[spmem:s1] =	stream.indirect.scatter.add.f32 [tilespmem:s21], [sflag:$0x11], $0x10, s11, s14, $0xb8;
	[tilespmem:$0x1E800] =	vst v63  }
0x81: {  	_ =	swait.ge [sflag:s12], $0x800  }
0x82: {  	[sflag:s12] =	ssyncset.done $0x0  }
0x83: {  	s13 =	sor.u32 $0xF80, s5;
	[sflag:s12] =	ssyncadd.s32 $0xFFFFF800  }
0x84: {  	[tilespmem:s21], [sflag:$0x9] =	stream.indirect.gather [hbm4b:s4+s14], $0x10, s13, s14, $0xb8;
	[tilespmem:$0x1E800] =	vst v63  }
0x85: {  	_ =	swait.ge [sflag:s22], $0x800  }
0x86: {  	[sflag:s22] =	ssyncset.done $0x0  }
0x87: {  	s11 =	sor.u32 $0x400, s5;
	[sflag:s22] =	ssyncadd.s32 $0xFFFFF800  }
0x88: {  	[spmem:s1] =	stream.indirect.scatter.add.f32 [tilespmem:s10], [sflag:$0xA], $0x10, s11, s14, $0xb8;
	[tilespmem:$0x1E800] =	vst v63  }
0x89: {  	_ =	swait.ge [sflag:s23], $0x800  }
0x8a: {  	[sflag:s23] =	ssyncset.done $0x0  }
0x8b: {  	[sflag:s23] =	ssyncadd.s32 $0xFFFFF800  }
0x8c: {  	_ =	swait.ge [sflag:s24], $0x800  }
0x8d: {  	[sflag:s24] =	ssyncset.done $0x0  }
0x8e: {  	s13 =	sor.u32 $0x480, s5;
	[sflag:s24] =	ssyncadd.s32 $0xFFFFF800  }
0x8f: {  	[spmem:s1] =	stream.indirect.scatter.add.f32 [tilespmem:s15], [sflag:$0xB], $0x10, s13, s14, $0xb8;
	[tilespmem:$0x1E800] =	vst v63  }
0x90: {  	_ =	swait.ge [sflag:s26], $0x800  }
0x91: {  	[sflag:s26] =	ssyncset.done $0x0  }
0x92: {  	[sflag:s26] =	ssyncadd.s32 $0xFFFFF800  }
0x93: {  	_ =	swait.ge [sflag:s28], $0x800  }
0x94: {  	[sflag:s28] =	ssyncset.done $0x0  }
0x95: {  	s15 =	sor.u32 $0x500, s5;
	[sflag:s28] =	ssyncadd.s32 $0xFFFFF800  }
0x96: {  	[spmem:s1] =	stream.indirect.scatter.add.f32 [tilespmem:s16], [sflag:$0xC], $0x10, s15, s14, $0xb8;
	[tilespmem:$0x1E800] =	vst v63  }
0x97: {  	_ =	swait.ge [sflag:s29], $0x800  }
0x98: {  	[sflag:s29] =	ssyncset.done $0x0  }
0x99: {  	[sflag:s29] =	ssyncadd.s32 $0xFFFFF800  }
0x9a: {  	_ =	swait.ge [sflag:s30], $0x800  }
0x9b: {  	[sflag:s30] =	ssyncset.done $0x0  }
0x9c: {  	s11 =	sor.u32 $0x580, s5;
	[sflag:s30] =	ssyncadd.s32 $0xFFFFF800  }
0x9d: {  	[spmem:s1] =	stream.indirect.scatter.add.f32 [tilespmem:s17], [sflag:$0xD], $0x10, s11, s14, $0xb8;
	[tilespmem:$0x1E800] =	vst v63  }
0x9e: {  	_ =	swait.ge [sflag:s31], $0x800  }
0x9f: {  	[sflag:s31] =	ssyncset.done $0x0  }
0xa0: {  	[sflag:s31] =	ssyncadd.s32 $0xFFFFF800  }
0xa1: {  	_ =	swait.ge [sflag:s0], $0x800  }
0xa2: {  	[sflag:s0] =	ssyncset.done $0x0  }
0xa3: {  	s13 =	sor.u32 $0x600, s5;
	[sflag:s0] =	ssyncadd.s32 $0xFFFFF800  }
0xa4: {  	[spmem:s1] =	stream.indirect.scatter.add.f32 [tilespmem:s18], [sflag:$0xE], $0x10, s13, s14, $0xb8;
	[tilespmem:$0x1E800] =	vst v63  }
0xa5: {  	_ =	swait.ge [sflag:s3], $0x800  }
0xa6: {  	[sflag:s3] =	ssyncset.done $0x0  }
0xa7: {  	[sflag:s3] =	ssyncadd.s32 $0xFFFFF800  }
0xa8: {  	_ =	swait.ge [sflag:s2], $0x800  }
0xa9: {  	[sflag:s2] =	ssyncset.done $0x0  }
0xaa: {  	s15 =	sor.u32 $0x680, s5;
	[sflag:s2] =	ssyncadd.s32 $0xFFFFF800  }
0xab: {  	[spmem:s1] =	stream.indirect.scatter.add.f32 [tilespmem:s19], [sflag:$0xF], $0x10, s15, s14, $0xb8;
	[tilespmem:$0x1E800] =	vst v63  }
0xac: {  	_ =	swait.ge [sflag:s7], $0x800  }
0xad: {  	[sflag:s7] =	ssyncset.done $0x0  }
0xae: {  	[sflag:s7] =	ssyncadd.s32 $0xFFFFF800  }
0xaf: {  	_ =	swait.ge [sflag:s8], $0x800  }
0xb0: {  	[sflag:s8] =	ssyncset.done $0x0  }
0xb1: {  	s16 =	sor.u32 $0x700, s5;
	[sflag:s8] =	ssyncadd.s32 $0xFFFFF800  }
0xb2: {  	[spmem:s1] =	stream.indirect.scatter.add.f32 [tilespmem:s20], [sflag:$0x10], $0x10, s16, s14, $0xb8;
	[tilespmem:$0x1E800] =	vst v63  }
0xb3: {  	_ =	swait.ge [sflag:s9], $0x800  }
0xb4: {  	[sflag:s9] =	ssyncset.done $0x0  }
0xb5: {  	[sflag:s9] =	ssyncadd.s32 $0xFFFFF800  }
0xb6: {  	_ =	swait.ge [sflag:s25], $0x800  }
0xb7: {  	[sflag:s25] =	ssyncset.done $0x0  }
0xb8: {  	s5 =	sor.u32 $0x780, s5;
	[sflag:s25] =	ssyncadd.s32 $0xFFFFF800  }
0xb9: {  	[spmem:s1] =	stream.indirect.scatter.add.f32 [tilespmem:s21], [sflag:$0x11], $0x10, s5, s14, $0xb8;
	[tilespmem:$0x1E800] =	vst v63  }
0xba: {  	_ =	swait.ge [sflag:s12], $0x800  }
0xbb: {  	[sflag:s12] =	ssyncset.done $0x0  }
0xbc: {  	s17 =	simm.s32 $0x1;
	[sflag:s12] =	ssyncadd.s32 $0xFFFFF800  }
0xbd: {  	_ =	swait.ge [sflag:s17], $0x1000  }
0xbe: {  	s5 =	simm.s32 $0x2;
	[sflag:s17] =	ssyncset.done $0x0  }
.LBB2_6:
0xbf: {  	s11 =	smov.u32 s5  }
0xc0: {  	s15 =	simm.s32 $0x1;
	s13 =	smin.u32 s11, $0x30;
	s11 =	sadd.s32 $0xFFFFFFFF, s11  }
0xc1: {  	s6 =	rddreg [dreg:$0x3];
	s13 =	sshll.u32 s13, $0xB;
	s16 =	sand.u32 $0x1, s11  }
0xc2: {  	[sflag:s15] =	ssyncadd.s32 $0xFFFFF000;
	s13 =	sadd.s32 s6, s13;
	s6 =	sshll.u32 s16, $0xC  }
0xc3: {  	s16 =	rddreg [dreg:$0x4];
	s17 =	sshrl.u32 s13, $0x3;
	s13 =	sxor.u32 $0x1000, s6  }
0xc4: {  	s11 =	sadd.s32 s16, s17;
	s16 =	simm.s32 $0x800;
	s17 =	simm.s32 $0x310000  }
0xc5: {  	[tilespmem:s13], [sflag:$0x1] =	stream.strided.gather [hbm4b:s11+s16], $0x1000, s17, s16, $0x38;
	[tilespmem:$0x1E800] =	vst v63  }
0xc6: {  	s13 =	sor.u32 $0x800, s6  }
0xc7: {  	[tilespmem:s10], [sflag:$0x2] =	stream.indirect.gather [hbm4b:s4+s14], $0x10, s13, s14, $0xb8;
	[tilespmem:$0x1E800] =	vst v63  }
0xc8: {  	s15 =	simm.s32 $0x2800;
	s13 =	sor.u32 $0x880, s6  }
0xc9: {  	[tilespmem:s15], [sflag:$0x3] =	stream.indirect.gather [hbm4b:s4+s14], $0x10, s13, s14, $0xb8;
	[tilespmem:$0x1E800] =	vst v63  }
0xca: {  	s16 =	simm.s32 $0x3000;
	s13 =	sor.u32 $0x900, s6  }
0xcb: {  	[tilespmem:s16], [sflag:$0x4] =	stream.indirect.gather [hbm4b:s4+s14], $0x10, s13, s14, $0xb8;
	[tilespmem:$0x1E800] =	vst v63  }
0xcc: {  	s17 =	simm.s32 $0x3800;
	s13 =	sor.u32 $0x980, s6  }
0xcd: {  	[tilespmem:s17], [sflag:$0x5] =	stream.indirect.gather [hbm4b:s4+s14], $0x10, s13, s14, $0xb8;
	[tilespmem:$0x1E800] =	vst v63  }
0xce: {  	s13 =	sor.u32 $0xA00, s6  }
0xcf: {  	[tilespmem:s18], [sflag:$0x6] =	stream.indirect.gather [hbm4b:s4+s14], $0x10, s13, s14, $0xb8;
	[tilespmem:$0x1E800] =	vst v63  }
0xd0: {  	s13 =	sor.u32 $0xA80, s6  }
0xd1: {  	[tilespmem:s19], [sflag:$0x7] =	stream.indirect.gather [hbm4b:s4+s14], $0x10, s13, s14, $0xb8;
	[tilespmem:$0x1E800] =	vst v63  }
0xd2: {  	s13 =	sor.u32 $0xB00, s6  }
0xd3: {  	[tilespmem:s20], [sflag:$0x8] =	stream.indirect.gather [hbm4b:s4+s14], $0x10, s13, s14, $0xb8;
	[tilespmem:$0x1E800] =	vst v63  }
0xd4: {  	s13 =	sor.u32 $0xB80, s6  }
0xd5: {  	[tilespmem:s21], [sflag:$0x9] =	stream.indirect.gather [hbm4b:s4+s14], $0x10, s13, s14, $0xb8;
	[tilespmem:$0x1E800] =	vst v63  }
0xd6: {  	_ =	swait.ge [sflag:s22], $0x800  }
0xd7: {  	[sflag:s22] =	ssyncset.done $0x0  }
0xd8: {  	[sflag:s22] =	ssyncadd.s32 $0xFFFFF800  }
0xd9: {  	[spmem:s1] =	stream.indirect.scatter.add.f32 [tilespmem:s10], [sflag:$0xA], $0x10, s6, s14, $0xb8;
	[tilespmem:$0x1E800] =	vst v63  }
0xda: {  	_ =	swait.ge [sflag:s23], $0x800  }
0xdb: {  	[sflag:s23] =	ssyncset.done $0x0  }
0xdc: {  	s13 =	sor.u32 $0xC00, s6;
	[sflag:s23] =	ssyncadd.s32 $0xFFFFF800  }
0xdd: {  	[tilespmem:s10], [sflag:$0x2] =	stream.indirect.gather [hbm4b:s4+s14], $0x10, s13, s14, $0xb8;
	[tilespmem:$0x1E800] =	vst v63  }
0xde: {  	_ =	swait.ge [sflag:s24], $0x800  }
0xdf: {  	[sflag:s24] =	ssyncset.done $0x0  }
0xe0: {  	s13 =	sor.u32 $0x80, s6;
	[sflag:s24] =	ssyncadd.s32 $0xFFFFF800  }
0xe1: {  	[spmem:s1] =	stream.indirect.scatter.add.f32 [tilespmem:s15], [sflag:$0xB], $0x10, s13, s14, $0xb8;
	[tilespmem:$0x1E800] =	vst v63  }
0xe2: {  	_ =	swait.ge [sflag:s26], $0x800  }
0xe3: {  	[sflag:s26] =	ssyncset.done $0x0  }
0xe4: {  	s13 =	sor.u32 $0xC80, s6;
	[sflag:s26] =	ssyncadd.s32 $0xFFFFF800  }
0xe5: {  	[tilespmem:s15], [sflag:$0x3] =	stream.indirect.gather [hbm4b:s4+s14], $0x10, s13, s14, $0xb8;
	[tilespmem:$0x1E800] =	vst v63  }
0xe6: {  	_ =	swait.ge [sflag:s28], $0x800  }
0xe7: {  	[sflag:s28] =	ssyncset.done $0x0  }
0xe8: {  	s13 =	sor.u32 $0x100, s6;
	[sflag:s28] =	ssyncadd.s32 $0xFFFFF800  }
0xe9: {  	[spmem:s1] =	stream.indirect.scatter.add.f32 [tilespmem:s16], [sflag:$0xC], $0x10, s13, s14, $0xb8;
	[tilespmem:$0x1E800] =	vst v63  }
0xea: {  	_ =	swait.ge [sflag:s29], $0x800  }
0xeb: {  	[sflag:s29] =	ssyncset.done $0x0  }
0xec: {  	s13 =	sor.u32 $0xD00, s6;
	[sflag:s29] =	ssyncadd.s32 $0xFFFFF800  }
0xed: {  	[tilespmem:s16], [sflag:$0x4] =	stream.indirect.gather [hbm4b:s4+s14], $0x10, s13, s14, $0xb8;
	[tilespmem:$0x1E800] =	vst v63  }
0xee: {  	_ =	swait.ge [sflag:s30], $0x800  }
0xef: {  	[sflag:s30] =	ssyncset.done $0x0  }
0xf0: {  	s13 =	sor.u32 $0x180, s6;
	[sflag:s30] =	ssyncadd.s32 $0xFFFFF800  }
0xf1: {  	[spmem:s1] =	stream.indirect.scatter.add.f32 [tilespmem:s17], [sflag:$0xD], $0x10, s13, s14, $0xb8;
	[tilespmem:$0x1E800] =	vst v63  }
0xf2: {  	_ =	swait.ge [sflag:s31], $0x800  }
0xf3: {  	[sflag:s31] =	ssyncset.done $0x0  }
0xf4: {  	s13 =	sor.u32 $0xD80, s6;
	[sflag:s31] =	ssyncadd.s32 $0xFFFFF800  }
0xf5: {  	[tilespmem:s17], [sflag:$0x5] =	stream.indirect.gather [hbm4b:s4+s14], $0x10, s13, s14, $0xb8;
	[tilespmem:$0x1E800] =	vst v63  }
0xf6: {  	_ =	swait.ge [sflag:s0], $0x800  }
0xf7: {  	[sflag:s0] =	ssyncset.done $0x0  }
0xf8: {  	s13 =	sor.u32 $0x200, s6;
	[sflag:s0] =	ssyncadd.s32 $0xFFFFF800  }
0xf9: {  	[spmem:s1] =	stream.indirect.scatter.add.f32 [tilespmem:s18], [sflag:$0xE], $0x10, s13, s14, $0xb8;
	[tilespmem:$0x1E800] =	vst v63  }
0xfa: {  	_ =	swait.ge [sflag:s3], $0x800  }
0xfb: {  	[sflag:s3] =	ssyncset.done $0x0  }
0xfc: {  	s13 =	sor.u32 $0xE00, s6;
	[sflag:s3] =	ssyncadd.s32 $0xFFFFF800  }
0xfd: {  	[tilespmem:s18], [sflag:$0x6] =	stream.indirect.gather [hbm4b:s4+s14], $0x10, s13, s14, $0xb8;
	[tilespmem:$0x1E800] =	vst v63  }
0xfe: {  	_ =	swait.ge [sflag:s2], $0x800  }
0xff: {  	[sflag:s2] =	ssyncset.done $0x0  }
0x100: {  	s13 =	sor.u32 $0x280, s6;
	[sflag:s2] =	ssyncadd.s32 $0xFFFFF800  }
0x101: {  	[spmem:s1] =	stream.indirect.scatter.add.f32 [tilespmem:s19], [sflag:$0xF], $0x10, s13, s14, $0xb8;
	[tilespmem:$0x1E800] =	vst v63  }
0x102: {  	_ =	swait.ge [sflag:s7], $0x800  }
0x103: {  	[sflag:s7] =	ssyncset.done $0x0  }
0x104: {  	s13 =	sor.u32 $0xE80, s6;
	[sflag:s7] =	ssyncadd.s32 $0xFFFFF800  }
0x105: {  	[tilespmem:s19], [sflag:$0x7] =	stream.indirect.gather [hbm4b:s4+s14], $0x10, s13, s14, $0xb8;
	[tilespmem:$0x1E800] =	vst v63  }
0x106: {  	_ =	swait.ge [sflag:s8], $0x800  }
0x107: {  	[sflag:s8] =	ssyncset.done $0x0  }
0x108: {  	s13 =	sor.u32 $0x300, s6;
	[sflag:s8] =	ssyncadd.s32 $0xFFFFF800  }
0x109: {  	[spmem:s1] =	stream.indirect.scatter.add.f32 [tilespmem:s20], [sflag:$0x10], $0x10, s13, s14, $0xb8;
	[tilespmem:$0x1E800] =	vst v63  }
0x10a: {  	_ =	swait.ge [sflag:s9], $0x800  }
0x10b: {  	[sflag:s9] =	ssyncset.done $0x0  }
0x10c: {  	s13 =	sor.u32 $0xF00, s6;
	[sflag:s9] =	ssyncadd.s32 $0xFFFFF800  }
0x10d: {  	[tilespmem:s20], [sflag:$0x8] =	stream.indirect.gather [hbm4b:s4+s14], $0x10, s13, s14, $0xb8;
	[tilespmem:$0x1E800] =	vst v63  }
0x10e: {  	_ =	swait.ge [sflag:s25], $0x800  }
0x10f: {  	[sflag:s25] =	ssyncset.done $0x0  }
0x110: {  	s13 =	sor.u32 $0x380, s6;
	[sflag:s25] =	ssyncadd.s32 $0xFFFFF800  }
0x111: {  	[spmem:s1] =	stream.indirect.scatter.add.f32 [tilespmem:s21], [sflag:$0x11], $0x10, s13, s14, $0xb8;
	[tilespmem:$0x1E800] =	vst v63  }
0x112: {  	_ =	swait.ge [sflag:s12], $0x800  }
0x113: {  	[sflag:s12] =	ssyncset.done $0x0  }
0x114: {  	s13 =	sor.u32 $0xF80, s6;
	[sflag:s12] =	ssyncadd.s32 $0xFFFFF800  }
0x115: {  	[tilespmem:s21], [sflag:$0x9] =	stream.indirect.gather [hbm4b:s4+s14], $0x10, s13, s14, $0xb8;
	[tilespmem:$0x1E800] =	vst v63  }
0x116: {  	_ =	swait.ge [sflag:s22], $0x800  }
0x117: {  	[sflag:s22] =	ssyncset.done $0x0  }
0x118: {  	s13 =	sor.u32 $0x400, s6;
	[sflag:s22] =	ssyncadd.s32 $0xFFFFF800  }
0x119: {  	[spmem:s1] =	stream.indirect.scatter.add.f32 [tilespmem:s10], [sflag:$0xA], $0x10, s13, s14, $0xb8;
	[tilespmem:$0x1E800] =	vst v63  }
0x11a: {  	_ =	swait.ge [sflag:s23], $0x800  }
0x11b: {  	[sflag:s23] =	ssyncset.done $0x0  }
0x11c: {  	[sflag:s23] =	ssyncadd.s32 $0xFFFFF800  }
0x11d: {  	_ =	swait.ge [sflag:s24], $0x800  }
0x11e: {  	[sflag:s24] =	ssyncset.done $0x0  }
0x11f: {  	s13 =	sor.u32 $0x480, s6;
	[sflag:s24] =	ssyncadd.s32 $0xFFFFF800  }
0x120: {  	[spmem:s1] =	stream.indirect.scatter.add.f32 [tilespmem:s15], [sflag:$0xB], $0x10, s13, s14, $0xb8;
	[tilespmem:$0x1E800] =	vst v63  }
0x121: {  	_ =	swait.ge [sflag:s26], $0x800  }
0x122: {  	[sflag:s26] =	ssyncset.done $0x0  }
0x123: {  	[sflag:s26] =	ssyncadd.s32 $0xFFFFF800  }
0x124: {  	_ =	swait.ge [sflag:s28], $0x800  }
0x125: {  	[sflag:s28] =	ssyncset.done $0x0  }
0x126: {  	s13 =	sor.u32 $0x500, s6;
	[sflag:s28] =	ssyncadd.s32 $0xFFFFF800  }
0x127: {  	[spmem:s1] =	stream.indirect.scatter.add.f32 [tilespmem:s16], [sflag:$0xC], $0x10, s13, s14, $0xb8;
	[tilespmem:$0x1E800] =	vst v63  }
0x128: {  	_ =	swait.ge [sflag:s29], $0x800  }
0x129: {  	[sflag:s29] =	ssyncset.done $0x0  }
0x12a: {  	[sflag:s29] =	ssyncadd.s32 $0xFFFFF800  }
0x12b: {  	_ =	swait.ge [sflag:s30], $0x800  }
0x12c: {  	[sflag:s30] =	ssyncset.done $0x0  }
0x12d: {  	s13 =	sor.u32 $0x580, s6;
	[sflag:s30] =	ssyncadd.s32 $0xFFFFF800  }
0x12e: {  	[spmem:s1] =	stream.indirect.scatter.add.f32 [tilespmem:s17], [sflag:$0xD], $0x10, s13, s14, $0xb8;
	[tilespmem:$0x1E800] =	vst v63  }
0x12f: {  	_ =	swait.ge [sflag:s31], $0x800  }
0x130: {  	[sflag:s31] =	ssyncset.done $0x0  }
0x131: {  	[sflag:s31] =	ssyncadd.s32 $0xFFFFF800  }
0x132: {  	_ =	swait.ge [sflag:s0], $0x800  }
0x133: {  	[sflag:s0] =	ssyncset.done $0x0  }
0x134: {  	s13 =	sor.u32 $0x600, s6;
	[sflag:s0] =	ssyncadd.s32 $0xFFFFF800  }
0x135: {  	[spmem:s1] =	stream.indirect.scatter.add.f32 [tilespmem:s18], [sflag:$0xE], $0x10, s13, s14, $0xb8;
	[tilespmem:$0x1E800] =	vst v63  }
0x136: {  	_ =	swait.ge [sflag:s3], $0x800  }
0x137: {  	[sflag:s3] =	ssyncset.done $0x0  }
0x138: {  	[sflag:s3] =	ssyncadd.s32 $0xFFFFF800  }
0x139: {  	_ =	swait.ge [sflag:s2], $0x800  }
0x13a: {  	[sflag:s2] =	ssyncset.done $0x0  }
0x13b: {  	s13 =	sor.u32 $0x680, s6;
	[sflag:s2] =	ssyncadd.s32 $0xFFFFF800  }
0x13c: {  	[spmem:s1] =	stream.indirect.scatter.add.f32 [tilespmem:s19], [sflag:$0xF], $0x10, s13, s14, $0xb8;
	[tilespmem:$0x1E800] =	vst v63  }
0x13d: {  	_ =	swait.ge [sflag:s7], $0x800  }
0x13e: {  	[sflag:s7] =	ssyncset.done $0x0  }
0x13f: {  	[sflag:s7] =	ssyncadd.s32 $0xFFFFF800  }
0x140: {  	_ =	swait.ge [sflag:s8], $0x800  }
0x141: {  	[sflag:s8] =	ssyncset.done $0x0  }
0x142: {  	s13 =	sor.u32 $0x700, s6;
	[sflag:s8] =	ssyncadd.s32 $0xFFFFF800  }
0x143: {  	[spmem:s1] =	stream.indirect.scatter.add.f32 [tilespmem:s20], [sflag:$0x10], $0x10, s13, s14, $0xb8;
	[tilespmem:$0x1E800] =	vst v63  }
0x144: {  	_ =	swait.ge [sflag:s9], $0x800  }
0x145: {  	[sflag:s9] =	ssyncset.done $0x0  }
0x146: {  	[sflag:s9] =	ssyncadd.s32 $0xFFFFF800  }
0x147: {  	_ =	swait.ge [sflag:s25], $0x800  }
0x148: {  	[sflag:s25] =	ssyncset.done $0x0  }
0x149: {  	p0 =	sne.s32 s5, $0x31;
	s6 =	sor.u32 $0x780, s6;
	[sflag:s25] =	ssyncadd.s32 $0xFFFFF800  }
0x14a: {  	[spmem:s1] =	stream.indirect.scatter.add.f32 [tilespmem:s21], [sflag:$0x11], $0x10, s6, s14, $0xb8;
	[tilespmem:$0x1E800] =	vst v63  }
.Ltmp2:
0x14b: {  	_ =	swait.ge [sflag:s12], $0x800;
	(pc) =	sbr.rel @p0 .LBB2_6-.Ltmp2, $4  }
0x14c: {  	[sflag:s12] =	ssyncset.done $0x0  }
0x14d: {  	s6 =	simm.s32 $0x1;
	[sflag:s12] =	ssyncadd.s32 $0xFFFFF800  }
0x14e: {  	_ =	swait.ge [sflag:s6], $0x1000  }
0x14f: {  	s5 =	sadd.s32 $0x1, s5;
	[sflag:s6] =	ssyncset.done $0x0  }
0x150: {  	[sflag:s6] =	ssyncadd.s32 $0xFFFFF000  }
0x151: {  	s5 =	stileid.u32;
	[bflag:$0x0] =	sbarrier.arrive $0xFFFF  }
0x152: {  	s5 =	sshll.u32 s5, $0x6;
	s13 =	rddreg [dreg:$0x7]  }
0x153: {  	s5 =	sor.u32 $0x1C12, s5;
	s11 =	rddreg [dreg:$0x9]  }
0x154: {  	[hbm:s13], [sflag:s5] =	dma.local [spmem:s11], $0x3100  }
0x155: {  	s11 =	simm.s32 $0x12  }
0x156: {  	_ =	swait.ge [sflag:s11], $0x3100  }
0x157: {  	s13 =	rddreg [dreg:$0xa]  }
0x158: {  	[sflag:s11] =	ssyncset.done $0x0;
	s11 =	rddreg [dreg:$0x8];
	s6 =	sadd.s32 $0x1, s13  }
0x159: {  	p0 =	sne.s32 s6, s11  }
.Ltmp3:
0x15a: {  	_ = 	snop;
	(pc) =	sbr.rel @p0 .LBB2_1-.Ltmp3, $3  }
0x15b: {  	_ =	sdelay $0x1  }
0x15c: {  	s13 =	simm.s32 $0x12  }
0x15d: {  	[sflag:s13] =	ssyncadd.s32 $0xFFFFCF00;
	s13 =	rddreg [dreg:$0x5]  }
0x15e: {  	_ =	sfence.sel $0x180000  }
0x15f: {  	[bflag:$0x0] =	sbarrier.arrive $0xFFFF  }
0x160: {  	_ =	strace $0x90000047  }
0x161: {  	s0 =	stileid.u32;
	[bflag:$0x2] =	sbarrier.arrive $0xFFFF  }
0x162: {  	p0 =	sne.s32 s0, $0x0;
	s0 =	rddreg [dreg:$0x2]  }
0x163: {  	s0 =	sadd.s32 @!p0 $0x100000, s0  }
0x164: {  	[sflag:s0] =	ssyncadd.tile.s32 @!p0 $0x1;
	_ =	shalt  }
.Lfunc_end2:
_tile_overlayer_lowered:
.L_overlay_start_2:
0x165: {  	(tag) =	ssettag $0x2  }
0x166: {  	s0 =	rddreg [dreg:$0x0];
	s2 =	stileid.u32  }
0x167: {  	s1 =	rddreg [dreg:$0x1];
	p0 =	sne.s32 s2, $0x0  }
0x168: {  	s3 =	rddreg [dreg:$0x2];
	[bflag:$0x3] =	sbarrier.arrive $0xFFFF;
	s2 =	simm.s32 @!p0 $0x1C12  }
0x169: {  	[timem:s3], [sflag:s2] =	dma.local @!p0 [hbm:s0], s1  }
0x16a: {  	s0 =	simm.s32 @!p0 $0x12  }
0x16b: {  	_ =	swait.ge @!p0 [sflag:s0], s1  }
0x16c: {  	s1 =	ssub.s32 @!p0 $0x0, s1;
	[sflag:s0] =	ssyncset.done @!p0 $0x0  }
0x16d: {  	[sflag:s0] =	ssyncadd.s32 @!p0 s1  }
0x16e: {  	[bflag:$0x3] =	sbarrier.arrive $0xFFFF  }
0x16f: {  	_ =	shalt  }

</sc_bundles>
